<compile_context>
chip_gen: v7x
topology: tpu7x:2x2x1
jax: 0.10.2.dev20260603
libtpu: 0.0.44.dev20260713+nightly
codegen_flags: <defaults>
</compile_context>

<pallas_src>
import jax
import jax.numpy as jnp
from jax import lax
from jax.experimental import pallas as pl
from jax.experimental.pallas import tpu as pltpu
from jax.experimental.pallas import tpu_sc as plsc

_N_TOK = 16384
_N_SRC = 1024
_TAU = 1.0

_SC_ROWS = 2048
_TC_ROWS = _N_TOK - _SC_ROWS

_L = 16
_NC, _NS = 2, 16
_NW = _NC * _NS
_ROWS_W = _SC_ROWS // _NW
_CHUNK = 16
_NCHUNK = _ROWS_W // _CHUNK
_CVECS = _N_SRC // _L
_G = 16
_NBUF = 4

_RB = 2048
_NB = _TC_ROWS // _RB


def _softmax_body(ew_ref, lg_ref, w_ref):
    lg = lg_ref[...] * (1.0 / _TAU)
    m = jnp.max(lg, axis=1, keepdims=True)
    e = jnp.exp(lg - m)
    p = e / jnp.sum(e, axis=1, keepdims=True)
    w_ref[...] = p * ew_ref[...][None, :]


_softmax_w = pl.pallas_call(
    _softmax_body,
    out_shape=jax.ShapeDtypeStruct((2, _N_SRC), jnp.float32),
)


def _sc_body(src_hbm, w_hbm, outx_hbm, outy_hbm,
             w_v, buf, out_v, tr_v, sem0, sem1, sem2, sem3, sem_w):
    wid = lax.axis_index("c") * _NS + lax.axis_index("s")
    base = _TC_ROWS + wid * _ROWS_W
    lane = lax.iota(jnp.int32, _L)

    sems = (sem0, sem1, sem2, sem3)

    def issue(i, b):
        pltpu.async_copy(src_hbm.at[pl.ds(base + i * _CHUNK, _CHUNK)],
                         buf.at[b], sems[b])

    def wait(b):
        pltpu.make_async_copy(src_hbm.at[pl.ds(0, _CHUNK)],
                              buf.at[b], sems[b]).wait()

    for p in range(min(_NBUF, _NCHUNK)):
        issue(p, p)
    w_cp = pltpu.async_copy(w_hbm, w_v, sem_w)
    w_cp.wait()

    def col_of(col):
        return plsc.load_gather(tr_v, [lane, jnp.full((_L,), col, jnp.int32)])

    def group(b, g_row):
        def col_body(c, carry):
            a0, a1 = carry
            off = c * _L
            w0 = w_v[0, pl.ds(off, _L)]
            w1 = w_v[1, pl.ds(off, _L)]
            n0, n1 = [], []
            for j in range(_G):
                v = buf[b, g_row + j, pl.ds(off, _L)]
                n0.append(a0[j] + v * w0)
                n1.append(a1[j] + v * w1)
            return tuple(n0), tuple(n1)

        z = tuple(jnp.zeros((_L,), jnp.float32) for _ in range(_G))
        a0, a1 = lax.fori_loop(0, _CVECS, col_body, (z, z))
        outs = []
        for a in (a0, a1):
            for j in range(_G):
                tr_v[j, :] = a[j]
            t = col_of(0)
            for c in range(1, _L):
                t = t + col_of(c)
            outs.append(t)
        return outs[0], outs[1]

    for i in range(_NCHUNK):
        b = i % _NBUF
        wait(b)
        for g in range(_CHUNK // _G):
            o0, o1 = group(b, g * _G)
            loc = i * _CHUNK + g * _G
            out_v[0, pl.ds(loc, _G)] = o0
            out_v[1, pl.ds(loc, _G)] = o1
        if i + _NBUF < _NCHUNK:
            issue(i + _NBUF, b)

    pltpu.sync_copy(out_v.at[0], outx_hbm.at[pl.ds(wid * _ROWS_W, _ROWS_W)])
    pltpu.sync_copy(out_v.at[1], outy_hbm.at[pl.ds(wid * _ROWS_W, _ROWS_W)])


_sc_router = pl.kernel(
    _sc_body,
    out_type=(
        jax.ShapeDtypeStruct((_SC_ROWS,), jnp.float32),
        jax.ShapeDtypeStruct((_SC_ROWS,), jnp.float32),
    ),
    mesh=plsc.VectorSubcoreMesh(core_axis_name="c", subcore_axis_name="s"),
    compiler_params=pltpu.CompilerParams(needs_layout_passes=False),
    scratch_types=[
        pltpu.VMEM((2, _N_SRC), jnp.float32),
        pltpu.VMEM((_NBUF, _CHUNK, _N_SRC), jnp.float32),
        pltpu.VMEM((2, _ROWS_W), jnp.float32),
        pltpu.VMEM((_G, _L), jnp.float32),
        pltpu.SemaphoreType.DMA,
        pltpu.SemaphoreType.DMA,
        pltpu.SemaphoreType.DMA,
        pltpu.SemaphoreType.DMA,
        pltpu.SemaphoreType.DMA,
    ],
)


def _tc_body(w_ref, src_ref, ox_ref, oy_ref, wpad_ref):
    @pl.when(pl.program_id(0) == 0)
    def _():
        r = lax.broadcasted_iota(jnp.int32, (8, _N_SRC), 0)
        wpad_ref[...] = (jnp.where(r == 0, w_ref[0, :][None, :], 0.0)
                         + jnp.where(r == 1, w_ref[1, :][None, :], 0.0))

    res = lax.dot_general(wpad_ref[...], src_ref[...],
                          (((1,), (1,)), ((), ())),
                          preferred_element_type=jnp.float32)
    ox_ref[...] = res[0, :][None, None, :]
    oy_ref[...] = res[1, :][None, None, :]


_tc_matvec = pl.pallas_call(
    _tc_body,
    grid=(_NB,),
    in_specs=[
        pl.BlockSpec((2, _N_SRC), lambda i: (0, 0)),
        pl.BlockSpec((_RB, _N_SRC), lambda i: (i, 0)),
    ],
    out_specs=[
        pl.BlockSpec((1, 1, _RB), lambda i: (i, 0, 0)),
        pl.BlockSpec((1, 1, _RB), lambda i: (i, 0, 0)),
    ],
    out_shape=[
        jax.ShapeDtypeStruct((_N_TOK // _RB, 1, _RB), jnp.float32),
        jax.ShapeDtypeStruct((_N_TOK // _RB, 1, _RB), jnp.float32),
    ],
    scratch_shapes=[pltpu.VMEM((8, _N_SRC), jnp.float32)],
)


@jax.jit
def kernel(sources, edge_weights, route_logits):
    w = _softmax_w(edge_weights, route_logits)
    xs, ys = _sc_router(sources, w)
    xt, yt = _tc_matvec(w, sources)
    x = lax.dynamic_update_slice(xt.reshape(_N_TOK), xs, (_TC_ROWS,))
    y = lax.dynamic_update_slice(yt.reshape(_N_TOK), ys, (_TC_ROWS,))
    return (x, y)

# --- scband reference (transcript-rebuilt; emitter-appended) ---
"""Pipeline reference for scband-operation-node-36764920054222 (READ-ONLY COPY).

The authoritative reference and input builder live on the scoring server;
editing this copy changes nothing except your own understanding.
"""

import jax, jax.numpy as jnp
import numpy as np

N_SOURCES = 1024
N_TOKENS = 16384
MAX_ARITY = 2
TAU = 1.0


def setup_inputs(seed: int = 0) -> dict:
    key = jax.random.key(seed)
    k1, k2 = jax.random.split(key)
    sources = jax.random.normal(k1, (N_TOKENS, N_SOURCES), dtype=jnp.float32)
    # learned parameters of the router (AdaptiveArityRouter inside OperationNode)
    edge_weights = jnp.ones((N_SOURCES,), dtype=jnp.float32)
    route_logits = jax.random.normal(k2, (MAX_ARITY, N_SOURCES), dtype=jnp.float32) * 0.1
    return {"sources": sources, "edge_weights": edge_weights, "route_logits": route_logits}


def reference(sources, edge_weights, route_logits):
    # Faithful translation of AdaptiveArityRouter.forward_binary (soft path, hard=False),
    # the routing stage of OperationNode:
    #   weighted_sources = sources * edge_weights
    #   probs = softmax(route_logits / tau, dim=-1)
    #   selected = probs @ weighted_sources.T
    weighted_sources = sources * edge_weights
    probs = jax.nn.softmax(route_logits / TAU, axis=-1)
    selected = jnp.matmul(probs, weighted_sources.T)
    x = selected[0]
    y = selected[1]
    return (x, y)

if __name__ == "__main__":
    import jax
    _d = setup_inputs()
    print(jax.jit(kernel)(*tuple(_d.values())))

</pallas_src>

<mosaic_0001>
#map = affine_map<(d0, d1) -> (0, 0)>
#map1 = affine_map<(d0, d1) -> (0)>
module attributes {stable_mosaic.version = 14 : i64} {
  func.func @_sc_body(%arg0: i32, %arg1: i32, %arg2: memref<16384x1024xf32, #tpu.memory_space<hbm>>, %arg3: memref<2x1024xf32, #tpu.memory_space<hbm>>, %arg4: memref<2048xf32, #tpu.memory_space<hbm>>, %arg5: memref<2048xf32, #tpu.memory_space<hbm>>, %arg6: memref<2x1024xf32, #tpu.memory_space<vmem>>, %arg7: memref<4x16x1024xf32, #tpu.memory_space<vmem>>, %arg8: memref<2x64xf32, #tpu.memory_space<vmem>>, %arg9: memref<16x16xf32, #tpu.memory_space<vmem>>, %arg10: memref<!tpu.dma_semaphore, #tpu.memory_space<semaphore_mem>>, %arg11: memref<!tpu.dma_semaphore, #tpu.memory_space<semaphore_mem>>, %arg12: memref<!tpu.dma_semaphore, #tpu.memory_space<semaphore_mem>>, %arg13: memref<!tpu.dma_semaphore, #tpu.memory_space<semaphore_mem>>, %arg14: memref<!tpu.dma_semaphore, #tpu.memory_space<semaphore_mem>>) attributes {dimension_semantics = [#tpu.dimension_semantics<core_parallel>, #tpu.dimension_semantics<subcore_parallel>], iteration_bounds = array<i64: 2, 16>, scalar_prefetch = 0 : i64, scratch_operands = 9 : i64, tpu.core_type = #tpu.core_type<sc_vector_subcore>, window_params = [{transform_indices = #map}, {transform_indices = #map}, {transform_indices = #map1}, {transform_indices = #map1}]} {
    %mul3A = arith.constant 16 : i32
    %mul3A_0 = arith.muli %arg0, %mul3A : i32
    %add3A = arith.addi %mul3A_0, %arg1 : i32
    %mul3A_1 = arith.constant 64 : i32
    %mul3A_2 = arith.muli %add3A, %mul3A_1 : i32
    %add3A_3 = arith.constant 14336 : i32
    %add3A_4 = arith.addi %add3A_3, %mul3A_2 : i32
    %iota3A = tpu.iota {dimensions = array<i32: 0>} : vector<16xi32>
    %add3A_5 = arith.constant 0 : i32
    %add3A_6 = arith.addi %add3A_4, %add3A_5 : i32
    %dma_start3A = arith.constant 0 : i32
    %dma_start3A_7 = arith.constant 0 : i32
    %dma_start3A_8 = arith.constant 0 : i32
    %dma_start3A_9 = tpu.memref_slice %arg7[%dma_start3A, %dma_start3A_7, %dma_start3A_8] : memref<4x16x1024xf32, #tpu.memory_space<vmem>> -> memref<1x16x1024xf32, #tpu.memory_space<vmem>>
    %dma_start3A_10 = tpu.memref_squeeze %dma_start3A_9 : memref<1x16x1024xf32, #tpu.memory_space<vmem>> -> memref<16x1024xf32, #tpu.memory_space<vmem>>
    %dma_start3A_11 = arith.constant 0 : i32
    %dma_start3A_12 = tpu.memref_slice %arg2[%add3A_6, %dma_start3A_11] : memref<16384x1024xf32, #tpu.memory_space<hbm>> -> memref<16x1024xf32, #tpu.memory_space<hbm>>
    %dma_start3A_13 = arith.constant 0 : i32
    %dma_start3A_14 = arith.constant 0 : i32
    %dma_start3A_15 = tpu.memref_slice %arg7[%dma_start3A, %dma_start3A_13, %dma_start3A_14] : memref<4x16x1024xf32, #tpu.memory_space<vmem>> -> memref<1x16x1024xf32, #tpu.memory_space<vmem>>
    %dma_start3A_16 = tpu.memref_squeeze %dma_start3A_15 : memref<1x16x1024xf32, #tpu.memory_space<vmem>> -> memref<16x1024xf32, #tpu.memory_space<vmem>>
    %dma_start3A_17 = arith.constant 0 : i32
    %dma_start3A_18 = tpu.memref_slice %arg2[%add3A_6, %dma_start3A_17] : memref<16384x1024xf32, #tpu.memory_space<hbm>> -> memref<16x1024xf32, #tpu.memory_space<hbm>>
    tpu.enqueue_dma source(%dma_start3A_18 : memref<16x1024xf32, #tpu.memory_space<hbm>>) target(%dma_start3A_16 : memref<16x1024xf32, #tpu.memory_space<vmem>>) target_semaphore(%arg10 : memref<!tpu.dma_semaphore, #tpu.memory_space<semaphore_mem>>)
    %add3A_19 = arith.constant 16 : i32
    %add3A_20 = arith.addi %add3A_4, %add3A_19 : i32
    %dma_start3A_21 = arith.constant 1 : i32
    %dma_start3A_22 = arith.constant 0 : i32
    %dma_start3A_23 = arith.constant 0 : i32
    %dma_start3A_24 = tpu.memref_slice %arg7[%dma_start3A_21, %dma_start3A_22, %dma_start3A_23] : memref<4x16x1024xf32, #tpu.memory_space<vmem>> -> memref<1x16x1024xf32, #tpu.memory_space<vmem>>
    %dma_start3A_25 = tpu.memref_squeeze %dma_start3A_24 : memref<1x16x1024xf32, #tpu.memory_space<vmem>> -> memref<16x1024xf32, #tpu.memory_space<vmem>>
    %dma_start3A_26 = arith.constant 0 : i32
    %dma_start3A_27 = tpu.memref_slice %arg2[%add3A_20, %dma_start3A_26] : memref<16384x1024xf32, #tpu.memory_space<hbm>> -> memref<16x1024xf32, #tpu.memory_space<hbm>>
    %dma_start3A_28 = arith.constant 0 : i32
    %dma_start3A_29 = arith.constant 0 : i32
    %dma_start3A_30 = tpu.memref_slice %arg7[%dma_start3A_21, %dma_start3A_28, %dma_start3A_29] : memref<4x16x1024xf32, #tpu.memory_space<vmem>> -> memref<1x16x1024xf32, #tpu.memory_space<vmem>>
    %dma_start3A_31 = tpu.memref_squeeze %dma_start3A_30 : memref<1x16x1024xf32, #tpu.memory_space<vmem>> -> memref<16x1024xf32, #tpu.memory_space<vmem>>
    %dma_start3A_32 = arith.constant 0 : i32
    %dma_start3A_33 = tpu.memref_slice %arg2[%add3A_20, %dma_start3A_32] : memref<16384x1024xf32, #tpu.memory_space<hbm>> -> memref<16x1024xf32, #tpu.memory_space<hbm>>
    tpu.enqueue_dma source(%dma_start3A_33 : memref<16x1024xf32, #tpu.memory_space<hbm>>) target(%dma_start3A_31 : memref<16x1024xf32, #tpu.memory_space<vmem>>) target_semaphore(%arg11 : memref<!tpu.dma_semaphore, #tpu.memory_space<semaphore_mem>>)
    %add3A_34 = arith.constant 32 : i32
    %add3A_35 = arith.addi %add3A_4, %add3A_34 : i32
    %dma_start3A_36 = arith.constant 2 : i32
    %dma_start3A_37 = arith.constant 0 : i32
    %dma_start3A_38 = arith.constant 0 : i32
    %dma_start3A_39 = tpu.memref_slice %arg7[%dma_start3A_36, %dma_start3A_37, %dma_start3A_38] : memref<4x16x1024xf32, #tpu.memory_space<vmem>> -> memref<1x16x1024xf32, #tpu.memory_space<vmem>>
    %dma_start3A_40 = tpu.memref_squeeze %dma_start3A_39 : memref<1x16x1024xf32, #tpu.memory_space<vmem>> -> memref<16x1024xf32, #tpu.memory_space<vmem>>
    %dma_start3A_41 = arith.constant 0 : i32
    %dma_start3A_42 = tpu.memref_slice %arg2[%add3A_35, %dma_start3A_41] : memref<16384x1024xf32, #tpu.memory_space<hbm>> -> memref<16x1024xf32, #tpu.memory_space<hbm>>
    %dma_start3A_43 = arith.constant 0 : i32
    %dma_start3A_44 = arith.constant 0 : i32
    %dma_start3A_45 = tpu.memref_slice %arg7[%dma_start3A_36, %dma_start3A_43, %dma_start3A_44] : memref<4x16x1024xf32, #tpu.memory_space<vmem>> -> memref<1x16x1024xf32, #tpu.memory_space<vmem>>
    %dma_start3A_46 = tpu.memref_squeeze %dma_start3A_45 : memref<1x16x1024xf32, #tpu.memory_space<vmem>> -> memref<16x1024xf32, #tpu.memory_space<vmem>>
    %dma_start3A_47 = arith.constant 0 : i32
    %dma_start3A_48 = tpu.memref_slice %arg2[%add3A_35, %dma_start3A_47] : memref<16384x1024xf32, #tpu.memory_space<hbm>> -> memref<16x1024xf32, #tpu.memory_space<hbm>>
    tpu.enqueue_dma source(%dma_start3A_48 : memref<16x1024xf32, #tpu.memory_space<hbm>>) target(%dma_start3A_46 : memref<16x1024xf32, #tpu.memory_space<vmem>>) target_semaphore(%arg12 : memref<!tpu.dma_semaphore, #tpu.memory_space<semaphore_mem>>)
    %add3A_49 = arith.constant 48 : i32
    %add3A_50 = arith.addi %add3A_4, %add3A_49 : i32
    %dma_start3A_51 = arith.constant 3 : i32
    %dma_start3A_52 = arith.constant 0 : i32
    %dma_start3A_53 = arith.constant 0 : i32
    %dma_start3A_54 = tpu.memref_slice %arg7[%dma_start3A_51, %dma_start3A_52, %dma_start3A_53] : memref<4x16x1024xf32, #tpu.memory_space<vmem>> -> memref<1x16x1024xf32, #tpu.memory_space<vmem>>
    %dma_start3A_55 = tpu.memref_squeeze %dma_start3A_54 : memref<1x16x1024xf32, #tpu.memory_space<vmem>> -> memref<16x1024xf32, #tpu.memory_space<vmem>>
    %dma_start3A_56 = arith.constant 0 : i32
    %dma_start3A_57 = tpu.memref_slice %arg2[%add3A_50, %dma_start3A_56] : memref<16384x1024xf32, #tpu.memory_space<hbm>> -> memref<16x1024xf32, #tpu.memory_space<hbm>>
    %dma_start3A_58 = arith.constant 0 : i32
    %dma_start3A_59 = arith.constant 0 : i32
    %dma_start3A_60 = tpu.memref_slice %arg7[%dma_start3A_51, %dma_start3A_58, %dma_start3A_59] : memref<4x16x1024xf32, #tpu.memory_space<vmem>> -> memref<1x16x1024xf32, #tpu.memory_space<vmem>>
    %dma_start3A_61 = tpu.memref_squeeze %dma_start3A_60 : memref<1x16x1024xf32, #tpu.memory_space<vmem>> -> memref<16x1024xf32, #tpu.memory_space<vmem>>
    %dma_start3A_62 = arith.constant 0 : i32
    %dma_start3A_63 = tpu.memref_slice %arg2[%add3A_50, %dma_start3A_62] : memref<16384x1024xf32, #tpu.memory_space<hbm>> -> memref<16x1024xf32, #tpu.memory_space<hbm>>
    tpu.enqueue_dma source(%dma_start3A_63 : memref<16x1024xf32, #tpu.memory_space<hbm>>) target(%dma_start3A_61 : memref<16x1024xf32, #tpu.memory_space<vmem>>) target_semaphore(%arg13 : memref<!tpu.dma_semaphore, #tpu.memory_space<semaphore_mem>>)
    tpu.enqueue_dma source(%arg3 : memref<2x1024xf32, #tpu.memory_space<hbm>>) target(%arg6 : memref<2x1024xf32, #tpu.memory_space<vmem>>) target_semaphore(%arg14 : memref<!tpu.dma_semaphore, #tpu.memory_space<semaphore_mem>>)
    tpu.wait_dma2 semaphore(%arg14 : memref<!tpu.dma_semaphore, #tpu.memory_space<semaphore_mem>>) src(%arg3 : memref<2x1024xf32, #tpu.memory_space<hbm>>) dst(%arg6 : memref<2x1024xf32, #tpu.memory_space<vmem>>)
    %dma_wait3A = arith.constant 0 : i32
    %dma_wait3A_64 = arith.constant 0 : i32
    %dma_wait3A_65 = arith.constant 0 : i32
    %dma_wait3A_66 = tpu.memref_slice %arg7[%dma_wait3A, %dma_wait3A_64, %dma_wait3A_65] : memref<4x16x1024xf32, #tpu.memory_space<vmem>> -> memref<1x16x1024xf32, #tpu.memory_space<vmem>>
    %dma_wait3A_67 = tpu.memref_squeeze %dma_wait3A_66 : memref<1x16x1024xf32, #tpu.memory_space<vmem>> -> memref<16x1024xf32, #tpu.memory_space<vmem>>
    %dma_wait3A_68 = arith.constant 0 : i32
    %dma_wait3A_69 = arith.constant 0 : i32
    %dma_wait3A_70 = tpu.memref_slice %arg2[%dma_wait3A_68, %dma_wait3A_69] : memref<16384x1024xf32, #tpu.memory_space<hbm>> -> memref<16x1024xf32, #tpu.memory_space<hbm>>
    %dma_wait3A_71 = arith.constant 0 : i32
    %dma_wait3A_72 = arith.constant 0 : i32
    %dma_wait3A_73 = tpu.memref_slice %arg7[%dma_wait3A, %dma_wait3A_71, %dma_wait3A_72] : memref<4x16x1024xf32, #tpu.memory_space<vmem>> -> memref<1x16x1024xf32, #tpu.memory_space<vmem>>
    %dma_wait3A_74 = tpu.memref_squeeze %dma_wait3A_73 : memref<1x16x1024xf32, #tpu.memory_space<vmem>> -> memref<16x1024xf32, #tpu.memory_space<vmem>>
    %dma_wait3A_75 = arith.constant 0 : i32
    %dma_wait3A_76 = arith.constant 0 : i32
    %dma_wait3A_77 = tpu.memref_slice %arg2[%dma_wait3A_75, %dma_wait3A_76] : memref<16384x1024xf32, #tpu.memory_space<hbm>> -> memref<16x1024xf32, #tpu.memory_space<hbm>>
    tpu.wait_dma2 semaphore(%arg10 : memref<!tpu.dma_semaphore, #tpu.memory_space<semaphore_mem>>) src(%dma_wait3A_77 : memref<16x1024xf32, #tpu.memory_space<hbm>>) dst(%dma_wait3A_74 : memref<16x1024xf32, #tpu.memory_space<vmem>>)
    %broadcast_in_dim3A = arith.constant 0.000000e+00 : f32
    %broadcast_in_dim3A_78 = vector.broadcast %broadcast_in_dim3A : f32 to vector<16xf32>
    %broadcast_in_dim3A_79 = arith.constant 0.000000e+00 : f32
    %broadcast_in_dim3A_80 = vector.broadcast %broadcast_in_dim3A_79 : f32 to vector<16xf32>
    %broadcast_in_dim3A_81 = arith.constant 0.000000e+00 : f32
    %broadcast_in_dim3A_82 = vector.broadcast %broadcast_in_dim3A_81 : f32 to vector<16xf32>
    %broadcast_in_dim3A_83 = arith.constant 0.000000e+00 : f32
    %broadcast_in_dim3A_84 = vector.broadcast %broadcast_in_dim3A_83 : f32 to vector<16xf32>
    %broadcast_in_dim3A_85 = arith.constant 0.000000e+00 : f32
    %broadcast_in_dim3A_86 = vector.broadcast %broadcast_in_dim3A_85 : f32 to vector<16xf32>
    %broadcast_in_dim3A_87 = arith.constant 0.000000e+00 : f32
    %broadcast_in_dim3A_88 = vector.broadcast %broadcast_in_dim3A_87 : f32 to vector<16xf32>
    %broadcast_in_dim3A_89 = arith.constant 0.000000e+00 : f32
    %broadcast_in_dim3A_90 = vector.broadcast %broadcast_in_dim3A_89 : f32 to vector<16xf32>
    %broadcast_in_dim3A_91 = arith.constant 0.000000e+00 : f32
    %broadcast_in_dim3A_92 = vector.broadcast %broadcast_in_dim3A_91 : f32 to vector<16xf32>
    %broadcast_in_dim3A_93 = arith.constant 0.000000e+00 : f32
    %broadcast_in_dim3A_94 = vector.broadcast %broadcast_in_dim3A_93 : f32 to vector<16xf32>
    %broadcast_in_dim3A_95 = arith.constant 0.000000e+00 : f32
    %broadcast_in_dim3A_96 = vector.broadcast %broadcast_in_dim3A_95 : f32 to vector<16xf32>
    %broadcast_in_dim3A_97 = arith.constant 0.000000e+00 : f32
    %broadcast_in_dim3A_98 = vector.broadcast %broadcast_in_dim3A_97 : f32 to vector<16xf32>
    %broadcast_in_dim3A_99 = arith.constant 0.000000e+00 : f32
    %broadcast_in_dim3A_100 = vector.broadcast %broadcast_in_dim3A_99 : f32 to vector<16xf32>
    %broadcast_in_dim3A_101 = arith.constant 0.000000e+00 : f32
    %broadcast_in_dim3A_102 = vector.broadcast %broadcast_in_dim3A_101 : f32 to vector<16xf32>
    %broadcast_in_dim3A_103 = arith.constant 0.000000e+00 : f32
    %broadcast_in_dim3A_104 = vector.broadcast %broadcast_in_dim3A_103 : f32 to vector<16xf32>
    %broadcast_in_dim3A_105 = arith.constant 0.000000e+00 : f32
    %broadcast_in_dim3A_106 = vector.broadcast %broadcast_in_dim3A_105 : f32 to vector<16xf32>
    %broadcast_in_dim3A_107 = arith.constant 0.000000e+00 : f32
    %broadcast_in_dim3A_108 = vector.broadcast %broadcast_in_dim3A_107 : f32 to vector<16xf32>
    %scan3A = arith.constant 0 : i32
    %scan3A_109 = arith.constant 64 : i32
    %scan3A_110 = arith.addi %scan3A, %scan3A_109 : i32
    %scan3A_111 = arith.constant 1 : i32
    %scan3A_112:32 = scf.for %scan3A_1324 = %scan3A to %scan3A_110 step %scan3A_111 iter_args(%scan3A_1325 = %broadcast_in_dim3A_78, %scan3A_1326 = %broadcast_in_dim3A_80, %scan3A_1327 = %broadcast_in_dim3A_82, %scan3A_1328 = %broadcast_in_dim3A_84, %scan3A_1329 = %broadcast_in_dim3A_86, %scan3A_1330 = %broadcast_in_dim3A_88, %scan3A_1331 = %broadcast_in_dim3A_90, %scan3A_1332 = %broadcast_in_dim3A_92, %scan3A_1333 = %broadcast_in_dim3A_94, %scan3A_1334 = %broadcast_in_dim3A_96, %scan3A_1335 = %broadcast_in_dim3A_98, %scan3A_1336 = %broadcast_in_dim3A_100, %scan3A_1337 = %broadcast_in_dim3A_102, %scan3A_1338 = %broadcast_in_dim3A_104, %scan3A_1339 = %broadcast_in_dim3A_106, %scan3A_1340 = %broadcast_in_dim3A_108, %scan3A_1341 = %broadcast_in_dim3A_78, %scan3A_1342 = %broadcast_in_dim3A_80, %scan3A_1343 = %broadcast_in_dim3A_82, %scan3A_1344 = %broadcast_in_dim3A_84, %scan3A_1345 = %broadcast_in_dim3A_86, %scan3A_1346 = %broadcast_in_dim3A_88, %scan3A_1347 = %broadcast_in_dim3A_90, %scan3A_1348 = %broadcast_in_dim3A_92, %scan3A_1349 = %broadcast_in_dim3A_94, %scan3A_1350 = %broadcast_in_dim3A_96, %scan3A_1351 = %broadcast_in_dim3A_98, %scan3A_1352 = %broadcast_in_dim3A_100, %scan3A_1353 = %broadcast_in_dim3A_102, %scan3A_1354 = %broadcast_in_dim3A_104, %scan3A_1355 = %broadcast_in_dim3A_106, %scan3A_1356 = %broadcast_in_dim3A_108) -> (vector<16xf32>, vector<16xf32>, vector<16xf32>, vector<16xf32>, vector<16xf32>, vector<16xf32>, vector<16xf32>, vector<16xf32>, vector<16xf32>, vector<16xf32>, vector<16xf32>, vector<16xf32>, vector<16xf32>, vector<16xf32>, vector<16xf32>, vector<16xf32>, vector<16xf32>, vector<16xf32>, vector<16xf32>, vector<16xf32>, vector<16xf32>, vector<16xf32>, vector<16xf32>, vector<16xf32>, vector<16xf32>, vector<16xf32>, vector<16xf32>, vector<16xf32>, vector<16xf32>, vector<16xf32>, vector<16xf32>, vector<16xf32>)  : i32 {
      %mul3A_1357 = arith.constant 16 : i32
      %mul3A_1358 = arith.muli %scan3A_1324, %mul3A_1357 : i32
      %get3A = arith.constant 0 : i32
      %get3A_1359 = arith.index_cast %get3A : i32 to index
      %get3A_1360 = arith.index_cast %mul3A_1358 : i32 to index
      %get3A_1361 = tpu.vector_load %arg6[%get3A_1359, %get3A_1360] {strides = array<i32>} : memref<2x1024xf32, #tpu.memory_space<vmem>>, vector<16xf32>,
      %get3A_1362 = arith.constant 1 : i32
      %get3A_1363 = arith.index_cast %get3A_1362 : i32 to index
      %get3A_1364 = arith.index_cast %mul3A_1358 : i32 to index
      %get3A_1365 = tpu.vector_load %arg6[%get3A_1363, %get3A_1364] {strides = array<i32>} : memref<2x1024xf32, #tpu.memory_space<vmem>>, vector<16xf32>,
      %get3A_1366 = arith.constant 0 : i32
      %get3A_1367 = arith.constant 0 : i32
      %get3A_1368 = arith.index_cast %get3A_1366 : i32 to index
      %get3A_1369 = arith.index_cast %get3A_1367 : i32 to index
      %get3A_1370 = arith.index_cast %mul3A_1358 : i32 to index
      %get3A_1371 = tpu.vector_load %arg7[%get3A_1368, %get3A_1369, %get3A_1370] {strides = array<i32>} : memref<4x16x1024xf32, #tpu.memory_space<vmem>>, vector<16xf32>,
      %mul3A_1372 = arith.mulf %get3A_1371, %get3A_1361 : vector<16xf32>
      %add3A_1373 = arith.addf %scan3A_1325, %mul3A_1372 : vector<16xf32>
      %mul3A_1374 = arith.mulf %get3A_1371, %get3A_1365 : vector<16xf32>
      %add3A_1375 = arith.addf %scan3A_1341, %mul3A_1374 : vector<16xf32>
      %get3A_1376 = arith.constant 0 : i32
      %get3A_1377 = arith.constant 1 : i32
      %get3A_1378 = arith.index_cast %get3A_1376 : i32 to index
      %get3A_1379 = arith.index_cast %get3A_1377 : i32 to index
      %get3A_1380 = arith.index_cast %mul3A_1358 : i32 to index
      %get3A_1381 = tpu.vector_load %arg7[%get3A_1378, %get3A_1379, %get3A_1380] {strides = array<i32>} : memref<4x16x1024xf32, #tpu.memory_space<vmem>>, vector<16xf32>,
      %mul3A_1382 = arith.mulf %get3A_1381, %get3A_1361 : vector<16xf32>
      %add3A_1383 = arith.addf %scan3A_1326, %mul3A_1382 : vector<16xf32>
      %mul3A_1384 = arith.mulf %get3A_1381, %get3A_1365 : vector<16xf32>
      %add3A_1385 = arith.addf %scan3A_1342, %mul3A_1384 : vector<16xf32>
      %get3A_1386 = arith.constant 0 : i32
      %get3A_1387 = arith.constant 2 : i32
      %get3A_1388 = arith.index_cast %get3A_1386 : i32 to index
      %get3A_1389 = arith.index_cast %get3A_1387 : i32 to index
      %get3A_1390 = arith.index_cast %mul3A_1358 : i32 to index
      %get3A_1391 = tpu.vector_load %arg7[%get3A_1388, %get3A_1389, %get3A_1390] {strides = array<i32>} : memref<4x16x1024xf32, #tpu.memory_space<vmem>>, vector<16xf32>,
      %mul3A_1392 = arith.mulf %get3A_1391, %get3A_1361 : vector<16xf32>
      %add3A_1393 = arith.addf %scan3A_1327, %mul3A_1392 : vector<16xf32>
      %mul3A_1394 = arith.mulf %get3A_1391, %get3A_1365 : vector<16xf32>
      %add3A_1395 = arith.addf %scan3A_1343, %mul3A_1394 : vector<16xf32>
      %get3A_1396 = arith.constant 0 : i32
      %get3A_1397 = arith.constant 3 : i32
      %get3A_1398 = arith.index_cast %get3A_1396 : i32 to index
      %get3A_1399 = arith.index_cast %get3A_1397 : i32 to index
      %get3A_1400 = arith.index_cast %mul3A_1358 : i32 to index
      %get3A_1401 = tpu.vector_load %arg7[%get3A_1398, %get3A_1399, %get3A_1400] {strides = array<i32>} : memref<4x16x1024xf32, #tpu.memory_space<vmem>>, vector<16xf32>,
      %mul3A_1402 = arith.mulf %get3A_1401, %get3A_1361 : vector<16xf32>
      %add3A_1403 = arith.addf %scan3A_1328, %mul3A_1402 : vector<16xf32>
      %mul3A_1404 = arith.mulf %get3A_1401, %get3A_1365 : vector<16xf32>
      %add3A_1405 = arith.addf %scan3A_1344, %mul3A_1404 : vector<16xf32>
      %get3A_1406 = arith.constant 0 : i32
      %get3A_1407 = arith.constant 4 : i32
      %get3A_1408 = arith.index_cast %get3A_1406 : i32 to index
      %get3A_1409 = arith.index_cast %get3A_1407 : i32 to index
      %get3A_1410 = arith.index_cast %mul3A_1358 : i32 to index
      %get3A_1411 = tpu.vector_load %arg7[%get3A_1408, %get3A_1409, %get3A_1410] {strides = array<i32>} : memref<4x16x1024xf32, #tpu.memory_space<vmem>>, vector<16xf32>,
      %mul3A_1412 = arith.mulf %get3A_1411, %get3A_1361 : vector<16xf32>
      %add3A_1413 = arith.addf %scan3A_1329, %mul3A_1412 : vector<16xf32>
      %mul3A_1414 = arith.mulf %get3A_1411, %get3A_1365 : vector<16xf32>
      %add3A_1415 = arith.addf %scan3A_1345, %mul3A_1414 : vector<16xf32>
      %get3A_1416 = arith.constant 0 : i32
      %get3A_1417 = arith.constant 5 : i32
      %get3A_1418 = arith.index_cast %get3A_1416 : i32 to index
      %get3A_1419 = arith.index_cast %get3A_1417 : i32 to index
      %get3A_1420 = arith.index_cast %mul3A_1358 : i32 to index
      %get3A_1421 = tpu.vector_load %arg7[%get3A_1418, %get3A_1419, %get3A_1420] {strides = array<i32>} : memref<4x16x1024xf32, #tpu.memory_space<vmem>>, vector<16xf32>,
      %mul3A_1422 = arith.mulf %get3A_1421, %get3A_1361 : vector<16xf32>
      %add3A_1423 = arith.addf %scan3A_1330, %mul3A_1422 : vector<16xf32>
      %mul3A_1424 = arith.mulf %get3A_1421, %get3A_1365 : vector<16xf32>
      %add3A_1425 = arith.addf %scan3A_1346, %mul3A_1424 : vector<16xf32>
      %get3A_1426 = arith.constant 0 : i32
      %get3A_1427 = arith.constant 6 : i32
      %get3A_1428 = arith.index_cast %get3A_1426 : i32 to index
      %get3A_1429 = arith.index_cast %get3A_1427 : i32 to index
      %get3A_1430 = arith.index_cast %mul3A_1358 : i32 to index
      %get3A_1431 = tpu.vector_load %arg7[%get3A_1428, %get3A_1429, %get3A_1430] {strides = array<i32>} : memref<4x16x1024xf32, #tpu.memory_space<vmem>>, vector<16xf32>,
      %mul3A_1432 = arith.mulf %get3A_1431, %get3A_1361 : vector<16xf32>
      %add3A_1433 = arith.addf %scan3A_1331, %mul3A_1432 : vector<16xf32>
      %mul3A_1434 = arith.mulf %get3A_1431, %get3A_1365 : vector<16xf32>
      %add3A_1435 = arith.addf %scan3A_1347, %mul3A_1434 : vector<16xf32>
      %get3A_1436 = arith.constant 0 : i32
      %get3A_1437 = arith.constant 7 : i32
      %get3A_1438 = arith.index_cast %get3A_1436 : i32 to index
      %get3A_1439 = arith.index_cast %get3A_1437 : i32 to index
      %get3A_1440 = arith.index_cast %mul3A_1358 : i32 to index
      %get3A_1441 = tpu.vector_load %arg7[%get3A_1438, %get3A_1439, %get3A_1440] {strides = array<i32>} : memref<4x16x1024xf32, #tpu.memory_space<vmem>>, vector<16xf32>,
      %mul3A_1442 = arith.mulf %get3A_1441, %get3A_1361 : vector<16xf32>
      %add3A_1443 = arith.addf %scan3A_1332, %mul3A_1442 : vector<16xf32>
      %mul3A_1444 = arith.mulf %get3A_1441, %get3A_1365 : vector<16xf32>
      %add3A_1445 = arith.addf %scan3A_1348, %mul3A_1444 : vector<16xf32>
      %get3A_1446 = arith.constant 0 : i32
      %get3A_1447 = arith.constant 8 : i32
      %get3A_1448 = arith.index_cast %get3A_1446 : i32 to index
      %get3A_1449 = arith.index_cast %get3A_1447 : i32 to index
      %get3A_1450 = arith.index_cast %mul3A_1358 : i32 to index
      %get3A_1451 = tpu.vector_load %arg7[%get3A_1448, %get3A_1449, %get3A_1450] {strides = array<i32>} : memref<4x16x1024xf32, #tpu.memory_space<vmem>>, vector<16xf32>,
      %mul3A_1452 = arith.mulf %get3A_1451, %get3A_1361 : vector<16xf32>
      %add3A_1453 = arith.addf %scan3A_1333, %mul3A_1452 : vector<16xf32>
      %mul3A_1454 = arith.mulf %get3A_1451, %get3A_1365 : vector<16xf32>
      %add3A_1455 = arith.addf %scan3A_1349, %mul3A_1454 : vector<16xf32>
      %get3A_1456 = arith.constant 0 : i32
      %get3A_1457 = arith.constant 9 : i32
      %get3A_1458 = arith.index_cast %get3A_1456 : i32 to index
      %get3A_1459 = arith.index_cast %get3A_1457 : i32 to index
      %get3A_1460 = arith.index_cast %mul3A_1358 : i32 to index
      %get3A_1461 = tpu.vector_load %arg7[%get3A_1458, %get3A_1459, %get3A_1460] {strides = array<i32>} : memref<4x16x1024xf32, #tpu.memory_space<vmem>>, vector<16xf32>,
      %mul3A_1462 = arith.mulf %get3A_1461, %get3A_1361 : vector<16xf32>
      %add3A_1463 = arith.addf %scan3A_1334, %mul3A_1462 : vector<16xf32>
      %mul3A_1464 = arith.mulf %get3A_1461, %get3A_1365 : vector<16xf32>
      %add3A_1465 = arith.addf %scan3A_1350, %mul3A_1464 : vector<16xf32>
      %get3A_1466 = arith.constant 0 : i32
      %get3A_1467 = arith.constant 10 : i32
      %get3A_1468 = arith.index_cast %get3A_1466 : i32 to index
      %get3A_1469 = arith.index_cast %get3A_1467 : i32 to index
      %get3A_1470 = arith.index_cast %mul3A_1358 : i32 to index
      %get3A_1471 = tpu.vector_load %arg7[%get3A_1468, %get3A_1469, %get3A_1470] {strides = array<i32>} : memref<4x16x1024xf32, #tpu.memory_space<vmem>>, vector<16xf32>,
      %mul3A_1472 = arith.mulf %get3A_1471, %get3A_1361 : vector<16xf32>
      %add3A_1473 = arith.addf %scan3A_1335, %mul3A_1472 : vector<16xf32>
      %mul3A_1474 = arith.mulf %get3A_1471, %get3A_1365 : vector<16xf32>
      %add3A_1475 = arith.addf %scan3A_1351, %mul3A_1474 : vector<16xf32>
      %get3A_1476 = arith.constant 0 : i32
      %get3A_1477 = arith.constant 11 : i32
      %get3A_1478 = arith.index_cast %get3A_1476 : i32 to index
      %get3A_1479 = arith.index_cast %get3A_1477 : i32 to index
      %get3A_1480 = arith.index_cast %mul3A_1358 : i32 to index
      %get3A_1481 = tpu.vector_load %arg7[%get3A_1478, %get3A_1479, %get3A_1480] {strides = array<i32>} : memref<4x16x1024xf32, #tpu.memory_space<vmem>>, vector<16xf32>,
      %mul3A_1482 = arith.mulf %get3A_1481, %get3A_1361 : vector<16xf32>
      %add3A_1483 = arith.addf %scan3A_1336, %mul3A_1482 : vector<16xf32>
      %mul3A_1484 = arith.mulf %get3A_1481, %get3A_1365 : vector<16xf32>
      %add3A_1485 = arith.addf %scan3A_1352, %mul3A_1484 : vector<16xf32>
      %get3A_1486 = arith.constant 0 : i32
      %get3A_1487 = arith.constant 12 : i32
      %get3A_1488 = arith.index_cast %get3A_1486 : i32 to index
      %get3A_1489 = arith.index_cast %get3A_1487 : i32 to index
      %get3A_1490 = arith.index_cast %mul3A_1358 : i32 to index
      %get3A_1491 = tpu.vector_load %arg7[%get3A_1488, %get3A_1489, %get3A_1490] {strides = array<i32>} : memref<4x16x1024xf32, #tpu.memory_space<vmem>>, vector<16xf32>,
      %mul3A_1492 = arith.mulf %get3A_1491, %get3A_1361 : vector<16xf32>
      %add3A_1493 = arith.addf %scan3A_1337, %mul3A_1492 : vector<16xf32>
      %mul3A_1494 = arith.mulf %get3A_1491, %get3A_1365 : vector<16xf32>
      %add3A_1495 = arith.addf %scan3A_1353, %mul3A_1494 : vector<16xf32>
      %get3A_1496 = arith.constant 0 : i32
      %get3A_1497 = arith.constant 13 : i32
      %get3A_1498 = arith.index_cast %get3A_1496 : i32 to index
      %get3A_1499 = arith.index_cast %get3A_1497 : i32 to index
      %get3A_1500 = arith.index_cast %mul3A_1358 : i32 to index
      %get3A_1501 = tpu.vector_load %arg7[%get3A_1498, %get3A_1499, %get3A_1500] {strides = array<i32>} : memref<4x16x1024xf32, #tpu.memory_space<vmem>>, vector<16xf32>,
      %mul3A_1502 = arith.mulf %get3A_1501, %get3A_1361 : vector<16xf32>
      %add3A_1503 = arith.addf %scan3A_1338, %mul3A_1502 : vector<16xf32>
      %mul3A_1504 = arith.mulf %get3A_1501, %get3A_1365 : vector<16xf32>
      %add3A_1505 = arith.addf %scan3A_1354, %mul3A_1504 : vector<16xf32>
      %get3A_1506 = arith.constant 0 : i32
      %get3A_1507 = arith.constant 14 : i32
      %get3A_1508 = arith.index_cast %get3A_1506 : i32 to index
      %get3A_1509 = arith.index_cast %get3A_1507 : i32 to index
      %get3A_1510 = arith.index_cast %mul3A_1358 : i32 to index
      %get3A_1511 = tpu.vector_load %arg7[%get3A_1508, %get3A_1509, %get3A_1510] {strides = array<i32>} : memref<4x16x1024xf32, #tpu.memory_space<vmem>>, vector<16xf32>,
      %mul3A_1512 = arith.mulf %get3A_1511, %get3A_1361 : vector<16xf32>
      %add3A_1513 = arith.addf %scan3A_1339, %mul3A_1512 : vector<16xf32>
      %mul3A_1514 = arith.mulf %get3A_1511, %get3A_1365 : vector<16xf32>
      %add3A_1515 = arith.addf %scan3A_1355, %mul3A_1514 : vector<16xf32>
      %get3A_1516 = arith.constant 0 : i32
      %get3A_1517 = arith.constant 15 : i32
      %get3A_1518 = arith.index_cast %get3A_1516 : i32 to index
      %get3A_1519 = arith.index_cast %get3A_1517 : i32 to index
      %get3A_1520 = arith.index_cast %mul3A_1358 : i32 to index
      %get3A_1521 = tpu.vector_load %arg7[%get3A_1518, %get3A_1519, %get3A_1520] {strides = array<i32>} : memref<4x16x1024xf32, #tpu.memory_space<vmem>>, vector<16xf32>,
      %mul3A_1522 = arith.mulf %get3A_1521, %get3A_1361 : vector<16xf32>
      %add3A_1523 = arith.addf %scan3A_1340, %mul3A_1522 : vector<16xf32>
      %mul3A_1524 = arith.mulf %get3A_1521, %get3A_1365 : vector<16xf32>
      %add3A_1525 = arith.addf %scan3A_1356, %mul3A_1524 : vector<16xf32>
      scf.yield %add3A_1373, %add3A_1383, %add3A_1393, %add3A_1403, %add3A_1413, %add3A_1423, %add3A_1433, %add3A_1443, %add3A_1453, %add3A_1463, %add3A_1473, %add3A_1483, %add3A_1493, %add3A_1503, %add3A_1513, %add3A_1523, %add3A_1375, %add3A_1385, %add3A_1395, %add3A_1405, %add3A_1415, %add3A_1425, %add3A_1435, %add3A_1445, %add3A_1455, %add3A_1465, %add3A_1475, %add3A_1485, %add3A_1495, %add3A_1505, %add3A_1515, %add3A_1525 : vector<16xf32>, vector<16xf32>, vector<16xf32>, vector<16xf32>, vector<16xf32>, vector<16xf32>, vector<16xf32>, vector<16xf32>, vector<16xf32>, vector<16xf32>, vector<16xf32>, vector<16xf32>, vector<16xf32>, vector<16xf32>, vector<16xf32>, vector<16xf32>, vector<16xf32>, vector<16xf32>, vector<16xf32>, vector<16xf32>, vector<16xf32>, vector<16xf32>, vector<16xf32>, vector<16xf32>, vector<16xf32>, vector<16xf32>, vector<16xf32>, vector<16xf32>, vector<16xf32>, vector<16xf32>, vector<16xf32>, vector<16xf32>
    }
    %scan3A_113 = arith.constant 64 : i32
    %swap3A = arith.constant 0 : i32
    %swap3A_114 = arith.index_cast %swap3A : i32 to index
    %swap3A_115 = arith.constant 0 : index
    %swap3A_116 = tpu.vector_load %arg9[%swap3A_114, %swap3A_115] {strides = array<i32>} : memref<16x16xf32, #tpu.memory_space<vmem>>, vector<16xf32>,
    tpu.vector_store %arg9[%swap3A_114, %swap3A_115], %scan3A_112#0 {strides = array<i32>} : memref<16x16xf32, #tpu.memory_space<vmem>>, vector<16xf32>,
    %swap3A_117 = arith.constant 1 : i32
    %swap3A_118 = arith.index_cast %swap3A_117 : i32 to index
    %swap3A_119 = arith.constant 0 : index
    %swap3A_120 = tpu.vector_load %arg9[%swap3A_118, %swap3A_119] {strides = array<i32>} : memref<16x16xf32, #tpu.memory_space<vmem>>, vector<16xf32>,
    tpu.vector_store %arg9[%swap3A_118, %swap3A_119], %scan3A_112#1 {strides = array<i32>} : memref<16x16xf32, #tpu.memory_space<vmem>>, vector<16xf32>,
    %swap3A_121 = arith.constant 2 : i32
    %swap3A_122 = arith.index_cast %swap3A_121 : i32 to index
    %swap3A_123 = arith.constant 0 : index
    %swap3A_124 = tpu.vector_load %arg9[%swap3A_122, %swap3A_123] {strides = array<i32>} : memref<16x16xf32, #tpu.memory_space<vmem>>, vector<16xf32>,
    tpu.vector_store %arg9[%swap3A_122, %swap3A_123], %scan3A_112#2 {strides = array<i32>} : memref<16x16xf32, #tpu.memory_space<vmem>>, vector<16xf32>,
    %swap3A_125 = arith.constant 3 : i32
    %swap3A_126 = arith.index_cast %swap3A_125 : i32 to index
    %swap3A_127 = arith.constant 0 : index
    %swap3A_128 = tpu.vector_load %arg9[%swap3A_126, %swap3A_127] {strides = array<i32>} : memref<16x16xf32, #tpu.memory_space<vmem>>, vector<16xf32>,
    tpu.vector_store %arg9[%swap3A_126, %swap3A_127], %scan3A_112#3 {strides = array<i32>} : memref<16x16xf32, #tpu.memory_space<vmem>>, vector<16xf32>,
    %swap3A_129 = arith.constant 4 : i32
    %swap3A_130 = arith.index_cast %swap3A_129 : i32 to index
    %swap3A_131 = arith.constant 0 : index
    %swap3A_132 = tpu.vector_load %arg9[%swap3A_130, %swap3A_131] {strides = array<i32>} : memref<16x16xf32, #tpu.memory_space<vmem>>, vector<16xf32>,
    tpu.vector_store %arg9[%swap3A_130, %swap3A_131], %scan3A_112#4 {strides = array<i32>} : memref<16x16xf32, #tpu.memory_space<vmem>>, vector<16xf32>,
    %swap3A_133 = arith.constant 5 : i32
    %swap3A_134 = arith.index_cast %swap3A_133 : i32 to index
    %swap3A_135 = arith.constant 0 : index
    %swap3A_136 = tpu.vector_load %arg9[%swap3A_134, %swap3A_135] {strides = array<i32>} : memref<16x16xf32, #tpu.memory_space<vmem>>, vector<16xf32>,
    tpu.vector_store %arg9[%swap3A_134, %swap3A_135], %scan3A_112#5 {strides = array<i32>} : memref<16x16xf32, #tpu.memory_space<vmem>>, vector<16xf32>,
    %swap3A_137 = arith.constant 6 : i32
    %swap3A_138 = arith.index_cast %swap3A_137 : i32 to index
    %swap3A_139 = arith.constant 0 : index
    %swap3A_140 = tpu.vector_load %arg9[%swap3A_138, %swap3A_139] {strides = array<i32>} : memref<16x16xf32, #tpu.memory_space<vmem>>, vector<16xf32>,
    tpu.vector_store %arg9[%swap3A_138, %swap3A_139], %scan3A_112#6 {strides = array<i32>} : memref<16x16xf32, #tpu.memory_space<vmem>>, vector<16xf32>,
    %swap3A_141 = arith.constant 7 : i32
    %swap3A_142 = arith.index_cast %swap3A_141 : i32 to index
    %swap3A_143 = arith.constant 0 : index
    %swap3A_144 = tpu.vector_load %arg9[%swap3A_142, %swap3A_143] {strides = array<i32>} : memref<16x16xf32, #tpu.memory_space<vmem>>, vector<16xf32>,
    tpu.vector_store %arg9[%swap3A_142, %swap3A_143], %scan3A_112#7 {strides = array<i32>} : memref<16x16xf32, #tpu.memory_space<vmem>>, vector<16xf32>,
    %swap3A_145 = arith.constant 8 : i32
    %swap3A_146 = arith.index_cast %swap3A_145 : i32 to index
    %swap3A_147 = arith.constant 0 : index
    %swap3A_148 = tpu.vector_load %arg9[%swap3A_146, %swap3A_147] {strides = array<i32>} : memref<16x16xf32, #tpu.memory_space<vmem>>, vector<16xf32>,
    tpu.vector_store %arg9[%swap3A_146, %swap3A_147], %scan3A_112#8 {strides = array<i32>} : memref<16x16xf32, #tpu.memory_space<vmem>>, vector<16xf32>,
    %swap3A_149 = arith.constant 9 : i32
    %swap3A_150 = arith.index_cast %swap3A_149 : i32 to index
    %swap3A_151 = arith.constant 0 : index
    %swap3A_152 = tpu.vector_load %arg9[%swap3A_150, %swap3A_151] {strides = array<i32>} : memref<16x16xf32, #tpu.memory_space<vmem>>, vector<16xf32>,
    tpu.vector_store %arg9[%swap3A_150, %swap3A_151], %scan3A_112#9 {strides = array<i32>} : memref<16x16xf32, #tpu.memory_space<vmem>>, vector<16xf32>,
    %swap3A_153 = arith.constant 10 : i32
    %swap3A_154 = arith.index_cast %swap3A_153 : i32 to index
    %swap3A_155 = arith.constant 0 : index
    %swap3A_156 = tpu.vector_load %arg9[%swap3A_154, %swap3A_155] {strides = array<i32>} : memref<16x16xf32, #tpu.memory_space<vmem>>, vector<16xf32>,
    tpu.vector_store %arg9[%swap3A_154, %swap3A_155], %scan3A_112#10 {strides = array<i32>} : memref<16x16xf32, #tpu.memory_space<vmem>>, vector<16xf32>,
    %swap3A_157 = arith.constant 11 : i32
    %swap3A_158 = arith.index_cast %swap3A_157 : i32 to index
    %swap3A_159 = arith.constant 0 : index
    %swap3A_160 = tpu.vector_load %arg9[%swap3A_158, %swap3A_159] {strides = array<i32>} : memref<16x16xf32, #tpu.memory_space<vmem>>, vector<16xf32>,
    tpu.vector_store %arg9[%swap3A_158, %swap3A_159], %scan3A_112#11 {strides = array<i32>} : memref<16x16xf32, #tpu.memory_space<vmem>>, vector<16xf32>,
    %swap3A_161 = arith.constant 12 : i32
    %swap3A_162 = arith.index_cast %swap3A_161 : i32 to index
    %swap3A_163 = arith.constant 0 : index
    %swap3A_164 = tpu.vector_load %arg9[%swap3A_162, %swap3A_163] {strides = array<i32>} : memref<16x16xf32, #tpu.memory_space<vmem>>, vector<16xf32>,
    tpu.vector_store %arg9[%swap3A_162, %swap3A_163], %scan3A_112#12 {strides = array<i32>} : memref<16x16xf32, #tpu.memory_space<vmem>>, vector<16xf32>,
    %swap3A_165 = arith.constant 13 : i32
    %swap3A_166 = arith.index_cast %swap3A_165 : i32 to index
    %swap3A_167 = arith.constant 0 : index
    %swap3A_168 = tpu.vector_load %arg9[%swap3A_166, %swap3A_167] {strides = array<i32>} : memref<16x16xf32, #tpu.memory_space<vmem>>, vector<16xf32>,
    tpu.vector_store %arg9[%swap3A_166, %swap3A_167], %scan3A_112#13 {strides = array<i32>} : memref<16x16xf32, #tpu.memory_space<vmem>>, vector<16xf32>,
    %swap3A_169 = arith.constant 14 : i32
    %swap3A_170 = arith.index_cast %swap3A_169 : i32 to index
    %swap3A_171 = arith.constant 0 : index
    %swap3A_172 = tpu.vector_load %arg9[%swap3A_170, %swap3A_171] {strides = array<i32>} : memref<16x16xf32, #tpu.memory_space<vmem>>, vector<16xf32>,
    tpu.vector_store %arg9[%swap3A_170, %swap3A_171], %scan3A_112#14 {strides = array<i32>} : memref<16x16xf32, #tpu.memory_space<vmem>>, vector<16xf32>,
    %swap3A_173 = arith.constant 15 : i32
    %swap3A_174 = arith.index_cast %swap3A_173 : i32 to index
    %swap3A_175 = arith.constant 0 : index
    %swap3A_176 = tpu.vector_load %arg9[%swap3A_174, %swap3A_175] {strides = array<i32>} : memref<16x16xf32, #tpu.memory_space<vmem>>, vector<16xf32>,
    tpu.vector_store %arg9[%swap3A_174, %swap3A_175], %scan3A_112#15 {strides = array<i32>} : memref<16x16xf32, #tpu.memory_space<vmem>>, vector<16xf32>,
    %broadcast_in_dim3A_177 = arith.constant 0 : i32
    %broadcast_in_dim3A_178 = vector.broadcast %broadcast_in_dim3A_177 : i32 to vector<16xi32>
    %gather3A = tpu.vector_load_idx %arg9[%iota3A, %broadcast_in_dim3A_178] : memref<16x16xf32, #tpu.memory_space<vmem>>[vector<16xi32>, vector<16xi32>], vector<16xf32>,
    %broadcast_in_dim3A_179 = arith.constant 1 : i32
    %broadcast_in_dim3A_180 = vector.broadcast %broadcast_in_dim3A_179 : i32 to vector<16xi32>
    %gather3A_181 = tpu.vector_load_idx %arg9[%iota3A, %broadcast_in_dim3A_180] : memref<16x16xf32, #tpu.memory_space<vmem>>[vector<16xi32>, vector<16xi32>], vector<16xf32>,
    %add3A_182 = arith.addf %gather3A, %gather3A_181 : vector<16xf32>
    %broadcast_in_dim3A_183 = arith.constant 2 : i32
    %broadcast_in_dim3A_184 = vector.broadcast %broadcast_in_dim3A_183 : i32 to vector<16xi32>
    %gather3A_185 = tpu.vector_load_idx %arg9[%iota3A, %broadcast_in_dim3A_184] : memref<16x16xf32, #tpu.memory_space<vmem>>[vector<16xi32>, vector<16xi32>], vector<16xf32>,
    %add3A_186 = arith.addf %add3A_182, %gather3A_185 : vector<16xf32>
    %broadcast_in_dim3A_187 = arith.constant 3 : i32
    %broadcast_in_dim3A_188 = vector.broadcast %broadcast_in_dim3A_187 : i32 to vector<16xi32>
    %gather3A_189 = tpu.vector_load_idx %arg9[%iota3A, %broadcast_in_dim3A_188] : memref<16x16xf32, #tpu.memory_space<vmem>>[vector<16xi32>, vector<16xi32>], vector<16xf32>,
    %add3A_190 = arith.addf %add3A_186, %gather3A_189 : vector<16xf32>
    %broadcast_in_dim3A_191 = arith.constant 4 : i32
    %broadcast_in_dim3A_192 = vector.broadcast %broadcast_in_dim3A_191 : i32 to vector<16xi32>
    %gather3A_193 = tpu.vector_load_idx %arg9[%iota3A, %broadcast_in_dim3A_192] : memref<16x16xf32, #tpu.memory_space<vmem>>[vector<16xi32>, vector<16xi32>], vector<16xf32>,
    %add3A_194 = arith.addf %add3A_190, %gather3A_193 : vector<16xf32>
    %broadcast_in_dim3A_195 = arith.constant 5 : i32
    %broadcast_in_dim3A_196 = vector.broadcast %broadcast_in_dim3A_195 : i32 to vector<16xi32>
    %gather3A_197 = tpu.vector_load_idx %arg9[%iota3A, %broadcast_in_dim3A_196] : memref<16x16xf32, #tpu.memory_space<vmem>>[vector<16xi32>, vector<16xi32>], vector<16xf32>,
    %add3A_198 = arith.addf %add3A_194, %gather3A_197 : vector<16xf32>
    %broadcast_in_dim3A_199 = arith.constant 6 : i32
    %broadcast_in_dim3A_200 = vector.broadcast %broadcast_in_dim3A_199 : i32 to vector<16xi32>
    %gather3A_201 = tpu.vector_load_idx %arg9[%iota3A, %broadcast_in_dim3A_200] : memref<16x16xf32, #tpu.memory_space<vmem>>[vector<16xi32>, vector<16xi32>], vector<16xf32>,
    %add3A_202 = arith.addf %add3A_198, %gather3A_201 : vector<16xf32>
    %broadcast_in_dim3A_203 = arith.constant 7 : i32
    %broadcast_in_dim3A_204 = vector.broadcast %broadcast_in_dim3A_203 : i32 to vector<16xi32>
    %gather3A_205 = tpu.vector_load_idx %arg9[%iota3A, %broadcast_in_dim3A_204] : memref<16x16xf32, #tpu.memory_space<vmem>>[vector<16xi32>, vector<16xi32>], vector<16xf32>,
    %add3A_206 = arith.addf %add3A_202, %gather3A_205 : vector<16xf32>
    %broadcast_in_dim3A_207 = arith.constant 8 : i32
    %broadcast_in_dim3A_208 = vector.broadcast %broadcast_in_dim3A_207 : i32 to vector<16xi32>
    %gather3A_209 = tpu.vector_load_idx %arg9[%iota3A, %broadcast_in_dim3A_208] : memref<16x16xf32, #tpu.memory_space<vmem>>[vector<16xi32>, vector<16xi32>], vector<16xf32>,
    %add3A_210 = arith.addf %add3A_206, %gather3A_209 : vector<16xf32>
    %broadcast_in_dim3A_211 = arith.constant 9 : i32
    %broadcast_in_dim3A_212 = vector.broadcast %broadcast_in_dim3A_211 : i32 to vector<16xi32>
    %gather3A_213 = tpu.vector_load_idx %arg9[%iota3A, %broadcast_in_dim3A_212] : memref<16x16xf32, #tpu.memory_space<vmem>>[vector<16xi32>, vector<16xi32>], vector<16xf32>,
    %add3A_214 = arith.addf %add3A_210, %gather3A_213 : vector<16xf32>
    %broadcast_in_dim3A_215 = arith.constant 10 : i32
    %broadcast_in_dim3A_216 = vector.broadcast %broadcast_in_dim3A_215 : i32 to vector<16xi32>
    %gather3A_217 = tpu.vector_load_idx %arg9[%iota3A, %broadcast_in_dim3A_216] : memref<16x16xf32, #tpu.memory_space<vmem>>[vector<16xi32>, vector<16xi32>], vector<16xf32>,
    %add3A_218 = arith.addf %add3A_214, %gather3A_217 : vector<16xf32>
    %broadcast_in_dim3A_219 = arith.constant 11 : i32
    %broadcast_in_dim3A_220 = vector.broadcast %broadcast_in_dim3A_219 : i32 to vector<16xi32>
    %gather3A_221 = tpu.vector_load_idx %arg9[%iota3A, %broadcast_in_dim3A_220] : memref<16x16xf32, #tpu.memory_space<vmem>>[vector<16xi32>, vector<16xi32>], vector<16xf32>,
    %add3A_222 = arith.addf %add3A_218, %gather3A_221 : vector<16xf32>
    %broadcast_in_dim3A_223 = arith.constant 12 : i32
    %broadcast_in_dim3A_224 = vector.broadcast %broadcast_in_dim3A_223 : i32 to vector<16xi32>
    %gather3A_225 = tpu.vector_load_idx %arg9[%iota3A, %broadcast_in_dim3A_224] : memref<16x16xf32, #tpu.memory_space<vmem>>[vector<16xi32>, vector<16xi32>], vector<16xf32>,
    %add3A_226 = arith.addf %add3A_222, %gather3A_225 : vector<16xf32>
    %broadcast_in_dim3A_227 = arith.constant 13 : i32
    %broadcast_in_dim3A_228 = vector.broadcast %broadcast_in_dim3A_227 : i32 to vector<16xi32>
    %gather3A_229 = tpu.vector_load_idx %arg9[%iota3A, %broadcast_in_dim3A_228] : memref<16x16xf32, #tpu.memory_space<vmem>>[vector<16xi32>, vector<16xi32>], vector<16xf32>,
    %add3A_230 = arith.addf %add3A_226, %gather3A_229 : vector<16xf32>
    %broadcast_in_dim3A_231 = arith.constant 14 : i32
    %broadcast_in_dim3A_232 = vector.broadcast %broadcast_in_dim3A_231 : i32 to vector<16xi32>
    %gather3A_233 = tpu.vector_load_idx %arg9[%iota3A, %broadcast_in_dim3A_232] : memref<16x16xf32, #tpu.memory_space<vmem>>[vector<16xi32>, vector<16xi32>], vector<16xf32>,
    %add3A_234 = arith.addf %add3A_230, %gather3A_233 : vector<16xf32>
    %broadcast_in_dim3A_235 = arith.constant 15 : i32
    %broadcast_in_dim3A_236 = vector.broadcast %broadcast_in_dim3A_235 : i32 to vector<16xi32>
    %gather3A_237 = tpu.vector_load_idx %arg9[%iota3A, %broadcast_in_dim3A_236] : memref<16x16xf32, #tpu.memory_space<vmem>>[vector<16xi32>, vector<16xi32>], vector<16xf32>,
    %add3A_238 = arith.addf %add3A_234, %gather3A_237 : vector<16xf32>
    %swap3A_239 = arith.constant 0 : i32
    %swap3A_240 = arith.index_cast %swap3A_239 : i32 to index
    %swap3A_241 = arith.constant 0 : index
    %swap3A_242 = tpu.vector_load %arg9[%swap3A_240, %swap3A_241] {strides = array<i32>} : memref<16x16xf32, #tpu.memory_space<vmem>>, vector<16xf32>,
    tpu.vector_store %arg9[%swap3A_240, %swap3A_241], %scan3A_112#16 {strides = array<i32>} : memref<16x16xf32, #tpu.memory_space<vmem>>, vector<16xf32>,
    %swap3A_243 = arith.constant 1 : i32
    %swap3A_244 = arith.index_cast %swap3A_243 : i32 to index
    %swap3A_245 = arith.constant 0 : index
    %swap3A_246 = tpu.vector_load %arg9[%swap3A_244, %swap3A_245] {strides = array<i32>} : memref<16x16xf32, #tpu.memory_space<vmem>>, vector<16xf32>,
    tpu.vector_store %arg9[%swap3A_244, %swap3A_245], %scan3A_112#17 {strides = array<i32>} : memref<16x16xf32, #tpu.memory_space<vmem>>, vector<16xf32>,
    %swap3A_247 = arith.constant 2 : i32
    %swap3A_248 = arith.index_cast %swap3A_247 : i32 to index
    %swap3A_249 = arith.constant 0 : index
    %swap3A_250 = tpu.vector_load %arg9[%swap3A_248, %swap3A_249] {strides = array<i32>} : memref<16x16xf32, #tpu.memory_space<vmem>>, vector<16xf32>,
    tpu.vector_store %arg9[%swap3A_248, %swap3A_249], %scan3A_112#18 {strides = array<i32>} : memref<16x16xf32, #tpu.memory_space<vmem>>, vector<16xf32>,
    %swap3A_251 = arith.constant 3 : i32
    %swap3A_252 = arith.index_cast %swap3A_251 : i32 to index
    %swap3A_253 = arith.constant 0 : index
    %swap3A_254 = tpu.vector_load %arg9[%swap3A_252, %swap3A_253] {strides = array<i32>} : memref<16x16xf32, #tpu.memory_space<vmem>>, vector<16xf32>,
    tpu.vector_store %arg9[%swap3A_252, %swap3A_253], %scan3A_112#19 {strides = array<i32>} : memref<16x16xf32, #tpu.memory_space<vmem>>, vector<16xf32>,
    %swap3A_255 = arith.constant 4 : i32
    %swap3A_256 = arith.index_cast %swap3A_255 : i32 to index
    %swap3A_257 = arith.constant 0 : index
    %swap3A_258 = tpu.vector_load %arg9[%swap3A_256, %swap3A_257] {strides = array<i32>} : memref<16x16xf32, #tpu.memory_space<vmem>>, vector<16xf32>,
    tpu.vector_store %arg9[%swap3A_256, %swap3A_257], %scan3A_112#20 {strides = array<i32>} : memref<16x16xf32, #tpu.memory_space<vmem>>, vector<16xf32>,
    %swap3A_259 = arith.constant 5 : i32
    %swap3A_260 = arith.index_cast %swap3A_259 : i32 to index
    %swap3A_261 = arith.constant 0 : index
    %swap3A_262 = tpu.vector_load %arg9[%swap3A_260, %swap3A_261] {strides = array<i32>} : memref<16x16xf32, #tpu.memory_space<vmem>>, vector<16xf32>,
    tpu.vector_store %arg9[%swap3A_260, %swap3A_261], %scan3A_112#21 {strides = array<i32>} : memref<16x16xf32, #tpu.memory_space<vmem>>, vector<16xf32>,
    %swap3A_263 = arith.constant 6 : i32
    %swap3A_264 = arith.index_cast %swap3A_263 : i32 to index
    %swap3A_265 = arith.constant 0 : index
    %swap3A_266 = tpu.vector_load %arg9[%swap3A_264, %swap3A_265] {strides = array<i32>} : memref<16x16xf32, #tpu.memory_space<vmem>>, vector<16xf32>,
    tpu.vector_store %arg9[%swap3A_264, %swap3A_265], %scan3A_112#22 {strides = array<i32>} : memref<16x16xf32, #tpu.memory_space<vmem>>, vector<16xf32>,
    %swap3A_267 = arith.constant 7 : i32
    %swap3A_268 = arith.index_cast %swap3A_267 : i32 to index
    %swap3A_269 = arith.constant 0 : index
    %swap3A_270 = tpu.vector_load %arg9[%swap3A_268, %swap3A_269] {strides = array<i32>} : memref<16x16xf32, #tpu.memory_space<vmem>>, vector<16xf32>,
    tpu.vector_store %arg9[%swap3A_268, %swap3A_269], %scan3A_112#23 {strides = array<i32>} : memref<16x16xf32, #tpu.memory_space<vmem>>, vector<16xf32>,
    %swap3A_271 = arith.constant 8 : i32
    %swap3A_272 = arith.index_cast %swap3A_271 : i32 to index
    %swap3A_273 = arith.constant 0 : index
    %swap3A_274 = tpu.vector_load %arg9[%swap3A_272, %swap3A_273] {strides = array<i32>} : memref<16x16xf32, #tpu.memory_space<vmem>>, vector<16xf32>,
    tpu.vector_store %arg9[%swap3A_272, %swap3A_273], %scan3A_112#24 {strides = array<i32>} : memref<16x16xf32, #tpu.memory_space<vmem>>, vector<16xf32>,
    %swap3A_275 = arith.constant 9 : i32
    %swap3A_276 = arith.index_cast %swap3A_275 : i32 to index
    %swap3A_277 = arith.constant 0 : index
    %swap3A_278 = tpu.vector_load %arg9[%swap3A_276, %swap3A_277] {strides = array<i32>} : memref<16x16xf32, #tpu.memory_space<vmem>>, vector<16xf32>,
    tpu.vector_store %arg9[%swap3A_276, %swap3A_277], %scan3A_112#25 {strides = array<i32>} : memref<16x16xf32, #tpu.memory_space<vmem>>, vector<16xf32>,
    %swap3A_279 = arith.constant 10 : i32
    %swap3A_280 = arith.index_cast %swap3A_279 : i32 to index
    %swap3A_281 = arith.constant 0 : index
    %swap3A_282 = tpu.vector_load %arg9[%swap3A_280, %swap3A_281] {strides = array<i32>} : memref<16x16xf32, #tpu.memory_space<vmem>>, vector<16xf32>,
    tpu.vector_store %arg9[%swap3A_280, %swap3A_281], %scan3A_112#26 {strides = array<i32>} : memref<16x16xf32, #tpu.memory_space<vmem>>, vector<16xf32>,
    %swap3A_283 = arith.constant 11 : i32
    %swap3A_284 = arith.index_cast %swap3A_283 : i32 to index
    %swap3A_285 = arith.constant 0 : index
    %swap3A_286 = tpu.vector_load %arg9[%swap3A_284, %swap3A_285] {strides = array<i32>} : memref<16x16xf32, #tpu.memory_space<vmem>>, vector<16xf32>,
    tpu.vector_store %arg9[%swap3A_284, %swap3A_285], %scan3A_112#27 {strides = array<i32>} : memref<16x16xf32, #tpu.memory_space<vmem>>, vector<16xf32>,
    %swap3A_287 = arith.constant 12 : i32
    %swap3A_288 = arith.index_cast %swap3A_287 : i32 to index
    %swap3A_289 = arith.constant 0 : index
    %swap3A_290 = tpu.vector_load %arg9[%swap3A_288, %swap3A_289] {strides = array<i32>} : memref<16x16xf32, #tpu.memory_space<vmem>>, vector<16xf32>,
    tpu.vector_store %arg9[%swap3A_288, %swap3A_289], %scan3A_112#28 {strides = array<i32>} : memref<16x16xf32, #tpu.memory_space<vmem>>, vector<16xf32>,
    %swap3A_291 = arith.constant 13 : i32
    %swap3A_292 = arith.index_cast %swap3A_291 : i32 to index
    %swap3A_293 = arith.constant 0 : index
    %swap3A_294 = tpu.vector_load %arg9[%swap3A_292, %swap3A_293] {strides = array<i32>} : memref<16x16xf32, #tpu.memory_space<vmem>>, vector<16xf32>,
    tpu.vector_store %arg9[%swap3A_292, %swap3A_293], %scan3A_112#29 {strides = array<i32>} : memref<16x16xf32, #tpu.memory_space<vmem>>, vector<16xf32>,
    %swap3A_295 = arith.constant 14 : i32
    %swap3A_296 = arith.index_cast %swap3A_295 : i32 to index
    %swap3A_297 = arith.constant 0 : index
    %swap3A_298 = tpu.vector_load %arg9[%swap3A_296, %swap3A_297] {strides = array<i32>} : memref<16x16xf32, #tpu.memory_space<vmem>>, vector<16xf32>,
    tpu.vector_store %arg9[%swap3A_296, %swap3A_297], %scan3A_112#30 {strides = array<i32>} : memref<16x16xf32, #tpu.memory_space<vmem>>, vector<16xf32>,
    %swap3A_299 = arith.constant 15 : i32
    %swap3A_300 = arith.index_cast %swap3A_299 : i32 to index
    %swap3A_301 = arith.constant 0 : index
    %swap3A_302 = tpu.vector_load %arg9[%swap3A_300, %swap3A_301] {strides = array<i32>} : memref<16x16xf32, #tpu.memory_space<vmem>>, vector<16xf32>,
    tpu.vector_store %arg9[%swap3A_300, %swap3A_301], %scan3A_112#31 {strides = array<i32>} : memref<16x16xf32, #tpu.memory_space<vmem>>, vector<16xf32>,
    %broadcast_in_dim3A_303 = arith.constant 0 : i32
    %broadcast_in_dim3A_304 = vector.broadcast %broadcast_in_dim3A_303 : i32 to vector<16xi32>
    %gather3A_305 = tpu.vector_load_idx %arg9[%iota3A, %broadcast_in_dim3A_304] : memref<16x16xf32, #tpu.memory_space<vmem>>[vector<16xi32>, vector<16xi32>], vector<16xf32>,
    %broadcast_in_dim3A_306 = arith.constant 1 : i32
    %broadcast_in_dim3A_307 = vector.broadcast %broadcast_in_dim3A_306 : i32 to vector<16xi32>
    %gather3A_308 = tpu.vector_load_idx %arg9[%iota3A, %broadcast_in_dim3A_307] : memref<16x16xf32, #tpu.memory_space<vmem>>[vector<16xi32>, vector<16xi32>], vector<16xf32>,
    %add3A_309 = arith.addf %gather3A_305, %gather3A_308 : vector<16xf32>
    %broadcast_in_dim3A_310 = arith.constant 2 : i32
    %broadcast_in_dim3A_311 = vector.broadcast %broadcast_in_dim3A_310 : i32 to vector<16xi32>
    %gather3A_312 = tpu.vector_load_idx %arg9[%iota3A, %broadcast_in_dim3A_311] : memref<16x16xf32, #tpu.memory_space<vmem>>[vector<16xi32>, vector<16xi32>], vector<16xf32>,
    %add3A_313 = arith.addf %add3A_309, %gather3A_312 : vector<16xf32>
    %broadcast_in_dim3A_314 = arith.constant 3 : i32
    %broadcast_in_dim3A_315 = vector.broadcast %broadcast_in_dim3A_314 : i32 to vector<16xi32>
    %gather3A_316 = tpu.vector_load_idx %arg9[%iota3A, %broadcast_in_dim3A_315] : memref<16x16xf32, #tpu.memory_space<vmem>>[vector<16xi32>, vector<16xi32>], vector<16xf32>,
    %add3A_317 = arith.addf %add3A_313, %gather3A_316 : vector<16xf32>
    %broadcast_in_dim3A_318 = arith.constant 4 : i32
    %broadcast_in_dim3A_319 = vector.broadcast %broadcast_in_dim3A_318 : i32 to vector<16xi32>
    %gather3A_320 = tpu.vector_load_idx %arg9[%iota3A, %broadcast_in_dim3A_319] : memref<16x16xf32, #tpu.memory_space<vmem>>[vector<16xi32>, vector<16xi32>], vector<16xf32>,
    %add3A_321 = arith.addf %add3A_317, %gather3A_320 : vector<16xf32>
    %broadcast_in_dim3A_322 = arith.constant 5 : i32
    %broadcast_in_dim3A_323 = vector.broadcast %broadcast_in_dim3A_322 : i32 to vector<16xi32>
    %gather3A_324 = tpu.vector_load_idx %arg9[%iota3A, %broadcast_in_dim3A_323] : memref<16x16xf32, #tpu.memory_space<vmem>>[vector<16xi32>, vector<16xi32>], vector<16xf32>,
    %add3A_325 = arith.addf %add3A_321, %gather3A_324 : vector<16xf32>
    %broadcast_in_dim3A_326 = arith.constant 6 : i32
    %broadcast_in_dim3A_327 = vector.broadcast %broadcast_in_dim3A_326 : i32 to vector<16xi32>
    %gather3A_328 = tpu.vector_load_idx %arg9[%iota3A, %broadcast_in_dim3A_327] : memref<16x16xf32, #tpu.memory_space<vmem>>[vector<16xi32>, vector<16xi32>], vector<16xf32>,
    %add3A_329 = arith.addf %add3A_325, %gather3A_328 : vector<16xf32>
    %broadcast_in_dim3A_330 = arith.constant 7 : i32
    %broadcast_in_dim3A_331 = vector.broadcast %broadcast_in_dim3A_330 : i32 to vector<16xi32>
    %gather3A_332 = tpu.vector_load_idx %arg9[%iota3A, %broadcast_in_dim3A_331] : memref<16x16xf32, #tpu.memory_space<vmem>>[vector<16xi32>, vector<16xi32>], vector<16xf32>,
    %add3A_333 = arith.addf %add3A_329, %gather3A_332 : vector<16xf32>
    %broadcast_in_dim3A_334 = arith.constant 8 : i32
    %broadcast_in_dim3A_335 = vector.broadcast %broadcast_in_dim3A_334 : i32 to vector<16xi32>
    %gather3A_336 = tpu.vector_load_idx %arg9[%iota3A, %broadcast_in_dim3A_335] : memref<16x16xf32, #tpu.memory_space<vmem>>[vector<16xi32>, vector<16xi32>], vector<16xf32>,
    %add3A_337 = arith.addf %add3A_333, %gather3A_336 : vector<16xf32>
    %broadcast_in_dim3A_338 = arith.constant 9 : i32
    %broadcast_in_dim3A_339 = vector.broadcast %broadcast_in_dim3A_338 : i32 to vector<16xi32>
    %gather3A_340 = tpu.vector_load_idx %arg9[%iota3A, %broadcast_in_dim3A_339] : memref<16x16xf32, #tpu.memory_space<vmem>>[vector<16xi32>, vector<16xi32>], vector<16xf32>,
    %add3A_341 = arith.addf %add3A_337, %gather3A_340 : vector<16xf32>
    %broadcast_in_dim3A_342 = arith.constant 10 : i32
    %broadcast_in_dim3A_343 = vector.broadcast %broadcast_in_dim3A_342 : i32 to vector<16xi32>
    %gather3A_344 = tpu.vector_load_idx %arg9[%iota3A, %broadcast_in_dim3A_343] : memref<16x16xf32, #tpu.memory_space<vmem>>[vector<16xi32>, vector<16xi32>], vector<16xf32>,
    %add3A_345 = arith.addf %add3A_341, %gather3A_344 : vector<16xf32>
    %broadcast_in_dim3A_346 = arith.constant 11 : i32
    %broadcast_in_dim3A_347 = vector.broadcast %broadcast_in_dim3A_346 : i32 to vector<16xi32>
    %gather3A_348 = tpu.vector_load_idx %arg9[%iota3A, %broadcast_in_dim3A_347] : memref<16x16xf32, #tpu.memory_space<vmem>>[vector<16xi32>, vector<16xi32>], vector<16xf32>,
    %add3A_349 = arith.addf %add3A_345, %gather3A_348 : vector<16xf32>
    %broadcast_in_dim3A_350 = arith.constant 12 : i32
    %broadcast_in_dim3A_351 = vector.broadcast %broadcast_in_dim3A_350 : i32 to vector<16xi32>
    %gather3A_352 = tpu.vector_load_idx %arg9[%iota3A, %broadcast_in_dim3A_351] : memref<16x16xf32, #tpu.memory_space<vmem>>[vector<16xi32>, vector<16xi32>], vector<16xf32>,
    %add3A_353 = arith.addf %add3A_349, %gather3A_352 : vector<16xf32>
    %broadcast_in_dim3A_354 = arith.constant 13 : i32
    %broadcast_in_dim3A_355 = vector.broadcast %broadcast_in_dim3A_354 : i32 to vector<16xi32>
    %gather3A_356 = tpu.vector_load_idx %arg9[%iota3A, %broadcast_in_dim3A_355] : memref<16x16xf32, #tpu.memory_space<vmem>>[vector<16xi32>, vector<16xi32>], vector<16xf32>,
    %add3A_357 = arith.addf %add3A_353, %gather3A_356 : vector<16xf32>
    %broadcast_in_dim3A_358 = arith.constant 14 : i32
    %broadcast_in_dim3A_359 = vector.broadcast %broadcast_in_dim3A_358 : i32 to vector<16xi32>
    %gather3A_360 = tpu.vector_load_idx %arg9[%iota3A, %broadcast_in_dim3A_359] : memref<16x16xf32, #tpu.memory_space<vmem>>[vector<16xi32>, vector<16xi32>], vector<16xf32>,
    %add3A_361 = arith.addf %add3A_357, %gather3A_360 : vector<16xf32>
    %broadcast_in_dim3A_362 = arith.constant 15 : i32
    %broadcast_in_dim3A_363 = vector.broadcast %broadcast_in_dim3A_362 : i32 to vector<16xi32>
    %gather3A_364 = tpu.vector_load_idx %arg9[%iota3A, %broadcast_in_dim3A_363] : memref<16x16xf32, #tpu.memory_space<vmem>>[vector<16xi32>, vector<16xi32>], vector<16xf32>,
    %add3A_365 = arith.addf %add3A_361, %gather3A_364 : vector<16xf32>
    %swap3A_366 = arith.constant 0 : i32
    %swap3A_367 = arith.index_cast %swap3A_366 : i32 to index
    %swap3A_368 = arith.constant 0 : index
    %swap3A_369 = tpu.vector_load %arg8[%swap3A_367, %swap3A_368] {strides = array<i32>} : memref<2x64xf32, #tpu.memory_space<vmem>>, vector<16xf32>,
    tpu.vector_store %arg8[%swap3A_367, %swap3A_368], %add3A_238 {strides = array<i32>} : memref<2x64xf32, #tpu.memory_space<vmem>>, vector<16xf32>,
    %swap3A_370 = arith.constant 1 : i32
    %swap3A_371 = arith.index_cast %swap3A_370 : i32 to index
    %swap3A_372 = arith.constant 0 : index
    %swap3A_373 = tpu.vector_load %arg8[%swap3A_371, %swap3A_372] {strides = array<i32>} : memref<2x64xf32, #tpu.memory_space<vmem>>, vector<16xf32>,
    tpu.vector_store %arg8[%swap3A_371, %swap3A_372], %add3A_365 {strides = array<i32>} : memref<2x64xf32, #tpu.memory_space<vmem>>, vector<16xf32>,
    %dma_wait3A_374 = arith.constant 1 : i32
    %dma_wait3A_375 = arith.constant 0 : i32
    %dma_wait3A_376 = arith.constant 0 : i32
    %dma_wait3A_377 = tpu.memref_slice %arg7[%dma_wait3A_374, %dma_wait3A_375, %dma_wait3A_376] : memref<4x16x1024xf32, #tpu.memory_space<vmem>> -> memref<1x16x1024xf32, #tpu.memory_space<vmem>>
    %dma_wait3A_378 = tpu.memref_squeeze %dma_wait3A_377 : memref<1x16x1024xf32, #tpu.memory_space<vmem>> -> memref<16x1024xf32, #tpu.memory_space<vmem>>
    %dma_wait3A_379 = arith.constant 0 : i32
    %dma_wait3A_380 = arith.constant 0 : i32
    %dma_wait3A_381 = tpu.memref_slice %arg2[%dma_wait3A_379, %dma_wait3A_380] : memref<16384x1024xf32, #tpu.memory_space<hbm>> -> memref<16x1024xf32, #tpu.memory_space<hbm>>
    %dma_wait3A_382 = arith.constant 0 : i32
    %dma_wait3A_383 = arith.constant 0 : i32
    %dma_wait3A_384 = tpu.memref_slice %arg7[%dma_wait3A_374, %dma_wait3A_382, %dma_wait3A_383] : memref<4x16x1024xf32, #tpu.memory_space<vmem>> -> memref<1x16x1024xf32, #tpu.memory_space<vmem>>
    %dma_wait3A_385 = tpu.memref_squeeze %dma_wait3A_384 : memref<1x16x1024xf32, #tpu.memory_space<vmem>> -> memref<16x1024xf32, #tpu.memory_space<vmem>>
    %dma_wait3A_386 = arith.constant 0 : i32
    %dma_wait3A_387 = arith.constant 0 : i32
    %dma_wait3A_388 = tpu.memref_slice %arg2[%dma_wait3A_386, %dma_wait3A_387] : memref<16384x1024xf32, #tpu.memory_space<hbm>> -> memref<16x1024xf32, #tpu.memory_space<hbm>>
    tpu.wait_dma2 semaphore(%arg11 : memref<!tpu.dma_semaphore, #tpu.memory_space<semaphore_mem>>) src(%dma_wait3A_388 : memref<16x1024xf32, #tpu.memory_space<hbm>>) dst(%dma_wait3A_385 : memref<16x1024xf32, #tpu.memory_space<vmem>>)
    %broadcast_in_dim3A_389 = arith.constant 0.000000e+00 : f32
    %broadcast_in_dim3A_390 = vector.broadcast %broadcast_in_dim3A_389 : f32 to vector<16xf32>
    %broadcast_in_dim3A_391 = arith.constant 0.000000e+00 : f32
    %broadcast_in_dim3A_392 = vector.broadcast %broadcast_in_dim3A_391 : f32 to vector<16xf32>
    %broadcast_in_dim3A_393 = arith.constant 0.000000e+00 : f32
    %broadcast_in_dim3A_394 = vector.broadcast %broadcast_in_dim3A_393 : f32 to vector<16xf32>
    %broadcast_in_dim3A_395 = arith.constant 0.000000e+00 : f32
    %broadcast_in_dim3A_396 = vector.broadcast %broadcast_in_dim3A_395 : f32 to vector<16xf32>
    %broadcast_in_dim3A_397 = arith.constant 0.000000e+00 : f32
    %broadcast_in_dim3A_398 = vector.broadcast %broadcast_in_dim3A_397 : f32 to vector<16xf32>
    %broadcast_in_dim3A_399 = arith.constant 0.000000e+00 : f32
    %broadcast_in_dim3A_400 = vector.broadcast %broadcast_in_dim3A_399 : f32 to vector<16xf32>
    %broadcast_in_dim3A_401 = arith.constant 0.000000e+00 : f32
    %broadcast_in_dim3A_402 = vector.broadcast %broadcast_in_dim3A_401 : f32 to vector<16xf32>
    %broadcast_in_dim3A_403 = arith.constant 0.000000e+00 : f32
    %broadcast_in_dim3A_404 = vector.broadcast %broadcast_in_dim3A_403 : f32 to vector<16xf32>
    %broadcast_in_dim3A_405 = arith.constant 0.000000e+00 : f32
    %broadcast_in_dim3A_406 = vector.broadcast %broadcast_in_dim3A_405 : f32 to vector<16xf32>
    %broadcast_in_dim3A_407 = arith.constant 0.000000e+00 : f32
    %broadcast_in_dim3A_408 = vector.broadcast %broadcast_in_dim3A_407 : f32 to vector<16xf32>
    %broadcast_in_dim3A_409 = arith.constant 0.000000e+00 : f32
    %broadcast_in_dim3A_410 = vector.broadcast %broadcast_in_dim3A_409 : f32 to vector<16xf32>
    %broadcast_in_dim3A_411 = arith.constant 0.000000e+00 : f32
    %broadcast_in_dim3A_412 = vector.broadcast %broadcast_in_dim3A_411 : f32 to vector<16xf32>
    %broadcast_in_dim3A_413 = arith.constant 0.000000e+00 : f32
    %broadcast_in_dim3A_414 = vector.broadcast %broadcast_in_dim3A_413 : f32 to vector<16xf32>
    %broadcast_in_dim3A_415 = arith.constant 0.000000e+00 : f32
    %broadcast_in_dim3A_416 = vector.broadcast %broadcast_in_dim3A_415 : f32 to vector<16xf32>
    %broadcast_in_dim3A_417 = arith.constant 0.000000e+00 : f32
    %broadcast_in_dim3A_418 = vector.broadcast %broadcast_in_dim3A_417 : f32 to vector<16xf32>
    %broadcast_in_dim3A_419 = arith.constant 0.000000e+00 : f32
    %broadcast_in_dim3A_420 = vector.broadcast %broadcast_in_dim3A_419 : f32 to vector<16xf32>
    %scan3A_421 = arith.constant 0 : i32
    %scan3A_422 = arith.constant 64 : i32
    %scan3A_423 = arith.addi %scan3A_421, %scan3A_422 : i32
    %scan3A_424 = arith.constant 1 : i32
    %scan3A_425:32 = scf.for %scan3A_1324 = %scan3A_421 to %scan3A_423 step %scan3A_424 iter_args(%scan3A_1325 = %broadcast_in_dim3A_390, %scan3A_1326 = %broadcast_in_dim3A_392, %scan3A_1327 = %broadcast_in_dim3A_394, %scan3A_1328 = %broadcast_in_dim3A_396, %scan3A_1329 = %broadcast_in_dim3A_398, %scan3A_1330 = %broadcast_in_dim3A_400, %scan3A_1331 = %broadcast_in_dim3A_402, %scan3A_1332 = %broadcast_in_dim3A_404, %scan3A_1333 = %broadcast_in_dim3A_406, %scan3A_1334 = %broadcast_in_dim3A_408, %scan3A_1335 = %broadcast_in_dim3A_410, %scan3A_1336 = %broadcast_in_dim3A_412, %scan3A_1337 = %broadcast_in_dim3A_414, %scan3A_1338 = %broadcast_in_dim3A_416, %scan3A_1339 = %broadcast_in_dim3A_418, %scan3A_1340 = %broadcast_in_dim3A_420, %scan3A_1341 = %broadcast_in_dim3A_390, %scan3A_1342 = %broadcast_in_dim3A_392, %scan3A_1343 = %broadcast_in_dim3A_394, %scan3A_1344 = %broadcast_in_dim3A_396, %scan3A_1345 = %broadcast_in_dim3A_398, %scan3A_1346 = %broadcast_in_dim3A_400, %scan3A_1347 = %broadcast_in_dim3A_402, %scan3A_1348 = %broadcast_in_dim3A_404, %scan3A_1349 = %broadcast_in_dim3A_406, %scan3A_1350 = %broadcast_in_dim3A_408, %scan3A_1351 = %broadcast_in_dim3A_410, %scan3A_1352 = %broadcast_in_dim3A_412, %scan3A_1353 = %broadcast_in_dim3A_414, %scan3A_1354 = %broadcast_in_dim3A_416, %scan3A_1355 = %broadcast_in_dim3A_418, %scan3A_1356 = %broadcast_in_dim3A_420) -> (vector<16xf32>, vector<16xf32>, vector<16xf32>, vector<16xf32>, vector<16xf32>, vector<16xf32>, vector<16xf32>, vector<16xf32>, vector<16xf32>, vector<16xf32>, vector<16xf32>, vector<16xf32>, vector<16xf32>, vector<16xf32>, vector<16xf32>, vector<16xf32>, vector<16xf32>, vector<16xf32>, vector<16xf32>, vector<16xf32>, vector<16xf32>, vector<16xf32>, vector<16xf32>, vector<16xf32>, vector<16xf32>, vector<16xf32>, vector<16xf32>, vector<16xf32>, vector<16xf32>, vector<16xf32>, vector<16xf32>, vector<16xf32>)  : i32 {
      %mul3A_1357 = arith.constant 16 : i32
      %mul3A_1358 = arith.muli %scan3A_1324, %mul3A_1357 : i32
      %get3A = arith.constant 0 : i32
      %get3A_1359 = arith.index_cast %get3A : i32 to index
      %get3A_1360 = arith.index_cast %mul3A_1358 : i32 to index
      %get3A_1361 = tpu.vector_load %arg6[%get3A_1359, %get3A_1360] {strides = array<i32>} : memref<2x1024xf32, #tpu.memory_space<vmem>>, vector<16xf32>,
      %get3A_1362 = arith.constant 1 : i32
      %get3A_1363 = arith.index_cast %get3A_1362 : i32 to index
      %get3A_1364 = arith.index_cast %mul3A_1358 : i32 to index
      %get3A_1365 = tpu.vector_load %arg6[%get3A_1363, %get3A_1364] {strides = array<i32>} : memref<2x1024xf32, #tpu.memory_space<vmem>>, vector<16xf32>,
      %get3A_1366 = arith.constant 1 : i32
      %get3A_1367 = arith.constant 0 : i32
      %get3A_1368 = arith.index_cast %get3A_1366 : i32 to index
      %get3A_1369 = arith.index_cast %get3A_1367 : i32 to index
      %get3A_1370 = arith.index_cast %mul3A_1358 : i32 to index
      %get3A_1371 = tpu.vector_load %arg7[%get3A_1368, %get3A_1369, %get3A_1370] {strides = array<i32>} : memref<4x16x1024xf32, #tpu.memory_space<vmem>>, vector<16xf32>,
      %mul3A_1372 = arith.mulf %get3A_1371, %get3A_1361 : vector<16xf32>
      %add3A_1373 = arith.addf %scan3A_1325, %mul3A_1372 : vector<16xf32>
      %mul3A_1374 = arith.mulf %get3A_1371, %get3A_1365 : vector<16xf32>
      %add3A_1375 = arith.addf %scan3A_1341, %mul3A_1374 : vector<16xf32>
      %get3A_1376 = arith.constant 1 : i32
      %get3A_1377 = arith.constant 1 : i32
      %get3A_1378 = arith.index_cast %get3A_1376 : i32 to index
      %get3A_1379 = arith.index_cast %get3A_1377 : i32 to index
      %get3A_1380 = arith.index_cast %mul3A_1358 : i32 to index
      %get3A_1381 = tpu.vector_load %arg7[%get3A_1378, %get3A_1379, %get3A_1380] {strides = array<i32>} : memref<4x16x1024xf32, #tpu.memory_space<vmem>>, vector<16xf32>,
      %mul3A_1382 = arith.mulf %get3A_1381, %get3A_1361 : vector<16xf32>
      %add3A_1383 = arith.addf %scan3A_1326, %mul3A_1382 : vector<16xf32>
      %mul3A_1384 = arith.mulf %get3A_1381, %get3A_1365 : vector<16xf32>
      %add3A_1385 = arith.addf %scan3A_1342, %mul3A_1384 : vector<16xf32>
      %get3A_1386 = arith.constant 1 : i32
      %get3A_1387 = arith.constant 2 : i32
      %get3A_1388 = arith.index_cast %get3A_1386 : i32 to index
      %get3A_1389 = arith.index_cast %get3A_1387 : i32 to index
      %get3A_1390 = arith.index_cast %mul3A_1358 : i32 to index
      %get3A_1391 = tpu.vector_load %arg7[%get3A_1388, %get3A_1389, %get3A_1390] {strides = array<i32>} : memref<4x16x1024xf32, #tpu.memory_space<vmem>>, vector<16xf32>,
      %mul3A_1392 = arith.mulf %get3A_1391, %get3A_1361 : vector<16xf32>
      %add3A_1393 = arith.addf %scan3A_1327, %mul3A_1392 : vector<16xf32>
      %mul3A_1394 = arith.mulf %get3A_1391, %get3A_1365 : vector<16xf32>
      %add3A_1395 = arith.addf %scan3A_1343, %mul3A_1394 : vector<16xf32>
      %get3A_1396 = arith.constant 1 : i32
      %get3A_1397 = arith.constant 3 : i32
      %get3A_1398 = arith.index_cast %get3A_1396 : i32 to index
      %get3A_1399 = arith.index_cast %get3A_1397 : i32 to index
      %get3A_1400 = arith.index_cast %mul3A_1358 : i32 to index
      %get3A_1401 = tpu.vector_load %arg7[%get3A_1398, %get3A_1399, %get3A_1400] {strides = array<i32>} : memref<4x16x1024xf32, #tpu.memory_space<vmem>>, vector<16xf32>,
      %mul3A_1402 = arith.mulf %get3A_1401, %get3A_1361 : vector<16xf32>
      %add3A_1403 = arith.addf %scan3A_1328, %mul3A_1402 : vector<16xf32>
      %mul3A_1404 = arith.mulf %get3A_1401, %get3A_1365 : vector<16xf32>
      %add3A_1405 = arith.addf %scan3A_1344, %mul3A_1404 : vector<16xf32>
      %get3A_1406 = arith.constant 1 : i32
      %get3A_1407 = arith.constant 4 : i32
      %get3A_1408 = arith.index_cast %get3A_1406 : i32 to index
      %get3A_1409 = arith.index_cast %get3A_1407 : i32 to index
      %get3A_1410 = arith.index_cast %mul3A_1358 : i32 to index
      %get3A_1411 = tpu.vector_load %arg7[%get3A_1408, %get3A_1409, %get3A_1410] {strides = array<i32>} : memref<4x16x1024xf32, #tpu.memory_space<vmem>>, vector<16xf32>,
      %mul3A_1412 = arith.mulf %get3A_1411, %get3A_1361 : vector<16xf32>
      %add3A_1413 = arith.addf %scan3A_1329, %mul3A_1412 : vector<16xf32>
      %mul3A_1414 = arith.mulf %get3A_1411, %get3A_1365 : vector<16xf32>
      %add3A_1415 = arith.addf %scan3A_1345, %mul3A_1414 : vector<16xf32>
      %get3A_1416 = arith.constant 1 : i32
      %get3A_1417 = arith.constant 5 : i32
      %get3A_1418 = arith.index_cast %get3A_1416 : i32 to index
      %get3A_1419 = arith.index_cast %get3A_1417 : i32 to index
      %get3A_1420 = arith.index_cast %mul3A_1358 : i32 to index
      %get3A_1421 = tpu.vector_load %arg7[%get3A_1418, %get3A_1419, %get3A_1420] {strides = array<i32>} : memref<4x16x1024xf32, #tpu.memory_space<vmem>>, vector<16xf32>,
      %mul3A_1422 = arith.mulf %get3A_1421, %get3A_1361 : vector<16xf32>
      %add3A_1423 = arith.addf %scan3A_1330, %mul3A_1422 : vector<16xf32>
      %mul3A_1424 = arith.mulf %get3A_1421, %get3A_1365 : vector<16xf32>
      %add3A_1425 = arith.addf %scan3A_1346, %mul3A_1424 : vector<16xf32>
      %get3A_1426 = arith.constant 1 : i32
      %get3A_1427 = arith.constant 6 : i32
      %get3A_1428 = arith.index_cast %get3A_1426 : i32 to index
      %get3A_1429 = arith.index_cast %get3A_1427 : i32 to index
      %get3A_1430 = arith.index_cast %mul3A_1358 : i32 to index
      %get3A_1431 = tpu.vector_load %arg7[%get3A_1428, %get3A_1429, %get3A_1430] {strides = array<i32>} : memref<4x16x1024xf32, #tpu.memory_space<vmem>>, vector<16xf32>,
      %mul3A_1432 = arith.mulf %get3A_1431, %get3A_1361 : vector<16xf32>
      %add3A_1433 = arith.addf %scan3A_1331, %mul3A_1432 : vector<16xf32>
      %mul3A_1434 = arith.mulf %get3A_1431, %get3A_1365 : vector<16xf32>
      %add3A_1435 = arith.addf %scan3A_1347, %mul3A_1434 : vector<16xf32>
      %get3A_1436 = arith.constant 1 : i32
      %get3A_1437 = arith.constant 7 : i32
      %get3A_1438 = arith.index_cast %get3A_1436 : i32 to index
      %get3A_1439 = arith.index_cast %get3A_1437 : i32 to index
      %get3A_1440 = arith.index_cast %mul3A_1358 : i32 to index
      %get3A_1441 = tpu.vector_load %arg7[%get3A_1438, %get3A_1439, %get3A_1440] {strides = array<i32>} : memref<4x16x1024xf32, #tpu.memory_space<vmem>>, vector<16xf32>,
      %mul3A_1442 = arith.mulf %get3A_1441, %get3A_1361 : vector<16xf32>
      %add3A_1443 = arith.addf %scan3A_1332, %mul3A_1442 : vector<16xf32>
      %mul3A_1444 = arith.mulf %get3A_1441, %get3A_1365 : vector<16xf32>
      %add3A_1445 = arith.addf %scan3A_1348, %mul3A_1444 : vector<16xf32>
      %get3A_1446 = arith.constant 1 : i32
      %get3A_1447 = arith.constant 8 : i32
      %get3A_1448 = arith.index_cast %get3A_1446 : i32 to index
      %get3A_1449 = arith.index_cast %get3A_1447 : i32 to index
      %get3A_1450 = arith.index_cast %mul3A_1358 : i32 to index
      %get3A_1451 = tpu.vector_load %arg7[%get3A_1448, %get3A_1449, %get3A_1450] {strides = array<i32>} : memref<4x16x1024xf32, #tpu.memory_space<vmem>>, vector<16xf32>,
      %mul3A_1452 = arith.mulf %get3A_1451, %get3A_1361 : vector<16xf32>
      %add3A_1453 = arith.addf %scan3A_1333, %mul3A_1452 : vector<16xf32>
      %mul3A_1454 = arith.mulf %get3A_1451, %get3A_1365 : vector<16xf32>
      %add3A_1455 = arith.addf %scan3A_1349, %mul3A_1454 : vector<16xf32>
      %get3A_1456 = arith.constant 1 : i32
      %get3A_1457 = arith.constant 9 : i32
      %get3A_1458 = arith.index_cast %get3A_1456 : i32 to index
      %get3A_1459 = arith.index_cast %get3A_1457 : i32 to index
      %get3A_1460 = arith.index_cast %mul3A_1358 : i32 to index
      %get3A_1461 = tpu.vector_load %arg7[%get3A_1458, %get3A_1459, %get3A_1460] {strides = array<i32>} : memref<4x16x1024xf32, #tpu.memory_space<vmem>>, vector<16xf32>,
      %mul3A_1462 = arith.mulf %get3A_1461, %get3A_1361 : vector<16xf32>
      %add3A_1463 = arith.addf %scan3A_1334, %mul3A_1462 : vector<16xf32>
      %mul3A_1464 = arith.mulf %get3A_1461, %get3A_1365 : vector<16xf32>
      %add3A_1465 = arith.addf %scan3A_1350, %mul3A_1464 : vector<16xf32>
      %get3A_1466 = arith.constant 1 : i32
      %get3A_1467 = arith.constant 10 : i32
      %get3A_1468 = arith.index_cast %get3A_1466 : i32 to index
      %get3A_1469 = arith.index_cast %get3A_1467 : i32 to index
      %get3A_1470 = arith.index_cast %mul3A_1358 : i32 to index
      %get3A_1471 = tpu.vector_load %arg7[%get3A_1468, %get3A_1469, %get3A_1470] {strides = array<i32>} : memref<4x16x1024xf32, #tpu.memory_space<vmem>>, vector<16xf32>,
      %mul3A_1472 = arith.mulf %get3A_1471, %get3A_1361 : vector<16xf32>
      %add3A_1473 = arith.addf %scan3A_1335, %mul3A_1472 : vector<16xf32>
      %mul3A_1474 = arith.mulf %get3A_1471, %get3A_1365 : vector<16xf32>
      %add3A_1475 = arith.addf %scan3A_1351, %mul3A_1474 : vector<16xf32>
      %get3A_1476 = arith.constant 1 : i32
      %get3A_1477 = arith.constant 11 : i32
      %get3A_1478 = arith.index_cast %get3A_1476 : i32 to index
      %get3A_1479 = arith.index_cast %get3A_1477 : i32 to index
      %get3A_1480 = arith.index_cast %mul3A_1358 : i32 to index
      %get3A_1481 = tpu.vector_load %arg7[%get3A_1478, %get3A_1479, %get3A_1480] {strides = array<i32>} : memref<4x16x1024xf32, #tpu.memory_space<vmem>>, vector<16xf32>,
      %mul3A_1482 = arith.mulf %get3A_1481, %get3A_1361 : vector<16xf32>
      %add3A_1483 = arith.addf %scan3A_1336, %mul3A_1482 : vector<16xf32>
      %mul3A_1484 = arith.mulf %get3A_1481, %get3A_1365 : vector<16xf32>
      %add3A_1485 = arith.addf %scan3A_1352, %mul3A_1484 : vector<16xf32>
      %get3A_1486 = arith.constant 1 : i32
      %get3A_1487 = arith.constant 12 : i32
      %get3A_1488 = arith.index_cast %get3A_1486 : i32 to index
      %get3A_1489 = arith.index_cast %get3A_1487 : i32 to index
      %get3A_1490 = arith.index_cast %mul3A_1358 : i32 to index
      %get3A_1491 = tpu.vector_load %arg7[%get3A_1488, %get3A_1489, %get3A_1490] {strides = array<i32>} : memref<4x16x1024xf32, #tpu.memory_space<vmem>>, vector<16xf32>,
      %mul3A_1492 = arith.mulf %get3A_1491, %get3A_1361 : vector<16xf32>
      %add3A_1493 = arith.addf %scan3A_1337, %mul3A_1492 : vector<16xf32>
      %mul3A_1494 = arith.mulf %get3A_1491, %get3A_1365 : vector<16xf32>
      %add3A_1495 = arith.addf %scan3A_1353, %mul3A_1494 : vector<16xf32>
      %get3A_1496 = arith.constant 1 : i32
      %get3A_1497 = arith.constant 13 : i32
      %get3A_1498 = arith.index_cast %get3A_1496 : i32 to index
      %get3A_1499 = arith.index_cast %get3A_1497 : i32 to index
      %get3A_1500 = arith.index_cast %mul3A_1358 : i32 to index
      %get3A_1501 = tpu.vector_load %arg7[%get3A_1498, %get3A_1499, %get3A_1500] {strides = array<i32>} : memref<4x16x1024xf32, #tpu.memory_space<vmem>>, vector<16xf32>,
      %mul3A_1502 = arith.mulf %get3A_1501, %get3A_1361 : vector<16xf32>
      %add3A_1503 = arith.addf %scan3A_1338, %mul3A_1502 : vector<16xf32>
      %mul3A_1504 = arith.mulf %get3A_1501, %get3A_1365 : vector<16xf32>
      %add3A_1505 = arith.addf %scan3A_1354, %mul3A_1504 : vector<16xf32>
      %get3A_1506 = arith.constant 1 : i32
      %get3A_1507 = arith.constant 14 : i32
      %get3A_1508 = arith.index_cast %get3A_1506 : i32 to index
      %get3A_1509 = arith.index_cast %get3A_1507 : i32 to index
      %get3A_1510 = arith.index_cast %mul3A_1358 : i32 to index
      %get3A_1511 = tpu.vector_load %arg7[%get3A_1508, %get3A_1509, %get3A_1510] {strides = array<i32>} : memref<4x16x1024xf32, #tpu.memory_space<vmem>>, vector<16xf32>,
      %mul3A_1512 = arith.mulf %get3A_1511, %get3A_1361 : vector<16xf32>
      %add3A_1513 = arith.addf %scan3A_1339, %mul3A_1512 : vector<16xf32>
      %mul3A_1514 = arith.mulf %get3A_1511, %get3A_1365 : vector<16xf32>
      %add3A_1515 = arith.addf %scan3A_1355, %mul3A_1514 : vector<16xf32>
      %get3A_1516 = arith.constant 1 : i32
      %get3A_1517 = arith.constant 15 : i32
      %get3A_1518 = arith.index_cast %get3A_1516 : i32 to index
      %get3A_1519 = arith.index_cast %get3A_1517 : i32 to index
      %get3A_1520 = arith.index_cast %mul3A_1358 : i32 to index
      %get3A_1521 = tpu.vector_load %arg7[%get3A_1518, %get3A_1519, %get3A_1520] {strides = array<i32>} : memref<4x16x1024xf32, #tpu.memory_space<vmem>>, vector<16xf32>,
      %mul3A_1522 = arith.mulf %get3A_1521, %get3A_1361 : vector<16xf32>
      %add3A_1523 = arith.addf %scan3A_1340, %mul3A_1522 : vector<16xf32>
      %mul3A_1524 = arith.mulf %get3A_1521, %get3A_1365 : vector<16xf32>
      %add3A_1525 = arith.addf %scan3A_1356, %mul3A_1524 : vector<16xf32>
      scf.yield %add3A_1373, %add3A_1383, %add3A_1393, %add3A_1403, %add3A_1413, %add3A_1423, %add3A_1433, %add3A_1443, %add3A_1453, %add3A_1463, %add3A_1473, %add3A_1483, %add3A_1493, %add3A_1503, %add3A_1513, %add3A_1523, %add3A_1375, %add3A_1385, %add3A_1395, %add3A_1405, %add3A_1415, %add3A_1425, %add3A_1435, %add3A_1445, %add3A_1455, %add3A_1465, %add3A_1475, %add3A_1485, %add3A_1495, %add3A_1505, %add3A_1515, %add3A_1525 : vector<16xf32>, vector<16xf32>, vector<16xf32>, vector<16xf32>, vector<16xf32>, vector<16xf32>, vector<16xf32>, vector<16xf32>, vector<16xf32>, vector<16xf32>, vector<16xf32>, vector<16xf32>, vector<16xf32>, vector<16xf32>, vector<16xf32>, vector<16xf32>, vector<16xf32>, vector<16xf32>, vector<16xf32>, vector<16xf32>, vector<16xf32>, vector<16xf32>, vector<16xf32>, vector<16xf32>, vector<16xf32>, vector<16xf32>, vector<16xf32>, vector<16xf32>, vector<16xf32>, vector<16xf32>, vector<16xf32>, vector<16xf32>
    }
    %scan3A_426 = arith.constant 64 : i32
    %swap3A_427 = arith.constant 0 : i32
    %swap3A_428 = arith.index_cast %swap3A_427 : i32 to index
    %swap3A_429 = arith.constant 0 : index
    %swap3A_430 = tpu.vector_load %arg9[%swap3A_428, %swap3A_429] {strides = array<i32>} : memref<16x16xf32, #tpu.memory_space<vmem>>, vector<16xf32>,
    tpu.vector_store %arg9[%swap3A_428, %swap3A_429], %scan3A_425#0 {strides = array<i32>} : memref<16x16xf32, #tpu.memory_space<vmem>>, vector<16xf32>,
    %swap3A_431 = arith.constant 1 : i32
    %swap3A_432 = arith.index_cast %swap3A_431 : i32 to index
    %swap3A_433 = arith.constant 0 : index
    %swap3A_434 = tpu.vector_load %arg9[%swap3A_432, %swap3A_433] {strides = array<i32>} : memref<16x16xf32, #tpu.memory_space<vmem>>, vector<16xf32>,
    tpu.vector_store %arg9[%swap3A_432, %swap3A_433], %scan3A_425#1 {strides = array<i32>} : memref<16x16xf32, #tpu.memory_space<vmem>>, vector<16xf32>,
    %swap3A_435 = arith.constant 2 : i32
    %swap3A_436 = arith.index_cast %swap3A_435 : i32 to index
    %swap3A_437 = arith.constant 0 : index
    %swap3A_438 = tpu.vector_load %arg9[%swap3A_436, %swap3A_437] {strides = array<i32>} : memref<16x16xf32, #tpu.memory_space<vmem>>, vector<16xf32>,
    tpu.vector_store %arg9[%swap3A_436, %swap3A_437], %scan3A_425#2 {strides = array<i32>} : memref<16x16xf32, #tpu.memory_space<vmem>>, vector<16xf32>,
    %swap3A_439 = arith.constant 3 : i32
    %swap3A_440 = arith.index_cast %swap3A_439 : i32 to index
    %swap3A_441 = arith.constant 0 : index
    %swap3A_442 = tpu.vector_load %arg9[%swap3A_440, %swap3A_441] {strides = array<i32>} : memref<16x16xf32, #tpu.memory_space<vmem>>, vector<16xf32>,
    tpu.vector_store %arg9[%swap3A_440, %swap3A_441], %scan3A_425#3 {strides = array<i32>} : memref<16x16xf32, #tpu.memory_space<vmem>>, vector<16xf32>,
    %swap3A_443 = arith.constant 4 : i32
    %swap3A_444 = arith.index_cast %swap3A_443 : i32 to index
    %swap3A_445 = arith.constant 0 : index
    %swap3A_446 = tpu.vector_load %arg9[%swap3A_444, %swap3A_445] {strides = array<i32>} : memref<16x16xf32, #tpu.memory_space<vmem>>, vector<16xf32>,
    tpu.vector_store %arg9[%swap3A_444, %swap3A_445], %scan3A_425#4 {strides = array<i32>} : memref<16x16xf32, #tpu.memory_space<vmem>>, vector<16xf32>,
    %swap3A_447 = arith.constant 5 : i32
    %swap3A_448 = arith.index_cast %swap3A_447 : i32 to index
    %swap3A_449 = arith.constant 0 : index
    %swap3A_450 = tpu.vector_load %arg9[%swap3A_448, %swap3A_449] {strides = array<i32>} : memref<16x16xf32, #tpu.memory_space<vmem>>, vector<16xf32>,
    tpu.vector_store %arg9[%swap3A_448, %swap3A_449], %scan3A_425#5 {strides = array<i32>} : memref<16x16xf32, #tpu.memory_space<vmem>>, vector<16xf32>,
    %swap3A_451 = arith.constant 6 : i32
    %swap3A_452 = arith.index_cast %swap3A_451 : i32 to index
    %swap3A_453 = arith.constant 0 : index
    %swap3A_454 = tpu.vector_load %arg9[%swap3A_452, %swap3A_453] {strides = array<i32>} : memref<16x16xf32, #tpu.memory_space<vmem>>, vector<16xf32>,
    tpu.vector_store %arg9[%swap3A_452, %swap3A_453], %scan3A_425#6 {strides = array<i32>} : memref<16x16xf32, #tpu.memory_space<vmem>>, vector<16xf32>,
    %swap3A_455 = arith.constant 7 : i32
    %swap3A_456 = arith.index_cast %swap3A_455 : i32 to index
    %swap3A_457 = arith.constant 0 : index
    %swap3A_458 = tpu.vector_load %arg9[%swap3A_456, %swap3A_457] {strides = array<i32>} : memref<16x16xf32, #tpu.memory_space<vmem>>, vector<16xf32>,
    tpu.vector_store %arg9[%swap3A_456, %swap3A_457], %scan3A_425#7 {strides = array<i32>} : memref<16x16xf32, #tpu.memory_space<vmem>>, vector<16xf32>,
    %swap3A_459 = arith.constant 8 : i32
    %swap3A_460 = arith.index_cast %swap3A_459 : i32 to index
    %swap3A_461 = arith.constant 0 : index
    %swap3A_462 = tpu.vector_load %arg9[%swap3A_460, %swap3A_461] {strides = array<i32>} : memref<16x16xf32, #tpu.memory_space<vmem>>, vector<16xf32>,
    tpu.vector_store %arg9[%swap3A_460, %swap3A_461], %scan3A_425#8 {strides = array<i32>} : memref<16x16xf32, #tpu.memory_space<vmem>>, vector<16xf32>,
    %swap3A_463 = arith.constant 9 : i32
    %swap3A_464 = arith.index_cast %swap3A_463 : i32 to index
    %swap3A_465 = arith.constant 0 : index
    %swap3A_466 = tpu.vector_load %arg9[%swap3A_464, %swap3A_465] {strides = array<i32>} : memref<16x16xf32, #tpu.memory_space<vmem>>, vector<16xf32>,
    tpu.vector_store %arg9[%swap3A_464, %swap3A_465], %scan3A_425#9 {strides = array<i32>} : memref<16x16xf32, #tpu.memory_space<vmem>>, vector<16xf32>,
    %swap3A_467 = arith.constant 10 : i32
    %swap3A_468 = arith.index_cast %swap3A_467 : i32 to index
    %swap3A_469 = arith.constant 0 : index
    %swap3A_470 = tpu.vector_load %arg9[%swap3A_468, %swap3A_469] {strides = array<i32>} : memref<16x16xf32, #tpu.memory_space<vmem>>, vector<16xf32>,
    tpu.vector_store %arg9[%swap3A_468, %swap3A_469], %scan3A_425#10 {strides = array<i32>} : memref<16x16xf32, #tpu.memory_space<vmem>>, vector<16xf32>,
    %swap3A_471 = arith.constant 11 : i32
    %swap3A_472 = arith.index_cast %swap3A_471 : i32 to index
    %swap3A_473 = arith.constant 0 : index
    %swap3A_474 = tpu.vector_load %arg9[%swap3A_472, %swap3A_473] {strides = array<i32>} : memref<16x16xf32, #tpu.memory_space<vmem>>, vector<16xf32>,
    tpu.vector_store %arg9[%swap3A_472, %swap3A_473], %scan3A_425#11 {strides = array<i32>} : memref<16x16xf32, #tpu.memory_space<vmem>>, vector<16xf32>,
    %swap3A_475 = arith.constant 12 : i32
    %swap3A_476 = arith.index_cast %swap3A_475 : i32 to index
    %swap3A_477 = arith.constant 0 : index
    %swap3A_478 = tpu.vector_load %arg9[%swap3A_476, %swap3A_477] {strides = array<i32>} : memref<16x16xf32, #tpu.memory_space<vmem>>, vector<16xf32>,
    tpu.vector_store %arg9[%swap3A_476, %swap3A_477], %scan3A_425#12 {strides = array<i32>} : memref<16x16xf32, #tpu.memory_space<vmem>>, vector<16xf32>,
    %swap3A_479 = arith.constant 13 : i32
    %swap3A_480 = arith.index_cast %swap3A_479 : i32 to index
    %swap3A_481 = arith.constant 0 : index
    %swap3A_482 = tpu.vector_load %arg9[%swap3A_480, %swap3A_481] {strides = array<i32>} : memref<16x16xf32, #tpu.memory_space<vmem>>, vector<16xf32>,
    tpu.vector_store %arg9[%swap3A_480, %swap3A_481], %scan3A_425#13 {strides = array<i32>} : memref<16x16xf32, #tpu.memory_space<vmem>>, vector<16xf32>,
    %swap3A_483 = arith.constant 14 : i32
    %swap3A_484 = arith.index_cast %swap3A_483 : i32 to index
    %swap3A_485 = arith.constant 0 : index
    %swap3A_486 = tpu.vector_load %arg9[%swap3A_484, %swap3A_485] {strides = array<i32>} : memref<16x16xf32, #tpu.memory_space<vmem>>, vector<16xf32>,
    tpu.vector_store %arg9[%swap3A_484, %swap3A_485], %scan3A_425#14 {strides = array<i32>} : memref<16x16xf32, #tpu.memory_space<vmem>>, vector<16xf32>,
    %swap3A_487 = arith.constant 15 : i32
    %swap3A_488 = arith.index_cast %swap3A_487 : i32 to index
    %swap3A_489 = arith.constant 0 : index
    %swap3A_490 = tpu.vector_load %arg9[%swap3A_488, %swap3A_489] {strides = array<i32>} : memref<16x16xf32, #tpu.memory_space<vmem>>, vector<16xf32>,
    tpu.vector_store %arg9[%swap3A_488, %swap3A_489], %scan3A_425#15 {strides = array<i32>} : memref<16x16xf32, #tpu.memory_space<vmem>>, vector<16xf32>,
    %broadcast_in_dim3A_491 = arith.constant 0 : i32
    %broadcast_in_dim3A_492 = vector.broadcast %broadcast_in_dim3A_491 : i32 to vector<16xi32>
    %gather3A_493 = tpu.vector_load_idx %arg9[%iota3A, %broadcast_in_dim3A_492] : memref<16x16xf32, #tpu.memory_space<vmem>>[vector<16xi32>, vector<16xi32>], vector<16xf32>,
    %broadcast_in_dim3A_494 = arith.constant 1 : i32
    %broadcast_in_dim3A_495 = vector.broadcast %broadcast_in_dim3A_494 : i32 to vector<16xi32>
    %gather3A_496 = tpu.vector_load_idx %arg9[%iota3A, %broadcast_in_dim3A_495] : memref<16x16xf32, #tpu.memory_space<vmem>>[vector<16xi32>, vector<16xi32>], vector<16xf32>,
    %add3A_497 = arith.addf %gather3A_493, %gather3A_496 : vector<16xf32>
    %broadcast_in_dim3A_498 = arith.constant 2 : i32
    %broadcast_in_dim3A_499 = vector.broadcast %broadcast_in_dim3A_498 : i32 to vector<16xi32>
    %gather3A_500 = tpu.vector_load_idx %arg9[%iota3A, %broadcast_in_dim3A_499] : memref<16x16xf32, #tpu.memory_space<vmem>>[vector<16xi32>, vector<16xi32>], vector<16xf32>,
    %add3A_501 = arith.addf %add3A_497, %gather3A_500 : vector<16xf32>
    %broadcast_in_dim3A_502 = arith.constant 3 : i32
    %broadcast_in_dim3A_503 = vector.broadcast %broadcast_in_dim3A_502 : i32 to vector<16xi32>
    %gather3A_504 = tpu.vector_load_idx %arg9[%iota3A, %broadcast_in_dim3A_503] : memref<16x16xf32, #tpu.memory_space<vmem>>[vector<16xi32>, vector<16xi32>], vector<16xf32>,
    %add3A_505 = arith.addf %add3A_501, %gather3A_504 : vector<16xf32>
    %broadcast_in_dim3A_506 = arith.constant 4 : i32
    %broadcast_in_dim3A_507 = vector.broadcast %broadcast_in_dim3A_506 : i32 to vector<16xi32>
    %gather3A_508 = tpu.vector_load_idx %arg9[%iota3A, %broadcast_in_dim3A_507] : memref<16x16xf32, #tpu.memory_space<vmem>>[vector<16xi32>, vector<16xi32>], vector<16xf32>,
    %add3A_509 = arith.addf %add3A_505, %gather3A_508 : vector<16xf32>
    %broadcast_in_dim3A_510 = arith.constant 5 : i32
    %broadcast_in_dim3A_511 = vector.broadcast %broadcast_in_dim3A_510 : i32 to vector<16xi32>
    %gather3A_512 = tpu.vector_load_idx %arg9[%iota3A, %broadcast_in_dim3A_511] : memref<16x16xf32, #tpu.memory_space<vmem>>[vector<16xi32>, vector<16xi32>], vector<16xf32>,
    %add3A_513 = arith.addf %add3A_509, %gather3A_512 : vector<16xf32>
    %broadcast_in_dim3A_514 = arith.constant 6 : i32
    %broadcast_in_dim3A_515 = vector.broadcast %broadcast_in_dim3A_514 : i32 to vector<16xi32>
    %gather3A_516 = tpu.vector_load_idx %arg9[%iota3A, %broadcast_in_dim3A_515] : memref<16x16xf32, #tpu.memory_space<vmem>>[vector<16xi32>, vector<16xi32>], vector<16xf32>,
    %add3A_517 = arith.addf %add3A_513, %gather3A_516 : vector<16xf32>
    %broadcast_in_dim3A_518 = arith.constant 7 : i32
    %broadcast_in_dim3A_519 = vector.broadcast %broadcast_in_dim3A_518 : i32 to vector<16xi32>
    %gather3A_520 = tpu.vector_load_idx %arg9[%iota3A, %broadcast_in_dim3A_519] : memref<16x16xf32, #tpu.memory_space<vmem>>[vector<16xi32>, vector<16xi32>], vector<16xf32>,
    %add3A_521 = arith.addf %add3A_517, %gather3A_520 : vector<16xf32>
    %broadcast_in_dim3A_522 = arith.constant 8 : i32
    %broadcast_in_dim3A_523 = vector.broadcast %broadcast_in_dim3A_522 : i32 to vector<16xi32>
    %gather3A_524 = tpu.vector_load_idx %arg9[%iota3A, %broadcast_in_dim3A_523] : memref<16x16xf32, #tpu.memory_space<vmem>>[vector<16xi32>, vector<16xi32>], vector<16xf32>,
    %add3A_525 = arith.addf %add3A_521, %gather3A_524 : vector<16xf32>
    %broadcast_in_dim3A_526 = arith.constant 9 : i32
    %broadcast_in_dim3A_527 = vector.broadcast %broadcast_in_dim3A_526 : i32 to vector<16xi32>
    %gather3A_528 = tpu.vector_load_idx %arg9[%iota3A, %broadcast_in_dim3A_527] : memref<16x16xf32, #tpu.memory_space<vmem>>[vector<16xi32>, vector<16xi32>], vector<16xf32>,
    %add3A_529 = arith.addf %add3A_525, %gather3A_528 : vector<16xf32>
    %broadcast_in_dim3A_530 = arith.constant 10 : i32
    %broadcast_in_dim3A_531 = vector.broadcast %broadcast_in_dim3A_530 : i32 to vector<16xi32>
    %gather3A_532 = tpu.vector_load_idx %arg9[%iota3A, %broadcast_in_dim3A_531] : memref<16x16xf32, #tpu.memory_space<vmem>>[vector<16xi32>, vector<16xi32>], vector<16xf32>,
    %add3A_533 = arith.addf %add3A_529, %gather3A_532 : vector<16xf32>
    %broadcast_in_dim3A_534 = arith.constant 11 : i32
    %broadcast_in_dim3A_535 = vector.broadcast %broadcast_in_dim3A_534 : i32 to vector<16xi32>
    %gather3A_536 = tpu.vector_load_idx %arg9[%iota3A, %broadcast_in_dim3A_535] : memref<16x16xf32, #tpu.memory_space<vmem>>[vector<16xi32>, vector<16xi32>], vector<16xf32>,
    %add3A_537 = arith.addf %add3A_533, %gather3A_536 : vector<16xf32>
    %broadcast_in_dim3A_538 = arith.constant 12 : i32
    %broadcast_in_dim3A_539 = vector.broadcast %broadcast_in_dim3A_538 : i32 to vector<16xi32>
    %gather3A_540 = tpu.vector_load_idx %arg9[%iota3A, %broadcast_in_dim3A_539] : memref<16x16xf32, #tpu.memory_space<vmem>>[vector<16xi32>, vector<16xi32>], vector<16xf32>,
    %add3A_541 = arith.addf %add3A_537, %gather3A_540 : vector<16xf32>
    %broadcast_in_dim3A_542 = arith.constant 13 : i32
    %broadcast_in_dim3A_543 = vector.broadcast %broadcast_in_dim3A_542 : i32 to vector<16xi32>
    %gather3A_544 = tpu.vector_load_idx %arg9[%iota3A, %broadcast_in_dim3A_543] : memref<16x16xf32, #tpu.memory_space<vmem>>[vector<16xi32>, vector<16xi32>], vector<16xf32>,
    %add3A_545 = arith.addf %add3A_541, %gather3A_544 : vector<16xf32>
    %broadcast_in_dim3A_546 = arith.constant 14 : i32
    %broadcast_in_dim3A_547 = vector.broadcast %broadcast_in_dim3A_546 : i32 to vector<16xi32>
    %gather3A_548 = tpu.vector_load_idx %arg9[%iota3A, %broadcast_in_dim3A_547] : memref<16x16xf32, #tpu.memory_space<vmem>>[vector<16xi32>, vector<16xi32>], vector<16xf32>,
    %add3A_549 = arith.addf %add3A_545, %gather3A_548 : vector<16xf32>
    %broadcast_in_dim3A_550 = arith.constant 15 : i32
    %broadcast_in_dim3A_551 = vector.broadcast %broadcast_in_dim3A_550 : i32 to vector<16xi32>
    %gather3A_552 = tpu.vector_load_idx %arg9[%iota3A, %broadcast_in_dim3A_551] : memref<16x16xf32, #tpu.memory_space<vmem>>[vector<16xi32>, vector<16xi32>], vector<16xf32>,
    %add3A_553 = arith.addf %add3A_549, %gather3A_552 : vector<16xf32>
    %swap3A_554 = arith.constant 0 : i32
    %swap3A_555 = arith.index_cast %swap3A_554 : i32 to index
    %swap3A_556 = arith.constant 0 : index
    %swap3A_557 = tpu.vector_load %arg9[%swap3A_555, %swap3A_556] {strides = array<i32>} : memref<16x16xf32, #tpu.memory_space<vmem>>, vector<16xf32>,
    tpu.vector_store %arg9[%swap3A_555, %swap3A_556], %scan3A_425#16 {strides = array<i32>} : memref<16x16xf32, #tpu.memory_space<vmem>>, vector<16xf32>,
    %swap3A_558 = arith.constant 1 : i32
    %swap3A_559 = arith.index_cast %swap3A_558 : i32 to index
    %swap3A_560 = arith.constant 0 : index
    %swap3A_561 = tpu.vector_load %arg9[%swap3A_559, %swap3A_560] {strides = array<i32>} : memref<16x16xf32, #tpu.memory_space<vmem>>, vector<16xf32>,
    tpu.vector_store %arg9[%swap3A_559, %swap3A_560], %scan3A_425#17 {strides = array<i32>} : memref<16x16xf32, #tpu.memory_space<vmem>>, vector<16xf32>,
    %swap3A_562 = arith.constant 2 : i32
    %swap3A_563 = arith.index_cast %swap3A_562 : i32 to index
    %swap3A_564 = arith.constant 0 : index
    %swap3A_565 = tpu.vector_load %arg9[%swap3A_563, %swap3A_564] {strides = array<i32>} : memref<16x16xf32, #tpu.memory_space<vmem>>, vector<16xf32>,
    tpu.vector_store %arg9[%swap3A_563, %swap3A_564], %scan3A_425#18 {strides = array<i32>} : memref<16x16xf32, #tpu.memory_space<vmem>>, vector<16xf32>,
    %swap3A_566 = arith.constant 3 : i32
    %swap3A_567 = arith.index_cast %swap3A_566 : i32 to index
    %swap3A_568 = arith.constant 0 : index
    %swap3A_569 = tpu.vector_load %arg9[%swap3A_567, %swap3A_568] {strides = array<i32>} : memref<16x16xf32, #tpu.memory_space<vmem>>, vector<16xf32>,
    tpu.vector_store %arg9[%swap3A_567, %swap3A_568], %scan3A_425#19 {strides = array<i32>} : memref<16x16xf32, #tpu.memory_space<vmem>>, vector<16xf32>,
    %swap3A_570 = arith.constant 4 : i32
    %swap3A_571 = arith.index_cast %swap3A_570 : i32 to index
    %swap3A_572 = arith.constant 0 : index
    %swap3A_573 = tpu.vector_load %arg9[%swap3A_571, %swap3A_572] {strides = array<i32>} : memref<16x16xf32, #tpu.memory_space<vmem>>, vector<16xf32>,
    tpu.vector_store %arg9[%swap3A_571, %swap3A_572], %scan3A_425#20 {strides = array<i32>} : memref<16x16xf32, #tpu.memory_space<vmem>>, vector<16xf32>,
    %swap3A_574 = arith.constant 5 : i32
    %swap3A_575 = arith.index_cast %swap3A_574 : i32 to index
    %swap3A_576 = arith.constant 0 : index
    %swap3A_577 = tpu.vector_load %arg9[%swap3A_575, %swap3A_576] {strides = array<i32>} : memref<16x16xf32, #tpu.memory_space<vmem>>, vector<16xf32>,
    tpu.vector_store %arg9[%swap3A_575, %swap3A_576], %scan3A_425#21 {strides = array<i32>} : memref<16x16xf32, #tpu.memory_space<vmem>>, vector<16xf32>,
    %swap3A_578 = arith.constant 6 : i32
    %swap3A_579 = arith.index_cast %swap3A_578 : i32 to index
    %swap3A_580 = arith.constant 0 : index
    %swap3A_581 = tpu.vector_load %arg9[%swap3A_579, %swap3A_580] {strides = array<i32>} : memref<16x16xf32, #tpu.memory_space<vmem>>, vector<16xf32>,
    tpu.vector_store %arg9[%swap3A_579, %swap3A_580], %scan3A_425#22 {strides = array<i32>} : memref<16x16xf32, #tpu.memory_space<vmem>>, vector<16xf32>,
    %swap3A_582 = arith.constant 7 : i32
    %swap3A_583 = arith.index_cast %swap3A_582 : i32 to index
    %swap3A_584 = arith.constant 0 : index
    %swap3A_585 = tpu.vector_load %arg9[%swap3A_583, %swap3A_584] {strides = array<i32>} : memref<16x16xf32, #tpu.memory_space<vmem>>, vector<16xf32>,
    tpu.vector_store %arg9[%swap3A_583, %swap3A_584], %scan3A_425#23 {strides = array<i32>} : memref<16x16xf32, #tpu.memory_space<vmem>>, vector<16xf32>,
    %swap3A_586 = arith.constant 8 : i32
    %swap3A_587 = arith.index_cast %swap3A_586 : i32 to index
    %swap3A_588 = arith.constant 0 : index
    %swap3A_589 = tpu.vector_load %arg9[%swap3A_587, %swap3A_588] {strides = array<i32>} : memref<16x16xf32, #tpu.memory_space<vmem>>, vector<16xf32>,
    tpu.vector_store %arg9[%swap3A_587, %swap3A_588], %scan3A_425#24 {strides = array<i32>} : memref<16x16xf32, #tpu.memory_space<vmem>>, vector<16xf32>,
    %swap3A_590 = arith.constant 9 : i32
    %swap3A_591 = arith.index_cast %swap3A_590 : i32 to index
    %swap3A_592 = arith.constant 0 : index
    %swap3A_593 = tpu.vector_load %arg9[%swap3A_591, %swap3A_592] {strides = array<i32>} : memref<16x16xf32, #tpu.memory_space<vmem>>, vector<16xf32>,
    tpu.vector_store %arg9[%swap3A_591, %swap3A_592], %scan3A_425#25 {strides = array<i32>} : memref<16x16xf32, #tpu.memory_space<vmem>>, vector<16xf32>,
    %swap3A_594 = arith.constant 10 : i32
    %swap3A_595 = arith.index_cast %swap3A_594 : i32 to index
    %swap3A_596 = arith.constant 0 : index
    %swap3A_597 = tpu.vector_load %arg9[%swap3A_595, %swap3A_596] {strides = array<i32>} : memref<16x16xf32, #tpu.memory_space<vmem>>, vector<16xf32>,
    tpu.vector_store %arg9[%swap3A_595, %swap3A_596], %scan3A_425#26 {strides = array<i32>} : memref<16x16xf32, #tpu.memory_space<vmem>>, vector<16xf32>,
    %swap3A_598 = arith.constant 11 : i32
    %swap3A_599 = arith.index_cast %swap3A_598 : i32 to index
    %swap3A_600 = arith.constant 0 : index
    %swap3A_601 = tpu.vector_load %arg9[%swap3A_599, %swap3A_600] {strides = array<i32>} : memref<16x16xf32, #tpu.memory_space<vmem>>, vector<16xf32>,
    tpu.vector_store %arg9[%swap3A_599, %swap3A_600], %scan3A_425#27 {strides = array<i32>} : memref<16x16xf32, #tpu.memory_space<vmem>>, vector<16xf32>,
    %swap3A_602 = arith.constant 12 : i32
    %swap3A_603 = arith.index_cast %swap3A_602 : i32 to index
    %swap3A_604 = arith.constant 0 : index
    %swap3A_605 = tpu.vector_load %arg9[%swap3A_603, %swap3A_604] {strides = array<i32>} : memref<16x16xf32, #tpu.memory_space<vmem>>, vector<16xf32>,
    tpu.vector_store %arg9[%swap3A_603, %swap3A_604], %scan3A_425#28 {strides = array<i32>} : memref<16x16xf32, #tpu.memory_space<vmem>>, vector<16xf32>,
    %swap3A_606 = arith.constant 13 : i32
    %swap3A_607 = arith.index_cast %swap3A_606 : i32 to index
    %swap3A_608 = arith.constant 0 : index
    %swap3A_609 = tpu.vector_load %arg9[%swap3A_607, %swap3A_608] {strides = array<i32>} : memref<16x16xf32, #tpu.memory_space<vmem>>, vector<16xf32>,
    tpu.vector_store %arg9[%swap3A_607, %swap3A_608], %scan3A_425#29 {strides = array<i32>} : memref<16x16xf32, #tpu.memory_space<vmem>>, vector<16xf32>,
    %swap3A_610 = arith.constant 14 : i32
    %swap3A_611 = arith.index_cast %swap3A_610 : i32 to index
    %swap3A_612 = arith.constant 0 : index
    %swap3A_613 = tpu.vector_load %arg9[%swap3A_611, %swap3A_612] {strides = array<i32>} : memref<16x16xf32, #tpu.memory_space<vmem>>, vector<16xf32>,
    tpu.vector_store %arg9[%swap3A_611, %swap3A_612], %scan3A_425#30 {strides = array<i32>} : memref<16x16xf32, #tpu.memory_space<vmem>>, vector<16xf32>,
    %swap3A_614 = arith.constant 15 : i32
    %swap3A_615 = arith.index_cast %swap3A_614 : i32 to index
    %swap3A_616 = arith.constant 0 : index
    %swap3A_617 = tpu.vector_load %arg9[%swap3A_615, %swap3A_616] {strides = array<i32>} : memref<16x16xf32, #tpu.memory_space<vmem>>, vector<16xf32>,
    tpu.vector_store %arg9[%swap3A_615, %swap3A_616], %scan3A_425#31 {strides = array<i32>} : memref<16x16xf32, #tpu.memory_space<vmem>>, vector<16xf32>,
    %broadcast_in_dim3A_618 = arith.constant 0 : i32
    %broadcast_in_dim3A_619 = vector.broadcast %broadcast_in_dim3A_618 : i32 to vector<16xi32>
    %gather3A_620 = tpu.vector_load_idx %arg9[%iota3A, %broadcast_in_dim3A_619] : memref<16x16xf32, #tpu.memory_space<vmem>>[vector<16xi32>, vector<16xi32>], vector<16xf32>,
    %broadcast_in_dim3A_621 = arith.constant 1 : i32
    %broadcast_in_dim3A_622 = vector.broadcast %broadcast_in_dim3A_621 : i32 to vector<16xi32>
    %gather3A_623 = tpu.vector_load_idx %arg9[%iota3A, %broadcast_in_dim3A_622] : memref<16x16xf32, #tpu.memory_space<vmem>>[vector<16xi32>, vector<16xi32>], vector<16xf32>,
    %add3A_624 = arith.addf %gather3A_620, %gather3A_623 : vector<16xf32>
    %broadcast_in_dim3A_625 = arith.constant 2 : i32
    %broadcast_in_dim3A_626 = vector.broadcast %broadcast_in_dim3A_625 : i32 to vector<16xi32>
    %gather3A_627 = tpu.vector_load_idx %arg9[%iota3A, %broadcast_in_dim3A_626] : memref<16x16xf32, #tpu.memory_space<vmem>>[vector<16xi32>, vector<16xi32>], vector<16xf32>,
    %add3A_628 = arith.addf %add3A_624, %gather3A_627 : vector<16xf32>
    %broadcast_in_dim3A_629 = arith.constant 3 : i32
    %broadcast_in_dim3A_630 = vector.broadcast %broadcast_in_dim3A_629 : i32 to vector<16xi32>
    %gather3A_631 = tpu.vector_load_idx %arg9[%iota3A, %broadcast_in_dim3A_630] : memref<16x16xf32, #tpu.memory_space<vmem>>[vector<16xi32>, vector<16xi32>], vector<16xf32>,
    %add3A_632 = arith.addf %add3A_628, %gather3A_631 : vector<16xf32>
    %broadcast_in_dim3A_633 = arith.constant 4 : i32
    %broadcast_in_dim3A_634 = vector.broadcast %broadcast_in_dim3A_633 : i32 to vector<16xi32>
    %gather3A_635 = tpu.vector_load_idx %arg9[%iota3A, %broadcast_in_dim3A_634] : memref<16x16xf32, #tpu.memory_space<vmem>>[vector<16xi32>, vector<16xi32>], vector<16xf32>,
    %add3A_636 = arith.addf %add3A_632, %gather3A_635 : vector<16xf32>
    %broadcast_in_dim3A_637 = arith.constant 5 : i32
    %broadcast_in_dim3A_638 = vector.broadcast %broadcast_in_dim3A_637 : i32 to vector<16xi32>
    %gather3A_639 = tpu.vector_load_idx %arg9[%iota3A, %broadcast_in_dim3A_638] : memref<16x16xf32, #tpu.memory_space<vmem>>[vector<16xi32>, vector<16xi32>], vector<16xf32>,
    %add3A_640 = arith.addf %add3A_636, %gather3A_639 : vector<16xf32>
    %broadcast_in_dim3A_641 = arith.constant 6 : i32
    %broadcast_in_dim3A_642 = vector.broadcast %broadcast_in_dim3A_641 : i32 to vector<16xi32>
    %gather3A_643 = tpu.vector_load_idx %arg9[%iota3A, %broadcast_in_dim3A_642] : memref<16x16xf32, #tpu.memory_space<vmem>>[vector<16xi32>, vector<16xi32>], vector<16xf32>,
    %add3A_644 = arith.addf %add3A_640, %gather3A_643 : vector<16xf32>
    %broadcast_in_dim3A_645 = arith.constant 7 : i32
    %broadcast_in_dim3A_646 = vector.broadcast %broadcast_in_dim3A_645 : i32 to vector<16xi32>
    %gather3A_647 = tpu.vector_load_idx %arg9[%iota3A, %broadcast_in_dim3A_646] : memref<16x16xf32, #tpu.memory_space<vmem>>[vector<16xi32>, vector<16xi32>], vector<16xf32>,
    %add3A_648 = arith.addf %add3A_644, %gather3A_647 : vector<16xf32>
    %broadcast_in_dim3A_649 = arith.constant 8 : i32
    %broadcast_in_dim3A_650 = vector.broadcast %broadcast_in_dim3A_649 : i32 to vector<16xi32>
    %gather3A_651 = tpu.vector_load_idx %arg9[%iota3A, %broadcast_in_dim3A_650] : memref<16x16xf32, #tpu.memory_space<vmem>>[vector<16xi32>, vector<16xi32>], vector<16xf32>,
    %add3A_652 = arith.addf %add3A_648, %gather3A_651 : vector<16xf32>
    %broadcast_in_dim3A_653 = arith.constant 9 : i32
    %broadcast_in_dim3A_654 = vector.broadcast %broadcast_in_dim3A_653 : i32 to vector<16xi32>
    %gather3A_655 = tpu.vector_load_idx %arg9[%iota3A, %broadcast_in_dim3A_654] : memref<16x16xf32, #tpu.memory_space<vmem>>[vector<16xi32>, vector<16xi32>], vector<16xf32>,
    %add3A_656 = arith.addf %add3A_652, %gather3A_655 : vector<16xf32>
    %broadcast_in_dim3A_657 = arith.constant 10 : i32
    %broadcast_in_dim3A_658 = vector.broadcast %broadcast_in_dim3A_657 : i32 to vector<16xi32>
    %gather3A_659 = tpu.vector_load_idx %arg9[%iota3A, %broadcast_in_dim3A_658] : memref<16x16xf32, #tpu.memory_space<vmem>>[vector<16xi32>, vector<16xi32>], vector<16xf32>,
    %add3A_660 = arith.addf %add3A_656, %gather3A_659 : vector<16xf32>
    %broadcast_in_dim3A_661 = arith.constant 11 : i32
    %broadcast_in_dim3A_662 = vector.broadcast %broadcast_in_dim3A_661 : i32 to vector<16xi32>
    %gather3A_663 = tpu.vector_load_idx %arg9[%iota3A, %broadcast_in_dim3A_662] : memref<16x16xf32, #tpu.memory_space<vmem>>[vector<16xi32>, vector<16xi32>], vector<16xf32>,
    %add3A_664 = arith.addf %add3A_660, %gather3A_663 : vector<16xf32>
    %broadcast_in_dim3A_665 = arith.constant 12 : i32
    %broadcast_in_dim3A_666 = vector.broadcast %broadcast_in_dim3A_665 : i32 to vector<16xi32>
    %gather3A_667 = tpu.vector_load_idx %arg9[%iota3A, %broadcast_in_dim3A_666] : memref<16x16xf32, #tpu.memory_space<vmem>>[vector<16xi32>, vector<16xi32>], vector<16xf32>,
    %add3A_668 = arith.addf %add3A_664, %gather3A_667 : vector<16xf32>
    %broadcast_in_dim3A_669 = arith.constant 13 : i32
    %broadcast_in_dim3A_670 = vector.broadcast %broadcast_in_dim3A_669 : i32 to vector<16xi32>
    %gather3A_671 = tpu.vector_load_idx %arg9[%iota3A, %broadcast_in_dim3A_670] : memref<16x16xf32, #tpu.memory_space<vmem>>[vector<16xi32>, vector<16xi32>], vector<16xf32>,
    %add3A_672 = arith.addf %add3A_668, %gather3A_671 : vector<16xf32>
    %broadcast_in_dim3A_673 = arith.constant 14 : i32
    %broadcast_in_dim3A_674 = vector.broadcast %broadcast_in_dim3A_673 : i32 to vector<16xi32>
    %gather3A_675 = tpu.vector_load_idx %arg9[%iota3A, %broadcast_in_dim3A_674] : memref<16x16xf32, #tpu.memory_space<vmem>>[vector<16xi32>, vector<16xi32>], vector<16xf32>,
    %add3A_676 = arith.addf %add3A_672, %gather3A_675 : vector<16xf32>
    %broadcast_in_dim3A_677 = arith.constant 15 : i32
    %broadcast_in_dim3A_678 = vector.broadcast %broadcast_in_dim3A_677 : i32 to vector<16xi32>
    %gather3A_679 = tpu.vector_load_idx %arg9[%iota3A, %broadcast_in_dim3A_678] : memref<16x16xf32, #tpu.memory_space<vmem>>[vector<16xi32>, vector<16xi32>], vector<16xf32>,
    %add3A_680 = arith.addf %add3A_676, %gather3A_679 : vector<16xf32>
    %swap3A_681 = arith.constant 0 : i32
    %swap3A_682 = arith.index_cast %swap3A_681 : i32 to index
    %swap3A_683 = arith.constant 16 : index
    %swap3A_684 = tpu.vector_load %arg8[%swap3A_682, %swap3A_683] {strides = array<i32>} : memref<2x64xf32, #tpu.memory_space<vmem>>, vector<16xf32>,
    tpu.vector_store %arg8[%swap3A_682, %swap3A_683], %add3A_553 {strides = array<i32>} : memref<2x64xf32, #tpu.memory_space<vmem>>, vector<16xf32>,
    %swap3A_685 = arith.constant 1 : i32
    %swap3A_686 = arith.index_cast %swap3A_685 : i32 to index
    %swap3A_687 = arith.constant 16 : index
    %swap3A_688 = tpu.vector_load %arg8[%swap3A_686, %swap3A_687] {strides = array<i32>} : memref<2x64xf32, #tpu.memory_space<vmem>>, vector<16xf32>,
    tpu.vector_store %arg8[%swap3A_686, %swap3A_687], %add3A_680 {strides = array<i32>} : memref<2x64xf32, #tpu.memory_space<vmem>>, vector<16xf32>,
    %dma_wait3A_689 = arith.constant 2 : i32
    %dma_wait3A_690 = arith.constant 0 : i32
    %dma_wait3A_691 = arith.constant 0 : i32
    %dma_wait3A_692 = tpu.memref_slice %arg7[%dma_wait3A_689, %dma_wait3A_690, %dma_wait3A_691] : memref<4x16x1024xf32, #tpu.memory_space<vmem>> -> memref<1x16x1024xf32, #tpu.memory_space<vmem>>
    %dma_wait3A_693 = tpu.memref_squeeze %dma_wait3A_692 : memref<1x16x1024xf32, #tpu.memory_space<vmem>> -> memref<16x1024xf32, #tpu.memory_space<vmem>>
    %dma_wait3A_694 = arith.constant 0 : i32
    %dma_wait3A_695 = arith.constant 0 : i32
    %dma_wait3A_696 = tpu.memref_slice %arg2[%dma_wait3A_694, %dma_wait3A_695] : memref<16384x1024xf32, #tpu.memory_space<hbm>> -> memref<16x1024xf32, #tpu.memory_space<hbm>>
    %dma_wait3A_697 = arith.constant 0 : i32
    %dma_wait3A_698 = arith.constant 0 : i32
    %dma_wait3A_699 = tpu.memref_slice %arg7[%dma_wait3A_689, %dma_wait3A_697, %dma_wait3A_698] : memref<4x16x1024xf32, #tpu.memory_space<vmem>> -> memref<1x16x1024xf32, #tpu.memory_space<vmem>>
    %dma_wait3A_700 = tpu.memref_squeeze %dma_wait3A_699 : memref<1x16x1024xf32, #tpu.memory_space<vmem>> -> memref<16x1024xf32, #tpu.memory_space<vmem>>
    %dma_wait3A_701 = arith.constant 0 : i32
    %dma_wait3A_702 = arith.constant 0 : i32
    %dma_wait3A_703 = tpu.memref_slice %arg2[%dma_wait3A_701, %dma_wait3A_702] : memref<16384x1024xf32, #tpu.memory_space<hbm>> -> memref<16x1024xf32, #tpu.memory_space<hbm>>
    tpu.wait_dma2 semaphore(%arg12 : memref<!tpu.dma_semaphore, #tpu.memory_space<semaphore_mem>>) src(%dma_wait3A_703 : memref<16x1024xf32, #tpu.memory_space<hbm>>) dst(%dma_wait3A_700 : memref<16x1024xf32, #tpu.memory_space<vmem>>)
    %broadcast_in_dim3A_704 = arith.constant 0.000000e+00 : f32
    %broadcast_in_dim3A_705 = vector.broadcast %broadcast_in_dim3A_704 : f32 to vector<16xf32>
    %broadcast_in_dim3A_706 = arith.constant 0.000000e+00 : f32
    %broadcast_in_dim3A_707 = vector.broadcast %broadcast_in_dim3A_706 : f32 to vector<16xf32>
    %broadcast_in_dim3A_708 = arith.constant 0.000000e+00 : f32
    %broadcast_in_dim3A_709 = vector.broadcast %broadcast_in_dim3A_708 : f32 to vector<16xf32>
    %broadcast_in_dim3A_710 = arith.constant 0.000000e+00 : f32
    %broadcast_in_dim3A_711 = vector.broadcast %broadcast_in_dim3A_710 : f32 to vector<16xf32>
    %broadcast_in_dim3A_712 = arith.constant 0.000000e+00 : f32
    %broadcast_in_dim3A_713 = vector.broadcast %broadcast_in_dim3A_712 : f32 to vector<16xf32>
    %broadcast_in_dim3A_714 = arith.constant 0.000000e+00 : f32
    %broadcast_in_dim3A_715 = vector.broadcast %broadcast_in_dim3A_714 : f32 to vector<16xf32>
    %broadcast_in_dim3A_716 = arith.constant 0.000000e+00 : f32
    %broadcast_in_dim3A_717 = vector.broadcast %broadcast_in_dim3A_716 : f32 to vector<16xf32>
    %broadcast_in_dim3A_718 = arith.constant 0.000000e+00 : f32
    %broadcast_in_dim3A_719 = vector.broadcast %broadcast_in_dim3A_718 : f32 to vector<16xf32>
    %broadcast_in_dim3A_720 = arith.constant 0.000000e+00 : f32
    %broadcast_in_dim3A_721 = vector.broadcast %broadcast_in_dim3A_720 : f32 to vector<16xf32>
    %broadcast_in_dim3A_722 = arith.constant 0.000000e+00 : f32
    %broadcast_in_dim3A_723 = vector.broadcast %broadcast_in_dim3A_722 : f32 to vector<16xf32>
    %broadcast_in_dim3A_724 = arith.constant 0.000000e+00 : f32
    %broadcast_in_dim3A_725 = vector.broadcast %broadcast_in_dim3A_724 : f32 to vector<16xf32>
    %broadcast_in_dim3A_726 = arith.constant 0.000000e+00 : f32
    %broadcast_in_dim3A_727 = vector.broadcast %broadcast_in_dim3A_726 : f32 to vector<16xf32>
    %broadcast_in_dim3A_728 = arith.constant 0.000000e+00 : f32
    %broadcast_in_dim3A_729 = vector.broadcast %broadcast_in_dim3A_728 : f32 to vector<16xf32>
    %broadcast_in_dim3A_730 = arith.constant 0.000000e+00 : f32
    %broadcast_in_dim3A_731 = vector.broadcast %broadcast_in_dim3A_730 : f32 to vector<16xf32>
    %broadcast_in_dim3A_732 = arith.constant 0.000000e+00 : f32
    %broadcast_in_dim3A_733 = vector.broadcast %broadcast_in_dim3A_732 : f32 to vector<16xf32>
    %broadcast_in_dim3A_734 = arith.constant 0.000000e+00 : f32
    %broadcast_in_dim3A_735 = vector.broadcast %broadcast_in_dim3A_734 : f32 to vector<16xf32>
    %scan3A_736 = arith.constant 0 : i32
    %scan3A_737 = arith.constant 64 : i32
    %scan3A_738 = arith.addi %scan3A_736, %scan3A_737 : i32
    %scan3A_739 = arith.constant 1 : i32
    %scan3A_740:32 = scf.for %scan3A_1324 = %scan3A_736 to %scan3A_738 step %scan3A_739 iter_args(%scan3A_1325 = %broadcast_in_dim3A_705, %scan3A_1326 = %broadcast_in_dim3A_707, %scan3A_1327 = %broadcast_in_dim3A_709, %scan3A_1328 = %broadcast_in_dim3A_711, %scan3A_1329 = %broadcast_in_dim3A_713, %scan3A_1330 = %broadcast_in_dim3A_715, %scan3A_1331 = %broadcast_in_dim3A_717, %scan3A_1332 = %broadcast_in_dim3A_719, %scan3A_1333 = %broadcast_in_dim3A_721, %scan3A_1334 = %broadcast_in_dim3A_723, %scan3A_1335 = %broadcast_in_dim3A_725, %scan3A_1336 = %broadcast_in_dim3A_727, %scan3A_1337 = %broadcast_in_dim3A_729, %scan3A_1338 = %broadcast_in_dim3A_731, %scan3A_1339 = %broadcast_in_dim3A_733, %scan3A_1340 = %broadcast_in_dim3A_735, %scan3A_1341 = %broadcast_in_dim3A_705, %scan3A_1342 = %broadcast_in_dim3A_707, %scan3A_1343 = %broadcast_in_dim3A_709, %scan3A_1344 = %broadcast_in_dim3A_711, %scan3A_1345 = %broadcast_in_dim3A_713, %scan3A_1346 = %broadcast_in_dim3A_715, %scan3A_1347 = %broadcast_in_dim3A_717, %scan3A_1348 = %broadcast_in_dim3A_719, %scan3A_1349 = %broadcast_in_dim3A_721, %scan3A_1350 = %broadcast_in_dim3A_723, %scan3A_1351 = %broadcast_in_dim3A_725, %scan3A_1352 = %broadcast_in_dim3A_727, %scan3A_1353 = %broadcast_in_dim3A_729, %scan3A_1354 = %broadcast_in_dim3A_731, %scan3A_1355 = %broadcast_in_dim3A_733, %scan3A_1356 = %broadcast_in_dim3A_735) -> (vector<16xf32>, vector<16xf32>, vector<16xf32>, vector<16xf32>, vector<16xf32>, vector<16xf32>, vector<16xf32>, vector<16xf32>, vector<16xf32>, vector<16xf32>, vector<16xf32>, vector<16xf32>, vector<16xf32>, vector<16xf32>, vector<16xf32>, vector<16xf32>, vector<16xf32>, vector<16xf32>, vector<16xf32>, vector<16xf32>, vector<16xf32>, vector<16xf32>, vector<16xf32>, vector<16xf32>, vector<16xf32>, vector<16xf32>, vector<16xf32>, vector<16xf32>, vector<16xf32>, vector<16xf32>, vector<16xf32>, vector<16xf32>)  : i32 {
      %mul3A_1357 = arith.constant 16 : i32
      %mul3A_1358 = arith.muli %scan3A_1324, %mul3A_1357 : i32
      %get3A = arith.constant 0 : i32
      %get3A_1359 = arith.index_cast %get3A : i32 to index
      %get3A_1360 = arith.index_cast %mul3A_1358 : i32 to index
      %get3A_1361 = tpu.vector_load %arg6[%get3A_1359, %get3A_1360] {strides = array<i32>} : memref<2x1024xf32, #tpu.memory_space<vmem>>, vector<16xf32>,
      %get3A_1362 = arith.constant 1 : i32
      %get3A_1363 = arith.index_cast %get3A_1362 : i32 to index
      %get3A_1364 = arith.index_cast %mul3A_1358 : i32 to index
      %get3A_1365 = tpu.vector_load %arg6[%get3A_1363, %get3A_1364] {strides = array<i32>} : memref<2x1024xf32, #tpu.memory_space<vmem>>, vector<16xf32>,
      %get3A_1366 = arith.constant 2 : i32
      %get3A_1367 = arith.constant 0 : i32
      %get3A_1368 = arith.index_cast %get3A_1366 : i32 to index
      %get3A_1369 = arith.index_cast %get3A_1367 : i32 to index
      %get3A_1370 = arith.index_cast %mul3A_1358 : i32 to index
      %get3A_1371 = tpu.vector_load %arg7[%get3A_1368, %get3A_1369, %get3A_1370] {strides = array<i32>} : memref<4x16x1024xf32, #tpu.memory_space<vmem>>, vector<16xf32>,
      %mul3A_1372 = arith.mulf %get3A_1371, %get3A_1361 : vector<16xf32>
      %add3A_1373 = arith.addf %scan3A_1325, %mul3A_1372 : vector<16xf32>
      %mul3A_1374 = arith.mulf %get3A_1371, %get3A_1365 : vector<16xf32>
      %add3A_1375 = arith.addf %scan3A_1341, %mul3A_1374 : vector<16xf32>
      %get3A_1376 = arith.constant 2 : i32
      %get3A_1377 = arith.constant 1 : i32
      %get3A_1378 = arith.index_cast %get3A_1376 : i32 to index
      %get3A_1379 = arith.index_cast %get3A_1377 : i32 to index
      %get3A_1380 = arith.index_cast %mul3A_1358 : i32 to index
      %get3A_1381 = tpu.vector_load %arg7[%get3A_1378, %get3A_1379, %get3A_1380] {strides = array<i32>} : memref<4x16x1024xf32, #tpu.memory_space<vmem>>, vector<16xf32>,
      %mul3A_1382 = arith.mulf %get3A_1381, %get3A_1361 : vector<16xf32>
      %add3A_1383 = arith.addf %scan3A_1326, %mul3A_1382 : vector<16xf32>
      %mul3A_1384 = arith.mulf %get3A_1381, %get3A_1365 : vector<16xf32>
      %add3A_1385 = arith.addf %scan3A_1342, %mul3A_1384 : vector<16xf32>
      %get3A_1386 = arith.constant 2 : i32
      %get3A_1387 = arith.constant 2 : i32
      %get3A_1388 = arith.index_cast %get3A_1386 : i32 to index
      %get3A_1389 = arith.index_cast %get3A_1387 : i32 to index
      %get3A_1390 = arith.index_cast %mul3A_1358 : i32 to index
      %get3A_1391 = tpu.vector_load %arg7[%get3A_1388, %get3A_1389, %get3A_1390] {strides = array<i32>} : memref<4x16x1024xf32, #tpu.memory_space<vmem>>, vector<16xf32>,
      %mul3A_1392 = arith.mulf %get3A_1391, %get3A_1361 : vector<16xf32>
      %add3A_1393 = arith.addf %scan3A_1327, %mul3A_1392 : vector<16xf32>
      %mul3A_1394 = arith.mulf %get3A_1391, %get3A_1365 : vector<16xf32>
      %add3A_1395 = arith.addf %scan3A_1343, %mul3A_1394 : vector<16xf32>
      %get3A_1396 = arith.constant 2 : i32
      %get3A_1397 = arith.constant 3 : i32
      %get3A_1398 = arith.index_cast %get3A_1396 : i32 to index
      %get3A_1399 = arith.index_cast %get3A_1397 : i32 to index
      %get3A_1400 = arith.index_cast %mul3A_1358 : i32 to index
      %get3A_1401 = tpu.vector_load %arg7[%get3A_1398, %get3A_1399, %get3A_1400] {strides = array<i32>} : memref<4x16x1024xf32, #tpu.memory_space<vmem>>, vector<16xf32>,
      %mul3A_1402 = arith.mulf %get3A_1401, %get3A_1361 : vector<16xf32>
      %add3A_1403 = arith.addf %scan3A_1328, %mul3A_1402 : vector<16xf32>
      %mul3A_1404 = arith.mulf %get3A_1401, %get3A_1365 : vector<16xf32>
      %add3A_1405 = arith.addf %scan3A_1344, %mul3A_1404 : vector<16xf32>
      %get3A_1406 = arith.constant 2 : i32
      %get3A_1407 = arith.constant 4 : i32
      %get3A_1408 = arith.index_cast %get3A_1406 : i32 to index
      %get3A_1409 = arith.index_cast %get3A_1407 : i32 to index
      %get3A_1410 = arith.index_cast %mul3A_1358 : i32 to index
      %get3A_1411 = tpu.vector_load %arg7[%get3A_1408, %get3A_1409, %get3A_1410] {strides = array<i32>} : memref<4x16x1024xf32, #tpu.memory_space<vmem>>, vector<16xf32>,
      %mul3A_1412 = arith.mulf %get3A_1411, %get3A_1361 : vector<16xf32>
      %add3A_1413 = arith.addf %scan3A_1329, %mul3A_1412 : vector<16xf32>
      %mul3A_1414 = arith.mulf %get3A_1411, %get3A_1365 : vector<16xf32>
      %add3A_1415 = arith.addf %scan3A_1345, %mul3A_1414 : vector<16xf32>
      %get3A_1416 = arith.constant 2 : i32
      %get3A_1417 = arith.constant 5 : i32
      %get3A_1418 = arith.index_cast %get3A_1416 : i32 to index
      %get3A_1419 = arith.index_cast %get3A_1417 : i32 to index
      %get3A_1420 = arith.index_cast %mul3A_1358 : i32 to index
      %get3A_1421 = tpu.vector_load %arg7[%get3A_1418, %get3A_1419, %get3A_1420] {strides = array<i32>} : memref<4x16x1024xf32, #tpu.memory_space<vmem>>, vector<16xf32>,
      %mul3A_1422 = arith.mulf %get3A_1421, %get3A_1361 : vector<16xf32>
      %add3A_1423 = arith.addf %scan3A_1330, %mul3A_1422 : vector<16xf32>
      %mul3A_1424 = arith.mulf %get3A_1421, %get3A_1365 : vector<16xf32>
      %add3A_1425 = arith.addf %scan3A_1346, %mul3A_1424 : vector<16xf32>
      %get3A_1426 = arith.constant 2 : i32
      %get3A_1427 = arith.constant 6 : i32
      %get3A_1428 = arith.index_cast %get3A_1426 : i32 to index
      %get3A_1429 = arith.index_cast %get3A_1427 : i32 to index
      %get3A_1430 = arith.index_cast %mul3A_1358 : i32 to index
      %get3A_1431 = tpu.vector_load %arg7[%get3A_1428, %get3A_1429, %get3A_1430] {strides = array<i32>} : memref<4x16x1024xf32, #tpu.memory_space<vmem>>, vector<16xf32>,
      %mul3A_1432 = arith.mulf %get3A_1431, %get3A_1361 : vector<16xf32>
      %add3A_1433 = arith.addf %scan3A_1331, %mul3A_1432 : vector<16xf32>
      %mul3A_1434 = arith.mulf %get3A_1431, %get3A_1365 : vector<16xf32>
      %add3A_1435 = arith.addf %scan3A_1347, %mul3A_1434 : vector<16xf32>
      %get3A_1436 = arith.constant 2 : i32
      %get3A_1437 = arith.constant 7 : i32
      %get3A_1438 = arith.index_cast %get3A_1436 : i32 to index
      %get3A_1439 = arith.index_cast %get3A_1437 : i32 to index
      %get3A_1440 = arith.index_cast %mul3A_1358 : i32 to index
      %get3A_1441 = tpu.vector_load %arg7[%get3A_1438, %get3A_1439, %get3A_1440] {strides = array<i32>} : memref<4x16x1024xf32, #tpu.memory_space<vmem>>, vector<16xf32>,
      %mul3A_1442 = arith.mulf %get3A_1441, %get3A_1361 : vector<16xf32>
      %add3A_1443 = arith.addf %scan3A_1332, %mul3A_1442 : vector<16xf32>
      %mul3A_1444 = arith.mulf %get3A_1441, %get3A_1365 : vector<16xf32>
      %add3A_1445 = arith.addf %scan3A_1348, %mul3A_1444 : vector<16xf32>
      %get3A_1446 = arith.constant 2 : i32
      %get3A_1447 = arith.constant 8 : i32
      %get3A_1448 = arith.index_cast %get3A_1446 : i32 to index
      %get3A_1449 = arith.index_cast %get3A_1447 : i32 to index
      %get3A_1450 = arith.index_cast %mul3A_1358 : i32 to index
      %get3A_1451 = tpu.vector_load %arg7[%get3A_1448, %get3A_1449, %get3A_1450] {strides = array<i32>} : memref<4x16x1024xf32, #tpu.memory_space<vmem>>, vector<16xf32>,
      %mul3A_1452 = arith.mulf %get3A_1451, %get3A_1361 : vector<16xf32>
      %add3A_1453 = arith.addf %scan3A_1333, %mul3A_1452 : vector<16xf32>
      %mul3A_1454 = arith.mulf %get3A_1451, %get3A_1365 : vector<16xf32>
      %add3A_1455 = arith.addf %scan3A_1349, %mul3A_1454 : vector<16xf32>
      %get3A_1456 = arith.constant 2 : i32
      %get3A_1457 = arith.constant 9 : i32
      %get3A_1458 = arith.index_cast %get3A_1456 : i32 to index
      %get3A_1459 = arith.index_cast %get3A_1457 : i32 to index
      %get3A_1460 = arith.index_cast %mul3A_1358 : i32 to index
      %get3A_1461 = tpu.vector_load %arg7[%get3A_1458, %get3A_1459, %get3A_1460] {strides = array<i32>} : memref<4x16x1024xf32, #tpu.memory_space<vmem>>, vector<16xf32>,
      %mul3A_1462 = arith.mulf %get3A_1461, %get3A_1361 : vector<16xf32>
      %add3A_1463 = arith.addf %scan3A_1334, %mul3A_1462 : vector<16xf32>
      %mul3A_1464 = arith.mulf %get3A_1461, %get3A_1365 : vector<16xf32>
      %add3A_1465 = arith.addf %scan3A_1350, %mul3A_1464 : vector<16xf32>
      %get3A_1466 = arith.constant 2 : i32
      %get3A_1467 = arith.constant 10 : i32
      %get3A_1468 = arith.index_cast %get3A_1466 : i32 to index
      %get3A_1469 = arith.index_cast %get3A_1467 : i32 to index
      %get3A_1470 = arith.index_cast %mul3A_1358 : i32 to index
      %get3A_1471 = tpu.vector_load %arg7[%get3A_1468, %get3A_1469, %get3A_1470] {strides = array<i32>} : memref<4x16x1024xf32, #tpu.memory_space<vmem>>, vector<16xf32>,
      %mul3A_1472 = arith.mulf %get3A_1471, %get3A_1361 : vector<16xf32>
      %add3A_1473 = arith.addf %scan3A_1335, %mul3A_1472 : vector<16xf32>
      %mul3A_1474 = arith.mulf %get3A_1471, %get3A_1365 : vector<16xf32>
      %add3A_1475 = arith.addf %scan3A_1351, %mul3A_1474 : vector<16xf32>
      %get3A_1476 = arith.constant 2 : i32
      %get3A_1477 = arith.constant 11 : i32
      %get3A_1478 = arith.index_cast %get3A_1476 : i32 to index
      %get3A_1479 = arith.index_cast %get3A_1477 : i32 to index
      %get3A_1480 = arith.index_cast %mul3A_1358 : i32 to index
      %get3A_1481 = tpu.vector_load %arg7[%get3A_1478, %get3A_1479, %get3A_1480] {strides = array<i32>} : memref<4x16x1024xf32, #tpu.memory_space<vmem>>, vector<16xf32>,
      %mul3A_1482 = arith.mulf %get3A_1481, %get3A_1361 : vector<16xf32>
      %add3A_1483 = arith.addf %scan3A_1336, %mul3A_1482 : vector<16xf32>
      %mul3A_1484 = arith.mulf %get3A_1481, %get3A_1365 : vector<16xf32>
      %add3A_1485 = arith.addf %scan3A_1352, %mul3A_1484 : vector<16xf32>
      %get3A_1486 = arith.constant 2 : i32
      %get3A_1487 = arith.constant 12 : i32
      %get3A_1488 = arith.index_cast %get3A_1486 : i32 to index
      %get3A_1489 = arith.index_cast %get3A_1487 : i32 to index
      %get3A_1490 = arith.index_cast %mul3A_1358 : i32 to index
      %get3A_1491 = tpu.vector_load %arg7[%get3A_1488, %get3A_1489, %get3A_1490] {strides = array<i32>} : memref<4x16x1024xf32, #tpu.memory_space<vmem>>, vector<16xf32>,
      %mul3A_1492 = arith.mulf %get3A_1491, %get3A_1361 : vector<16xf32>
      %add3A_1493 = arith.addf %scan3A_1337, %mul3A_1492 : vector<16xf32>
      %mul3A_1494 = arith.mulf %get3A_1491, %get3A_1365 : vector<16xf32>
      %add3A_1495 = arith.addf %scan3A_1353, %mul3A_1494 : vector<16xf32>
      %get3A_1496 = arith.constant 2 : i32
      %get3A_1497 = arith.constant 13 : i32
      %get3A_1498 = arith.index_cast %get3A_1496 : i32 to index
      %get3A_1499 = arith.index_cast %get3A_1497 : i32 to index
      %get3A_1500 = arith.index_cast %mul3A_1358 : i32 to index
      %get3A_1501 = tpu.vector_load %arg7[%get3A_1498, %get3A_1499, %get3A_1500] {strides = array<i32>} : memref<4x16x1024xf32, #tpu.memory_space<vmem>>, vector<16xf32>,
      %mul3A_1502 = arith.mulf %get3A_1501, %get3A_1361 : vector<16xf32>
      %add3A_1503 = arith.addf %scan3A_1338, %mul3A_1502 : vector<16xf32>
      %mul3A_1504 = arith.mulf %get3A_1501, %get3A_1365 : vector<16xf32>
      %add3A_1505 = arith.addf %scan3A_1354, %mul3A_1504 : vector<16xf32>
      %get3A_1506 = arith.constant 2 : i32
      %get3A_1507 = arith.constant 14 : i32
      %get3A_1508 = arith.index_cast %get3A_1506 : i32 to index
      %get3A_1509 = arith.index_cast %get3A_1507 : i32 to index
      %get3A_1510 = arith.index_cast %mul3A_1358 : i32 to index
      %get3A_1511 = tpu.vector_load %arg7[%get3A_1508, %get3A_1509, %get3A_1510] {strides = array<i32>} : memref<4x16x1024xf32, #tpu.memory_space<vmem>>, vector<16xf32>,
      %mul3A_1512 = arith.mulf %get3A_1511, %get3A_1361 : vector<16xf32>
      %add3A_1513 = arith.addf %scan3A_1339, %mul3A_1512 : vector<16xf32>
      %mul3A_1514 = arith.mulf %get3A_1511, %get3A_1365 : vector<16xf32>
      %add3A_1515 = arith.addf %scan3A_1355, %mul3A_1514 : vector<16xf32>
      %get3A_1516 = arith.constant 2 : i32
      %get3A_1517 = arith.constant 15 : i32
      %get3A_1518 = arith.index_cast %get3A_1516 : i32 to index
      %get3A_1519 = arith.index_cast %get3A_1517 : i32 to index
      %get3A_1520 = arith.index_cast %mul3A_1358 : i32 to index
      %get3A_1521 = tpu.vector_load %arg7[%get3A_1518, %get3A_1519, %get3A_1520] {strides = array<i32>} : memref<4x16x1024xf32, #tpu.memory_space<vmem>>, vector<16xf32>,
      %mul3A_1522 = arith.mulf %get3A_1521, %get3A_1361 : vector<16xf32>
      %add3A_1523 = arith.addf %scan3A_1340, %mul3A_1522 : vector<16xf32>
      %mul3A_1524 = arith.mulf %get3A_1521, %get3A_1365 : vector<16xf32>
      %add3A_1525 = arith.addf %scan3A_1356, %mul3A_1524 : vector<16xf32>
      scf.yield %add3A_1373, %add3A_1383, %add3A_1393, %add3A_1403, %add3A_1413, %add3A_1423, %add3A_1433, %add3A_1443, %add3A_1453, %add3A_1463, %add3A_1473, %add3A_1483, %add3A_1493, %add3A_1503, %add3A_1513, %add3A_1523, %add3A_1375, %add3A_1385, %add3A_1395, %add3A_1405, %add3A_1415, %add3A_1425, %add3A_1435, %add3A_1445, %add3A_1455, %add3A_1465, %add3A_1475, %add3A_1485, %add3A_1495, %add3A_1505, %add3A_1515, %add3A_1525 : vector<16xf32>, vector<16xf32>, vector<16xf32>, vector<16xf32>, vector<16xf32>, vector<16xf32>, vector<16xf32>, vector<16xf32>, vector<16xf32>, vector<16xf32>, vector<16xf32>, vector<16xf32>, vector<16xf32>, vector<16xf32>, vector<16xf32>, vector<16xf32>, vector<16xf32>, vector<16xf32>, vector<16xf32>, vector<16xf32>, vector<16xf32>, vector<16xf32>, vector<16xf32>, vector<16xf32>, vector<16xf32>, vector<16xf32>, vector<16xf32>, vector<16xf32>, vector<16xf32>, vector<16xf32>, vector<16xf32>, vector<16xf32>
    }
    %scan3A_741 = arith.constant 64 : i32
    %swap3A_742 = arith.constant 0 : i32
    %swap3A_743 = arith.index_cast %swap3A_742 : i32 to index
    %swap3A_744 = arith.constant 0 : index
    %swap3A_745 = tpu.vector_load %arg9[%swap3A_743, %swap3A_744] {strides = array<i32>} : memref<16x16xf32, #tpu.memory_space<vmem>>, vector<16xf32>,
    tpu.vector_store %arg9[%swap3A_743, %swap3A_744], %scan3A_740#0 {strides = array<i32>} : memref<16x16xf32, #tpu.memory_space<vmem>>, vector<16xf32>,
    %swap3A_746 = arith.constant 1 : i32
    %swap3A_747 = arith.index_cast %swap3A_746 : i32 to index
    %swap3A_748 = arith.constant 0 : index
    %swap3A_749 = tpu.vector_load %arg9[%swap3A_747, %swap3A_748] {strides = array<i32>} : memref<16x16xf32, #tpu.memory_space<vmem>>, vector<16xf32>,
    tpu.vector_store %arg9[%swap3A_747, %swap3A_748], %scan3A_740#1 {strides = array<i32>} : memref<16x16xf32, #tpu.memory_space<vmem>>, vector<16xf32>,
    %swap3A_750 = arith.constant 2 : i32
    %swap3A_751 = arith.index_cast %swap3A_750 : i32 to index
    %swap3A_752 = arith.constant 0 : index
    %swap3A_753 = tpu.vector_load %arg9[%swap3A_751, %swap3A_752] {strides = array<i32>} : memref<16x16xf32, #tpu.memory_space<vmem>>, vector<16xf32>,
    tpu.vector_store %arg9[%swap3A_751, %swap3A_752], %scan3A_740#2 {strides = array<i32>} : memref<16x16xf32, #tpu.memory_space<vmem>>, vector<16xf32>,
    %swap3A_754 = arith.constant 3 : i32
    %swap3A_755 = arith.index_cast %swap3A_754 : i32 to index
    %swap3A_756 = arith.constant 0 : index
    %swap3A_757 = tpu.vector_load %arg9[%swap3A_755, %swap3A_756] {strides = array<i32>} : memref<16x16xf32, #tpu.memory_space<vmem>>, vector<16xf32>,
    tpu.vector_store %arg9[%swap3A_755, %swap3A_756], %scan3A_740#3 {strides = array<i32>} : memref<16x16xf32, #tpu.memory_space<vmem>>, vector<16xf32>,
    %swap3A_758 = arith.constant 4 : i32
    %swap3A_759 = arith.index_cast %swap3A_758 : i32 to index
    %swap3A_760 = arith.constant 0 : index
    %swap3A_761 = tpu.vector_load %arg9[%swap3A_759, %swap3A_760] {strides = array<i32>} : memref<16x16xf32, #tpu.memory_space<vmem>>, vector<16xf32>,
    tpu.vector_store %arg9[%swap3A_759, %swap3A_760], %scan3A_740#4 {strides = array<i32>} : memref<16x16xf32, #tpu.memory_space<vmem>>, vector<16xf32>,
    %swap3A_762 = arith.constant 5 : i32
    %swap3A_763 = arith.index_cast %swap3A_762 : i32 to index
    %swap3A_764 = arith.constant 0 : index
    %swap3A_765 = tpu.vector_load %arg9[%swap3A_763, %swap3A_764] {strides = array<i32>} : memref<16x16xf32, #tpu.memory_space<vmem>>, vector<16xf32>,
    tpu.vector_store %arg9[%swap3A_763, %swap3A_764], %scan3A_740#5 {strides = array<i32>} : memref<16x16xf32, #tpu.memory_space<vmem>>, vector<16xf32>,
    %swap3A_766 = arith.constant 6 : i32
    %swap3A_767 = arith.index_cast %swap3A_766 : i32 to index
    %swap3A_768 = arith.constant 0 : index
    %swap3A_769 = tpu.vector_load %arg9[%swap3A_767, %swap3A_768] {strides = array<i32>} : memref<16x16xf32, #tpu.memory_space<vmem>>, vector<16xf32>,
    tpu.vector_store %arg9[%swap3A_767, %swap3A_768], %scan3A_740#6 {strides = array<i32>} : memref<16x16xf32, #tpu.memory_space<vmem>>, vector<16xf32>,
    %swap3A_770 = arith.constant 7 : i32
    %swap3A_771 = arith.index_cast %swap3A_770 : i32 to index
    %swap3A_772 = arith.constant 0 : index
    %swap3A_773 = tpu.vector_load %arg9[%swap3A_771, %swap3A_772] {strides = array<i32>} : memref<16x16xf32, #tpu.memory_space<vmem>>, vector<16xf32>,
    tpu.vector_store %arg9[%swap3A_771, %swap3A_772], %scan3A_740#7 {strides = array<i32>} : memref<16x16xf32, #tpu.memory_space<vmem>>, vector<16xf32>,
    %swap3A_774 = arith.constant 8 : i32
    %swap3A_775 = arith.index_cast %swap3A_774 : i32 to index
    %swap3A_776 = arith.constant 0 : index
    %swap3A_777 = tpu.vector_load %arg9[%swap3A_775, %swap3A_776] {strides = array<i32>} : memref<16x16xf32, #tpu.memory_space<vmem>>, vector<16xf32>,
    tpu.vector_store %arg9[%swap3A_775, %swap3A_776], %scan3A_740#8 {strides = array<i32>} : memref<16x16xf32, #tpu.memory_space<vmem>>, vector<16xf32>,
    %swap3A_778 = arith.constant 9 : i32
    %swap3A_779 = arith.index_cast %swap3A_778 : i32 to index
    %swap3A_780 = arith.constant 0 : index
    %swap3A_781 = tpu.vector_load %arg9[%swap3A_779, %swap3A_780] {strides = array<i32>} : memref<16x16xf32, #tpu.memory_space<vmem>>, vector<16xf32>,
    tpu.vector_store %arg9[%swap3A_779, %swap3A_780], %scan3A_740#9 {strides = array<i32>} : memref<16x16xf32, #tpu.memory_space<vmem>>, vector<16xf32>,
    %swap3A_782 = arith.constant 10 : i32
    %swap3A_783 = arith.index_cast %swap3A_782 : i32 to index
    %swap3A_784 = arith.constant 0 : index
    %swap3A_785 = tpu.vector_load %arg9[%swap3A_783, %swap3A_784] {strides = array<i32>} : memref<16x16xf32, #tpu.memory_space<vmem>>, vector<16xf32>,
    tpu.vector_store %arg9[%swap3A_783, %swap3A_784], %scan3A_740#10 {strides = array<i32>} : memref<16x16xf32, #tpu.memory_space<vmem>>, vector<16xf32>,
    %swap3A_786 = arith.constant 11 : i32
    %swap3A_787 = arith.index_cast %swap3A_786 : i32 to index
    %swap3A_788 = arith.constant 0 : index
    %swap3A_789 = tpu.vector_load %arg9[%swap3A_787, %swap3A_788] {strides = array<i32>} : memref<16x16xf32, #tpu.memory_space<vmem>>, vector<16xf32>,
    tpu.vector_store %arg9[%swap3A_787, %swap3A_788], %scan3A_740#11 {strides = array<i32>} : memref<16x16xf32, #tpu.memory_space<vmem>>, vector<16xf32>,
    %swap3A_790 = arith.constant 12 : i32
    %swap3A_791 = arith.index_cast %swap3A_790 : i32 to index
    %swap3A_792 = arith.constant 0 : index
    %swap3A_793 = tpu.vector_load %arg9[%swap3A_791, %swap3A_792] {strides = array<i32>} : memref<16x16xf32, #tpu.memory_space<vmem>>, vector<16xf32>,
    tpu.vector_store %arg9[%swap3A_791, %swap3A_792], %scan3A_740#12 {strides = array<i32>} : memref<16x16xf32, #tpu.memory_space<vmem>>, vector<16xf32>,
    %swap3A_794 = arith.constant 13 : i32
    %swap3A_795 = arith.index_cast %swap3A_794 : i32 to index
    %swap3A_796 = arith.constant 0 : index
    %swap3A_797 = tpu.vector_load %arg9[%swap3A_795, %swap3A_796] {strides = array<i32>} : memref<16x16xf32, #tpu.memory_space<vmem>>, vector<16xf32>,
    tpu.vector_store %arg9[%swap3A_795, %swap3A_796], %scan3A_740#13 {strides = array<i32>} : memref<16x16xf32, #tpu.memory_space<vmem>>, vector<16xf32>,
    %swap3A_798 = arith.constant 14 : i32
    %swap3A_799 = arith.index_cast %swap3A_798 : i32 to index
    %swap3A_800 = arith.constant 0 : index
    %swap3A_801 = tpu.vector_load %arg9[%swap3A_799, %swap3A_800] {strides = array<i32>} : memref<16x16xf32, #tpu.memory_space<vmem>>, vector<16xf32>,
    tpu.vector_store %arg9[%swap3A_799, %swap3A_800], %scan3A_740#14 {strides = array<i32>} : memref<16x16xf32, #tpu.memory_space<vmem>>, vector<16xf32>,
    %swap3A_802 = arith.constant 15 : i32
    %swap3A_803 = arith.index_cast %swap3A_802 : i32 to index
    %swap3A_804 = arith.constant 0 : index
    %swap3A_805 = tpu.vector_load %arg9[%swap3A_803, %swap3A_804] {strides = array<i32>} : memref<16x16xf32, #tpu.memory_space<vmem>>, vector<16xf32>,
    tpu.vector_store %arg9[%swap3A_803, %swap3A_804], %scan3A_740#15 {strides = array<i32>} : memref<16x16xf32, #tpu.memory_space<vmem>>, vector<16xf32>,
    %broadcast_in_dim3A_806 = arith.constant 0 : i32
    %broadcast_in_dim3A_807 = vector.broadcast %broadcast_in_dim3A_806 : i32 to vector<16xi32>
    %gather3A_808 = tpu.vector_load_idx %arg9[%iota3A, %broadcast_in_dim3A_807] : memref<16x16xf32, #tpu.memory_space<vmem>>[vector<16xi32>, vector<16xi32>], vector<16xf32>,
    %broadcast_in_dim3A_809 = arith.constant 1 : i32
    %broadcast_in_dim3A_810 = vector.broadcast %broadcast_in_dim3A_809 : i32 to vector<16xi32>
    %gather3A_811 = tpu.vector_load_idx %arg9[%iota3A, %broadcast_in_dim3A_810] : memref<16x16xf32, #tpu.memory_space<vmem>>[vector<16xi32>, vector<16xi32>], vector<16xf32>,
    %add3A_812 = arith.addf %gather3A_808, %gather3A_811 : vector<16xf32>
    %broadcast_in_dim3A_813 = arith.constant 2 : i32
    %broadcast_in_dim3A_814 = vector.broadcast %broadcast_in_dim3A_813 : i32 to vector<16xi32>
    %gather3A_815 = tpu.vector_load_idx %arg9[%iota3A, %broadcast_in_dim3A_814] : memref<16x16xf32, #tpu.memory_space<vmem>>[vector<16xi32>, vector<16xi32>], vector<16xf32>,
    %add3A_816 = arith.addf %add3A_812, %gather3A_815 : vector<16xf32>
    %broadcast_in_dim3A_817 = arith.constant 3 : i32
    %broadcast_in_dim3A_818 = vector.broadcast %broadcast_in_dim3A_817 : i32 to vector<16xi32>
    %gather3A_819 = tpu.vector_load_idx %arg9[%iota3A, %broadcast_in_dim3A_818] : memref<16x16xf32, #tpu.memory_space<vmem>>[vector<16xi32>, vector<16xi32>], vector<16xf32>,
    %add3A_820 = arith.addf %add3A_816, %gather3A_819 : vector<16xf32>
    %broadcast_in_dim3A_821 = arith.constant 4 : i32
    %broadcast_in_dim3A_822 = vector.broadcast %broadcast_in_dim3A_821 : i32 to vector<16xi32>
    %gather3A_823 = tpu.vector_load_idx %arg9[%iota3A, %broadcast_in_dim3A_822] : memref<16x16xf32, #tpu.memory_space<vmem>>[vector<16xi32>, vector<16xi32>], vector<16xf32>,
    %add3A_824 = arith.addf %add3A_820, %gather3A_823 : vector<16xf32>
    %broadcast_in_dim3A_825 = arith.constant 5 : i32
    %broadcast_in_dim3A_826 = vector.broadcast %broadcast_in_dim3A_825 : i32 to vector<16xi32>
    %gather3A_827 = tpu.vector_load_idx %arg9[%iota3A, %broadcast_in_dim3A_826] : memref<16x16xf32, #tpu.memory_space<vmem>>[vector<16xi32>, vector<16xi32>], vector<16xf32>,
    %add3A_828 = arith.addf %add3A_824, %gather3A_827 : vector<16xf32>
    %broadcast_in_dim3A_829 = arith.constant 6 : i32
    %broadcast_in_dim3A_830 = vector.broadcast %broadcast_in_dim3A_829 : i32 to vector<16xi32>
    %gather3A_831 = tpu.vector_load_idx %arg9[%iota3A, %broadcast_in_dim3A_830] : memref<16x16xf32, #tpu.memory_space<vmem>>[vector<16xi32>, vector<16xi32>], vector<16xf32>,
    %add3A_832 = arith.addf %add3A_828, %gather3A_831 : vector<16xf32>
    %broadcast_in_dim3A_833 = arith.constant 7 : i32
    %broadcast_in_dim3A_834 = vector.broadcast %broadcast_in_dim3A_833 : i32 to vector<16xi32>
    %gather3A_835 = tpu.vector_load_idx %arg9[%iota3A, %broadcast_in_dim3A_834] : memref<16x16xf32, #tpu.memory_space<vmem>>[vector<16xi32>, vector<16xi32>], vector<16xf32>,
    %add3A_836 = arith.addf %add3A_832, %gather3A_835 : vector<16xf32>
    %broadcast_in_dim3A_837 = arith.constant 8 : i32
    %broadcast_in_dim3A_838 = vector.broadcast %broadcast_in_dim3A_837 : i32 to vector<16xi32>
    %gather3A_839 = tpu.vector_load_idx %arg9[%iota3A, %broadcast_in_dim3A_838] : memref<16x16xf32, #tpu.memory_space<vmem>>[vector<16xi32>, vector<16xi32>], vector<16xf32>,
    %add3A_840 = arith.addf %add3A_836, %gather3A_839 : vector<16xf32>
    %broadcast_in_dim3A_841 = arith.constant 9 : i32
    %broadcast_in_dim3A_842 = vector.broadcast %broadcast_in_dim3A_841 : i32 to vector<16xi32>
    %gather3A_843 = tpu.vector_load_idx %arg9[%iota3A, %broadcast_in_dim3A_842] : memref<16x16xf32, #tpu.memory_space<vmem>>[vector<16xi32>, vector<16xi32>], vector<16xf32>,
    %add3A_844 = arith.addf %add3A_840, %gather3A_843 : vector<16xf32>
    %broadcast_in_dim3A_845 = arith.constant 10 : i32
    %broadcast_in_dim3A_846 = vector.broadcast %broadcast_in_dim3A_845 : i32 to vector<16xi32>
    %gather3A_847 = tpu.vector_load_idx %arg9[%iota3A, %broadcast_in_dim3A_846] : memref<16x16xf32, #tpu.memory_space<vmem>>[vector<16xi32>, vector<16xi32>], vector<16xf32>,
    %add3A_848 = arith.addf %add3A_844, %gather3A_847 : vector<16xf32>
    %broadcast_in_dim3A_849 = arith.constant 11 : i32
    %broadcast_in_dim3A_850 = vector.broadcast %broadcast_in_dim3A_849 : i32 to vector<16xi32>
    %gather3A_851 = tpu.vector_load_idx %arg9[%iota3A, %broadcast_in_dim3A_850] : memref<16x16xf32, #tpu.memory_space<vmem>>[vector<16xi32>, vector<16xi32>], vector<16xf32>,
    %add3A_852 = arith.addf %add3A_848, %gather3A_851 : vector<16xf32>
    %broadcast_in_dim3A_853 = arith.constant 12 : i32
    %broadcast_in_dim3A_854 = vector.broadcast %broadcast_in_dim3A_853 : i32 to vector<16xi32>
    %gather3A_855 = tpu.vector_load_idx %arg9[%iota3A, %broadcast_in_dim3A_854] : memref<16x16xf32, #tpu.memory_space<vmem>>[vector<16xi32>, vector<16xi32>], vector<16xf32>,
    %add3A_856 = arith.addf %add3A_852, %gather3A_855 : vector<16xf32>
    %broadcast_in_dim3A_857 = arith.constant 13 : i32
    %broadcast_in_dim3A_858 = vector.broadcast %broadcast_in_dim3A_857 : i32 to vector<16xi32>
    %gather3A_859 = tpu.vector_load_idx %arg9[%iota3A, %broadcast_in_dim3A_858] : memref<16x16xf32, #tpu.memory_space<vmem>>[vector<16xi32>, vector<16xi32>], vector<16xf32>,
    %add3A_860 = arith.addf %add3A_856, %gather3A_859 : vector<16xf32>
    %broadcast_in_dim3A_861 = arith.constant 14 : i32
    %broadcast_in_dim3A_862 = vector.broadcast %broadcast_in_dim3A_861 : i32 to vector<16xi32>
    %gather3A_863 = tpu.vector_load_idx %arg9[%iota3A, %broadcast_in_dim3A_862] : memref<16x16xf32, #tpu.memory_space<vmem>>[vector<16xi32>, vector<16xi32>], vector<16xf32>,
    %add3A_864 = arith.addf %add3A_860, %gather3A_863 : vector<16xf32>
    %broadcast_in_dim3A_865 = arith.constant 15 : i32
    %broadcast_in_dim3A_866 = vector.broadcast %broadcast_in_dim3A_865 : i32 to vector<16xi32>
    %gather3A_867 = tpu.vector_load_idx %arg9[%iota3A, %broadcast_in_dim3A_866] : memref<16x16xf32, #tpu.memory_space<vmem>>[vector<16xi32>, vector<16xi32>], vector<16xf32>,
    %add3A_868 = arith.addf %add3A_864, %gather3A_867 : vector<16xf32>
    %swap3A_869 = arith.constant 0 : i32
    %swap3A_870 = arith.index_cast %swap3A_869 : i32 to index
    %swap3A_871 = arith.constant 0 : index
    %swap3A_872 = tpu.vector_load %arg9[%swap3A_870, %swap3A_871] {strides = array<i32>} : memref<16x16xf32, #tpu.memory_space<vmem>>, vector<16xf32>,
    tpu.vector_store %arg9[%swap3A_870, %swap3A_871], %scan3A_740#16 {strides = array<i32>} : memref<16x16xf32, #tpu.memory_space<vmem>>, vector<16xf32>,
    %swap3A_873 = arith.constant 1 : i32
    %swap3A_874 = arith.index_cast %swap3A_873 : i32 to index
    %swap3A_875 = arith.constant 0 : index
    %swap3A_876 = tpu.vector_load %arg9[%swap3A_874, %swap3A_875] {strides = array<i32>} : memref<16x16xf32, #tpu.memory_space<vmem>>, vector<16xf32>,
    tpu.vector_store %arg9[%swap3A_874, %swap3A_875], %scan3A_740#17 {strides = array<i32>} : memref<16x16xf32, #tpu.memory_space<vmem>>, vector<16xf32>,
    %swap3A_877 = arith.constant 2 : i32
    %swap3A_878 = arith.index_cast %swap3A_877 : i32 to index
    %swap3A_879 = arith.constant 0 : index
    %swap3A_880 = tpu.vector_load %arg9[%swap3A_878, %swap3A_879] {strides = array<i32>} : memref<16x16xf32, #tpu.memory_space<vmem>>, vector<16xf32>,
    tpu.vector_store %arg9[%swap3A_878, %swap3A_879], %scan3A_740#18 {strides = array<i32>} : memref<16x16xf32, #tpu.memory_space<vmem>>, vector<16xf32>,
    %swap3A_881 = arith.constant 3 : i32
    %swap3A_882 = arith.index_cast %swap3A_881 : i32 to index
    %swap3A_883 = arith.constant 0 : index
    %swap3A_884 = tpu.vector_load %arg9[%swap3A_882, %swap3A_883] {strides = array<i32>} : memref<16x16xf32, #tpu.memory_space<vmem>>, vector<16xf32>,
    tpu.vector_store %arg9[%swap3A_882, %swap3A_883], %scan3A_740#19 {strides = array<i32>} : memref<16x16xf32, #tpu.memory_space<vmem>>, vector<16xf32>,
    %swap3A_885 = arith.constant 4 : i32
    %swap3A_886 = arith.index_cast %swap3A_885 : i32 to index
    %swap3A_887 = arith.constant 0 : index
    %swap3A_888 = tpu.vector_load %arg9[%swap3A_886, %swap3A_887] {strides = array<i32>} : memref<16x16xf32, #tpu.memory_space<vmem>>, vector<16xf32>,
    tpu.vector_store %arg9[%swap3A_886, %swap3A_887], %scan3A_740#20 {strides = array<i32>} : memref<16x16xf32, #tpu.memory_space<vmem>>, vector<16xf32>,
    %swap3A_889 = arith.constant 5 : i32
    %swap3A_890 = arith.index_cast %swap3A_889 : i32 to index
    %swap3A_891 = arith.constant 0 : index
    %swap3A_892 = tpu.vector_load %arg9[%swap3A_890, %swap3A_891] {strides = array<i32>} : memref<16x16xf32, #tpu.memory_space<vmem>>, vector<16xf32>,
    tpu.vector_store %arg9[%swap3A_890, %swap3A_891], %scan3A_740#21 {strides = array<i32>} : memref<16x16xf32, #tpu.memory_space<vmem>>, vector<16xf32>,
    %swap3A_893 = arith.constant 6 : i32
    %swap3A_894 = arith.index_cast %swap3A_893 : i32 to index
    %swap3A_895 = arith.constant 0 : index
    %swap3A_896 = tpu.vector_load %arg9[%swap3A_894, %swap3A_895] {strides = array<i32>} : memref<16x16xf32, #tpu.memory_space<vmem>>, vector<16xf32>,
    tpu.vector_store %arg9[%swap3A_894, %swap3A_895], %scan3A_740#22 {strides = array<i32>} : memref<16x16xf32, #tpu.memory_space<vmem>>, vector<16xf32>,
    %swap3A_897 = arith.constant 7 : i32
    %swap3A_898 = arith.index_cast %swap3A_897 : i32 to index
    %swap3A_899 = arith.constant 0 : index
    %swap3A_900 = tpu.vector_load %arg9[%swap3A_898, %swap3A_899] {strides = array<i32>} : memref<16x16xf32, #tpu.memory_space<vmem>>, vector<16xf32>,
    tpu.vector_store %arg9[%swap3A_898, %swap3A_899], %scan3A_740#23 {strides = array<i32>} : memref<16x16xf32, #tpu.memory_space<vmem>>, vector<16xf32>,
    %swap3A_901 = arith.constant 8 : i32
    %swap3A_902 = arith.index_cast %swap3A_901 : i32 to index
    %swap3A_903 = arith.constant 0 : index
    %swap3A_904 = tpu.vector_load %arg9[%swap3A_902, %swap3A_903] {strides = array<i32>} : memref<16x16xf32, #tpu.memory_space<vmem>>, vector<16xf32>,
    tpu.vector_store %arg9[%swap3A_902, %swap3A_903], %scan3A_740#24 {strides = array<i32>} : memref<16x16xf32, #tpu.memory_space<vmem>>, vector<16xf32>,
    %swap3A_905 = arith.constant 9 : i32
    %swap3A_906 = arith.index_cast %swap3A_905 : i32 to index
    %swap3A_907 = arith.constant 0 : index
    %swap3A_908 = tpu.vector_load %arg9[%swap3A_906, %swap3A_907] {strides = array<i32>} : memref<16x16xf32, #tpu.memory_space<vmem>>, vector<16xf32>,
    tpu.vector_store %arg9[%swap3A_906, %swap3A_907], %scan3A_740#25 {strides = array<i32>} : memref<16x16xf32, #tpu.memory_space<vmem>>, vector<16xf32>,
    %swap3A_909 = arith.constant 10 : i32
    %swap3A_910 = arith.index_cast %swap3A_909 : i32 to index
    %swap3A_911 = arith.constant 0 : index
    %swap3A_912 = tpu.vector_load %arg9[%swap3A_910, %swap3A_911] {strides = array<i32>} : memref<16x16xf32, #tpu.memory_space<vmem>>, vector<16xf32>,
    tpu.vector_store %arg9[%swap3A_910, %swap3A_911], %scan3A_740#26 {strides = array<i32>} : memref<16x16xf32, #tpu.memory_space<vmem>>, vector<16xf32>,
    %swap3A_913 = arith.constant 11 : i32
    %swap3A_914 = arith.index_cast %swap3A_913 : i32 to index
    %swap3A_915 = arith.constant 0 : index
    %swap3A_916 = tpu.vector_load %arg9[%swap3A_914, %swap3A_915] {strides = array<i32>} : memref<16x16xf32, #tpu.memory_space<vmem>>, vector<16xf32>,
    tpu.vector_store %arg9[%swap3A_914, %swap3A_915], %scan3A_740#27 {strides = array<i32>} : memref<16x16xf32, #tpu.memory_space<vmem>>, vector<16xf32>,
    %swap3A_917 = arith.constant 12 : i32
    %swap3A_918 = arith.index_cast %swap3A_917 : i32 to index
    %swap3A_919 = arith.constant 0 : index
    %swap3A_920 = tpu.vector_load %arg9[%swap3A_918, %swap3A_919] {strides = array<i32>} : memref<16x16xf32, #tpu.memory_space<vmem>>, vector<16xf32>,
    tpu.vector_store %arg9[%swap3A_918, %swap3A_919], %scan3A_740#28 {strides = array<i32>} : memref<16x16xf32, #tpu.memory_space<vmem>>, vector<16xf32>,
    %swap3A_921 = arith.constant 13 : i32
    %swap3A_922 = arith.index_cast %swap3A_921 : i32 to index
    %swap3A_923 = arith.constant 0 : index
    %swap3A_924 = tpu.vector_load %arg9[%swap3A_922, %swap3A_923] {strides = array<i32>} : memref<16x16xf32, #tpu.memory_space<vmem>>, vector<16xf32>,
    tpu.vector_store %arg9[%swap3A_922, %swap3A_923], %scan3A_740#29 {strides = array<i32>} : memref<16x16xf32, #tpu.memory_space<vmem>>, vector<16xf32>,
    %swap3A_925 = arith.constant 14 : i32
    %swap3A_926 = arith.index_cast %swap3A_925 : i32 to index
    %swap3A_927 = arith.constant 0 : index
    %swap3A_928 = tpu.vector_load %arg9[%swap3A_926, %swap3A_927] {strides = array<i32>} : memref<16x16xf32, #tpu.memory_space<vmem>>, vector<16xf32>,
    tpu.vector_store %arg9[%swap3A_926, %swap3A_927], %scan3A_740#30 {strides = array<i32>} : memref<16x16xf32, #tpu.memory_space<vmem>>, vector<16xf32>,
    %swap3A_929 = arith.constant 15 : i32
    %swap3A_930 = arith.index_cast %swap3A_929 : i32 to index
    %swap3A_931 = arith.constant 0 : index
    %swap3A_932 = tpu.vector_load %arg9[%swap3A_930, %swap3A_931] {strides = array<i32>} : memref<16x16xf32, #tpu.memory_space<vmem>>, vector<16xf32>,
    tpu.vector_store %arg9[%swap3A_930, %swap3A_931], %scan3A_740#31 {strides = array<i32>} : memref<16x16xf32, #tpu.memory_space<vmem>>, vector<16xf32>,
    %broadcast_in_dim3A_933 = arith.constant 0 : i32
    %broadcast_in_dim3A_934 = vector.broadcast %broadcast_in_dim3A_933 : i32 to vector<16xi32>
    %gather3A_935 = tpu.vector_load_idx %arg9[%iota3A, %broadcast_in_dim3A_934] : memref<16x16xf32, #tpu.memory_space<vmem>>[vector<16xi32>, vector<16xi32>], vector<16xf32>,
    %broadcast_in_dim3A_936 = arith.constant 1 : i32
    %broadcast_in_dim3A_937 = vector.broadcast %broadcast_in_dim3A_936 : i32 to vector<16xi32>
    %gather3A_938 = tpu.vector_load_idx %arg9[%iota3A, %broadcast_in_dim3A_937] : memref<16x16xf32, #tpu.memory_space<vmem>>[vector<16xi32>, vector<16xi32>], vector<16xf32>,
    %add3A_939 = arith.addf %gather3A_935, %gather3A_938 : vector<16xf32>
    %broadcast_in_dim3A_940 = arith.constant 2 : i32
    %broadcast_in_dim3A_941 = vector.broadcast %broadcast_in_dim3A_940 : i32 to vector<16xi32>
    %gather3A_942 = tpu.vector_load_idx %arg9[%iota3A, %broadcast_in_dim3A_941] : memref<16x16xf32, #tpu.memory_space<vmem>>[vector<16xi32>, vector<16xi32>], vector<16xf32>,
    %add3A_943 = arith.addf %add3A_939, %gather3A_942 : vector<16xf32>
    %broadcast_in_dim3A_944 = arith.constant 3 : i32
    %broadcast_in_dim3A_945 = vector.broadcast %broadcast_in_dim3A_944 : i32 to vector<16xi32>
    %gather3A_946 = tpu.vector_load_idx %arg9[%iota3A, %broadcast_in_dim3A_945] : memref<16x16xf32, #tpu.memory_space<vmem>>[vector<16xi32>, vector<16xi32>], vector<16xf32>,
    %add3A_947 = arith.addf %add3A_943, %gather3A_946 : vector<16xf32>
    %broadcast_in_dim3A_948 = arith.constant 4 : i32
    %broadcast_in_dim3A_949 = vector.broadcast %broadcast_in_dim3A_948 : i32 to vector<16xi32>
    %gather3A_950 = tpu.vector_load_idx %arg9[%iota3A, %broadcast_in_dim3A_949] : memref<16x16xf32, #tpu.memory_space<vmem>>[vector<16xi32>, vector<16xi32>], vector<16xf32>,
    %add3A_951 = arith.addf %add3A_947, %gather3A_950 : vector<16xf32>
    %broadcast_in_dim3A_952 = arith.constant 5 : i32
    %broadcast_in_dim3A_953 = vector.broadcast %broadcast_in_dim3A_952 : i32 to vector<16xi32>
    %gather3A_954 = tpu.vector_load_idx %arg9[%iota3A, %broadcast_in_dim3A_953] : memref<16x16xf32, #tpu.memory_space<vmem>>[vector<16xi32>, vector<16xi32>], vector<16xf32>,
    %add3A_955 = arith.addf %add3A_951, %gather3A_954 : vector<16xf32>
    %broadcast_in_dim3A_956 = arith.constant 6 : i32
    %broadcast_in_dim3A_957 = vector.broadcast %broadcast_in_dim3A_956 : i32 to vector<16xi32>
    %gather3A_958 = tpu.vector_load_idx %arg9[%iota3A, %broadcast_in_dim3A_957] : memref<16x16xf32, #tpu.memory_space<vmem>>[vector<16xi32>, vector<16xi32>], vector<16xf32>,
    %add3A_959 = arith.addf %add3A_955, %gather3A_958 : vector<16xf32>
    %broadcast_in_dim3A_960 = arith.constant 7 : i32
    %broadcast_in_dim3A_961 = vector.broadcast %broadcast_in_dim3A_960 : i32 to vector<16xi32>
    %gather3A_962 = tpu.vector_load_idx %arg9[%iota3A, %broadcast_in_dim3A_961] : memref<16x16xf32, #tpu.memory_space<vmem>>[vector<16xi32>, vector<16xi32>], vector<16xf32>,
    %add3A_963 = arith.addf %add3A_959, %gather3A_962 : vector<16xf32>
    %broadcast_in_dim3A_964 = arith.constant 8 : i32
    %broadcast_in_dim3A_965 = vector.broadcast %broadcast_in_dim3A_964 : i32 to vector<16xi32>
    %gather3A_966 = tpu.vector_load_idx %arg9[%iota3A, %broadcast_in_dim3A_965] : memref<16x16xf32, #tpu.memory_space<vmem>>[vector<16xi32>, vector<16xi32>], vector<16xf32>,
    %add3A_967 = arith.addf %add3A_963, %gather3A_966 : vector<16xf32>
    %broadcast_in_dim3A_968 = arith.constant 9 : i32
    %broadcast_in_dim3A_969 = vector.broadcast %broadcast_in_dim3A_968 : i32 to vector<16xi32>
    %gather3A_970 = tpu.vector_load_idx %arg9[%iota3A, %broadcast_in_dim3A_969] : memref<16x16xf32, #tpu.memory_space<vmem>>[vector<16xi32>, vector<16xi32>], vector<16xf32>,
    %add3A_971 = arith.addf %add3A_967, %gather3A_970 : vector<16xf32>
    %broadcast_in_dim3A_972 = arith.constant 10 : i32
    %broadcast_in_dim3A_973 = vector.broadcast %broadcast_in_dim3A_972 : i32 to vector<16xi32>
    %gather3A_974 = tpu.vector_load_idx %arg9[%iota3A, %broadcast_in_dim3A_973] : memref<16x16xf32, #tpu.memory_space<vmem>>[vector<16xi32>, vector<16xi32>], vector<16xf32>,
    %add3A_975 = arith.addf %add3A_971, %gather3A_974 : vector<16xf32>
    %broadcast_in_dim3A_976 = arith.constant 11 : i32
    %broadcast_in_dim3A_977 = vector.broadcast %broadcast_in_dim3A_976 : i32 to vector<16xi32>
    %gather3A_978 = tpu.vector_load_idx %arg9[%iota3A, %broadcast_in_dim3A_977] : memref<16x16xf32, #tpu.memory_space<vmem>>[vector<16xi32>, vector<16xi32>], vector<16xf32>,
    %add3A_979 = arith.addf %add3A_975, %gather3A_978 : vector<16xf32>
    %broadcast_in_dim3A_980 = arith.constant 12 : i32
    %broadcast_in_dim3A_981 = vector.broadcast %broadcast_in_dim3A_980 : i32 to vector<16xi32>
    %gather3A_982 = tpu.vector_load_idx %arg9[%iota3A, %broadcast_in_dim3A_981] : memref<16x16xf32, #tpu.memory_space<vmem>>[vector<16xi32>, vector<16xi32>], vector<16xf32>,
    %add3A_983 = arith.addf %add3A_979, %gather3A_982 : vector<16xf32>
    %broadcast_in_dim3A_984 = arith.constant 13 : i32
    %broadcast_in_dim3A_985 = vector.broadcast %broadcast_in_dim3A_984 : i32 to vector<16xi32>
    %gather3A_986 = tpu.vector_load_idx %arg9[%iota3A, %broadcast_in_dim3A_985] : memref<16x16xf32, #tpu.memory_space<vmem>>[vector<16xi32>, vector<16xi32>], vector<16xf32>,
    %add3A_987 = arith.addf %add3A_983, %gather3A_986 : vector<16xf32>
    %broadcast_in_dim3A_988 = arith.constant 14 : i32
    %broadcast_in_dim3A_989 = vector.broadcast %broadcast_in_dim3A_988 : i32 to vector<16xi32>
    %gather3A_990 = tpu.vector_load_idx %arg9[%iota3A, %broadcast_in_dim3A_989] : memref<16x16xf32, #tpu.memory_space<vmem>>[vector<16xi32>, vector<16xi32>], vector<16xf32>,
    %add3A_991 = arith.addf %add3A_987, %gather3A_990 : vector<16xf32>
    %broadcast_in_dim3A_992 = arith.constant 15 : i32
    %broadcast_in_dim3A_993 = vector.broadcast %broadcast_in_dim3A_992 : i32 to vector<16xi32>
    %gather3A_994 = tpu.vector_load_idx %arg9[%iota3A, %broadcast_in_dim3A_993] : memref<16x16xf32, #tpu.memory_space<vmem>>[vector<16xi32>, vector<16xi32>], vector<16xf32>,
    %add3A_995 = arith.addf %add3A_991, %gather3A_994 : vector<16xf32>
    %swap3A_996 = arith.constant 0 : i32
    %swap3A_997 = arith.index_cast %swap3A_996 : i32 to index
    %swap3A_998 = arith.constant 32 : index
    %swap3A_999 = tpu.vector_load %arg8[%swap3A_997, %swap3A_998] {strides = array<i32>} : memref<2x64xf32, #tpu.memory_space<vmem>>, vector<16xf32>,
    tpu.vector_store %arg8[%swap3A_997, %swap3A_998], %add3A_868 {strides = array<i32>} : memref<2x64xf32, #tpu.memory_space<vmem>>, vector<16xf32>,
    %swap3A_1000 = arith.constant 1 : i32
    %swap3A_1001 = arith.index_cast %swap3A_1000 : i32 to index
    %swap3A_1002 = arith.constant 32 : index
    %swap3A_1003 = tpu.vector_load %arg8[%swap3A_1001, %swap3A_1002] {strides = array<i32>} : memref<2x64xf32, #tpu.memory_space<vmem>>, vector<16xf32>,
    tpu.vector_store %arg8[%swap3A_1001, %swap3A_1002], %add3A_995 {strides = array<i32>} : memref<2x64xf32, #tpu.memory_space<vmem>>, vector<16xf32>,
    %dma_wait3A_1004 = arith.constant 3 : i32
    %dma_wait3A_1005 = arith.constant 0 : i32
    %dma_wait3A_1006 = arith.constant 0 : i32
    %dma_wait3A_1007 = tpu.memref_slice %arg7[%dma_wait3A_1004, %dma_wait3A_1005, %dma_wait3A_1006] : memref<4x16x1024xf32, #tpu.memory_space<vmem>> -> memref<1x16x1024xf32, #tpu.memory_space<vmem>>
    %dma_wait3A_1008 = tpu.memref_squeeze %dma_wait3A_1007 : memref<1x16x1024xf32, #tpu.memory_space<vmem>> -> memref<16x1024xf32, #tpu.memory_space<vmem>>
    %dma_wait3A_1009 = arith.constant 0 : i32
    %dma_wait3A_1010 = arith.constant 0 : i32
    %dma_wait3A_1011 = tpu.memref_slice %arg2[%dma_wait3A_1009, %dma_wait3A_1010] : memref<16384x1024xf32, #tpu.memory_space<hbm>> -> memref<16x1024xf32, #tpu.memory_space<hbm>>
    %dma_wait3A_1012 = arith.constant 0 : i32
    %dma_wait3A_1013 = arith.constant 0 : i32
    %dma_wait3A_1014 = tpu.memref_slice %arg7[%dma_wait3A_1004, %dma_wait3A_1012, %dma_wait3A_1013] : memref<4x16x1024xf32, #tpu.memory_space<vmem>> -> memref<1x16x1024xf32, #tpu.memory_space<vmem>>
    %dma_wait3A_1015 = tpu.memref_squeeze %dma_wait3A_1014 : memref<1x16x1024xf32, #tpu.memory_space<vmem>> -> memref<16x1024xf32, #tpu.memory_space<vmem>>
    %dma_wait3A_1016 = arith.constant 0 : i32
    %dma_wait3A_1017 = arith.constant 0 : i32
    %dma_wait3A_1018 = tpu.memref_slice %arg2[%dma_wait3A_1016, %dma_wait3A_1017] : memref<16384x1024xf32, #tpu.memory_space<hbm>> -> memref<16x1024xf32, #tpu.memory_space<hbm>>
    tpu.wait_dma2 semaphore(%arg13 : memref<!tpu.dma_semaphore, #tpu.memory_space<semaphore_mem>>) src(%dma_wait3A_1018 : memref<16x1024xf32, #tpu.memory_space<hbm>>) dst(%dma_wait3A_1015 : memref<16x1024xf32, #tpu.memory_space<vmem>>)
    %broadcast_in_dim3A_1019 = arith.constant 0.000000e+00 : f32
    %broadcast_in_dim3A_1020 = vector.broadcast %broadcast_in_dim3A_1019 : f32 to vector<16xf32>
    %broadcast_in_dim3A_1021 = arith.constant 0.000000e+00 : f32
    %broadcast_in_dim3A_1022 = vector.broadcast %broadcast_in_dim3A_1021 : f32 to vector<16xf32>
    %broadcast_in_dim3A_1023 = arith.constant 0.000000e+00 : f32
    %broadcast_in_dim3A_1024 = vector.broadcast %broadcast_in_dim3A_1023 : f32 to vector<16xf32>
    %broadcast_in_dim3A_1025 = arith.constant 0.000000e+00 : f32
    %broadcast_in_dim3A_1026 = vector.broadcast %broadcast_in_dim3A_1025 : f32 to vector<16xf32>
    %broadcast_in_dim3A_1027 = arith.constant 0.000000e+00 : f32
    %broadcast_in_dim3A_1028 = vector.broadcast %broadcast_in_dim3A_1027 : f32 to vector<16xf32>
    %broadcast_in_dim3A_1029 = arith.constant 0.000000e+00 : f32
    %broadcast_in_dim3A_1030 = vector.broadcast %broadcast_in_dim3A_1029 : f32 to vector<16xf32>
    %broadcast_in_dim3A_1031 = arith.constant 0.000000e+00 : f32
    %broadcast_in_dim3A_1032 = vector.broadcast %broadcast_in_dim3A_1031 : f32 to vector<16xf32>
    %broadcast_in_dim3A_1033 = arith.constant 0.000000e+00 : f32
    %broadcast_in_dim3A_1034 = vector.broadcast %broadcast_in_dim3A_1033 : f32 to vector<16xf32>
    %broadcast_in_dim3A_1035 = arith.constant 0.000000e+00 : f32
    %broadcast_in_dim3A_1036 = vector.broadcast %broadcast_in_dim3A_1035 : f32 to vector<16xf32>
    %broadcast_in_dim3A_1037 = arith.constant 0.000000e+00 : f32
    %broadcast_in_dim3A_1038 = vector.broadcast %broadcast_in_dim3A_1037 : f32 to vector<16xf32>
    %broadcast_in_dim3A_1039 = arith.constant 0.000000e+00 : f32
    %broadcast_in_dim3A_1040 = vector.broadcast %broadcast_in_dim3A_1039 : f32 to vector<16xf32>
    %broadcast_in_dim3A_1041 = arith.constant 0.000000e+00 : f32
    %broadcast_in_dim3A_1042 = vector.broadcast %broadcast_in_dim3A_1041 : f32 to vector<16xf32>
    %broadcast_in_dim3A_1043 = arith.constant 0.000000e+00 : f32
    %broadcast_in_dim3A_1044 = vector.broadcast %broadcast_in_dim3A_1043 : f32 to vector<16xf32>
    %broadcast_in_dim3A_1045 = arith.constant 0.000000e+00 : f32
    %broadcast_in_dim3A_1046 = vector.broadcast %broadcast_in_dim3A_1045 : f32 to vector<16xf32>
    %broadcast_in_dim3A_1047 = arith.constant 0.000000e+00 : f32
    %broadcast_in_dim3A_1048 = vector.broadcast %broadcast_in_dim3A_1047 : f32 to vector<16xf32>
    %broadcast_in_dim3A_1049 = arith.constant 0.000000e+00 : f32
    %broadcast_in_dim3A_1050 = vector.broadcast %broadcast_in_dim3A_1049 : f32 to vector<16xf32>
    %scan3A_1051 = arith.constant 0 : i32
    %scan3A_1052 = arith.constant 64 : i32
    %scan3A_1053 = arith.addi %scan3A_1051, %scan3A_1052 : i32
    %scan3A_1054 = arith.constant 1 : i32
    %scan3A_1055:32 = scf.for %scan3A_1324 = %scan3A_1051 to %scan3A_1053 step %scan3A_1054 iter_args(%scan3A_1325 = %broadcast_in_dim3A_1020, %scan3A_1326 = %broadcast_in_dim3A_1022, %scan3A_1327 = %broadcast_in_dim3A_1024, %scan3A_1328 = %broadcast_in_dim3A_1026, %scan3A_1329 = %broadcast_in_dim3A_1028, %scan3A_1330 = %broadcast_in_dim3A_1030, %scan3A_1331 = %broadcast_in_dim3A_1032, %scan3A_1332 = %broadcast_in_dim3A_1034, %scan3A_1333 = %broadcast_in_dim3A_1036, %scan3A_1334 = %broadcast_in_dim3A_1038, %scan3A_1335 = %broadcast_in_dim3A_1040, %scan3A_1336 = %broadcast_in_dim3A_1042, %scan3A_1337 = %broadcast_in_dim3A_1044, %scan3A_1338 = %broadcast_in_dim3A_1046, %scan3A_1339 = %broadcast_in_dim3A_1048, %scan3A_1340 = %broadcast_in_dim3A_1050, %scan3A_1341 = %broadcast_in_dim3A_1020, %scan3A_1342 = %broadcast_in_dim3A_1022, %scan3A_1343 = %broadcast_in_dim3A_1024, %scan3A_1344 = %broadcast_in_dim3A_1026, %scan3A_1345 = %broadcast_in_dim3A_1028, %scan3A_1346 = %broadcast_in_dim3A_1030, %scan3A_1347 = %broadcast_in_dim3A_1032, %scan3A_1348 = %broadcast_in_dim3A_1034, %scan3A_1349 = %broadcast_in_dim3A_1036, %scan3A_1350 = %broadcast_in_dim3A_1038, %scan3A_1351 = %broadcast_in_dim3A_1040, %scan3A_1352 = %broadcast_in_dim3A_1042, %scan3A_1353 = %broadcast_in_dim3A_1044, %scan3A_1354 = %broadcast_in_dim3A_1046, %scan3A_1355 = %broadcast_in_dim3A_1048, %scan3A_1356 = %broadcast_in_dim3A_1050) -> (vector<16xf32>, vector<16xf32>, vector<16xf32>, vector<16xf32>, vector<16xf32>, vector<16xf32>, vector<16xf32>, vector<16xf32>, vector<16xf32>, vector<16xf32>, vector<16xf32>, vector<16xf32>, vector<16xf32>, vector<16xf32>, vector<16xf32>, vector<16xf32>, vector<16xf32>, vector<16xf32>, vector<16xf32>, vector<16xf32>, vector<16xf32>, vector<16xf32>, vector<16xf32>, vector<16xf32>, vector<16xf32>, vector<16xf32>, vector<16xf32>, vector<16xf32>, vector<16xf32>, vector<16xf32>, vector<16xf32>, vector<16xf32>)  : i32 {
      %mul3A_1357 = arith.constant 16 : i32
      %mul3A_1358 = arith.muli %scan3A_1324, %mul3A_1357 : i32
      %get3A = arith.constant 0 : i32
      %get3A_1359 = arith.index_cast %get3A : i32 to index
      %get3A_1360 = arith.index_cast %mul3A_1358 : i32 to index
      %get3A_1361 = tpu.vector_load %arg6[%get3A_1359, %get3A_1360] {strides = array<i32>} : memref<2x1024xf32, #tpu.memory_space<vmem>>, vector<16xf32>,
      %get3A_1362 = arith.constant 1 : i32
      %get3A_1363 = arith.index_cast %get3A_1362 : i32 to index
      %get3A_1364 = arith.index_cast %mul3A_1358 : i32 to index
      %get3A_1365 = tpu.vector_load %arg6[%get3A_1363, %get3A_1364] {strides = array<i32>} : memref<2x1024xf32, #tpu.memory_space<vmem>>, vector<16xf32>,
      %get3A_1366 = arith.constant 3 : i32
      %get3A_1367 = arith.constant 0 : i32
      %get3A_1368 = arith.index_cast %get3A_1366 : i32 to index
      %get3A_1369 = arith.index_cast %get3A_1367 : i32 to index
      %get3A_1370 = arith.index_cast %mul3A_1358 : i32 to index
      %get3A_1371 = tpu.vector_load %arg7[%get3A_1368, %get3A_1369, %get3A_1370] {strides = array<i32>} : memref<4x16x1024xf32, #tpu.memory_space<vmem>>, vector<16xf32>,
      %mul3A_1372 = arith.mulf %get3A_1371, %get3A_1361 : vector<16xf32>
      %add3A_1373 = arith.addf %scan3A_1325, %mul3A_1372 : vector<16xf32>
      %mul3A_1374 = arith.mulf %get3A_1371, %get3A_1365 : vector<16xf32>
      %add3A_1375 = arith.addf %scan3A_1341, %mul3A_1374 : vector<16xf32>
      %get3A_1376 = arith.constant 3 : i32
      %get3A_1377 = arith.constant 1 : i32
      %get3A_1378 = arith.index_cast %get3A_1376 : i32 to index
      %get3A_1379 = arith.index_cast %get3A_1377 : i32 to index
      %get3A_1380 = arith.index_cast %mul3A_1358 : i32 to index
      %get3A_1381 = tpu.vector_load %arg7[%get3A_1378, %get3A_1379, %get3A_1380] {strides = array<i32>} : memref<4x16x1024xf32, #tpu.memory_space<vmem>>, vector<16xf32>,
      %mul3A_1382 = arith.mulf %get3A_1381, %get3A_1361 : vector<16xf32>
      %add3A_1383 = arith.addf %scan3A_1326, %mul3A_1382 : vector<16xf32>
      %mul3A_1384 = arith.mulf %get3A_1381, %get3A_1365 : vector<16xf32>
      %add3A_1385 = arith.addf %scan3A_1342, %mul3A_1384 : vector<16xf32>
      %get3A_1386 = arith.constant 3 : i32
      %get3A_1387 = arith.constant 2 : i32
      %get3A_1388 = arith.index_cast %get3A_1386 : i32 to index
      %get3A_1389 = arith.index_cast %get3A_1387 : i32 to index
      %get3A_1390 = arith.index_cast %mul3A_1358 : i32 to index
      %get3A_1391 = tpu.vector_load %arg7[%get3A_1388, %get3A_1389, %get3A_1390] {strides = array<i32>} : memref<4x16x1024xf32, #tpu.memory_space<vmem>>, vector<16xf32>,
      %mul3A_1392 = arith.mulf %get3A_1391, %get3A_1361 : vector<16xf32>
      %add3A_1393 = arith.addf %scan3A_1327, %mul3A_1392 : vector<16xf32>
      %mul3A_1394 = arith.mulf %get3A_1391, %get3A_1365 : vector<16xf32>
      %add3A_1395 = arith.addf %scan3A_1343, %mul3A_1394 : vector<16xf32>
      %get3A_1396 = arith.constant 3 : i32
      %get3A_1397 = arith.constant 3 : i32
      %get3A_1398 = arith.index_cast %get3A_1396 : i32 to index
      %get3A_1399 = arith.index_cast %get3A_1397 : i32 to index
      %get3A_1400 = arith.index_cast %mul3A_1358 : i32 to index
      %get3A_1401 = tpu.vector_load %arg7[%get3A_1398, %get3A_1399, %get3A_1400] {strides = array<i32>} : memref<4x16x1024xf32, #tpu.memory_space<vmem>>, vector<16xf32>,
      %mul3A_1402 = arith.mulf %get3A_1401, %get3A_1361 : vector<16xf32>
      %add3A_1403 = arith.addf %scan3A_1328, %mul3A_1402 : vector<16xf32>
      %mul3A_1404 = arith.mulf %get3A_1401, %get3A_1365 : vector<16xf32>
      %add3A_1405 = arith.addf %scan3A_1344, %mul3A_1404 : vector<16xf32>
      %get3A_1406 = arith.constant 3 : i32
      %get3A_1407 = arith.constant 4 : i32
      %get3A_1408 = arith.index_cast %get3A_1406 : i32 to index
      %get3A_1409 = arith.index_cast %get3A_1407 : i32 to index
      %get3A_1410 = arith.index_cast %mul3A_1358 : i32 to index
      %get3A_1411 = tpu.vector_load %arg7[%get3A_1408, %get3A_1409, %get3A_1410] {strides = array<i32>} : memref<4x16x1024xf32, #tpu.memory_space<vmem>>, vector<16xf32>,
      %mul3A_1412 = arith.mulf %get3A_1411, %get3A_1361 : vector<16xf32>
      %add3A_1413 = arith.addf %scan3A_1329, %mul3A_1412 : vector<16xf32>
      %mul3A_1414 = arith.mulf %get3A_1411, %get3A_1365 : vector<16xf32>
      %add3A_1415 = arith.addf %scan3A_1345, %mul3A_1414 : vector<16xf32>
      %get3A_1416 = arith.constant 3 : i32
      %get3A_1417 = arith.constant 5 : i32
      %get3A_1418 = arith.index_cast %get3A_1416 : i32 to index
      %get3A_1419 = arith.index_cast %get3A_1417 : i32 to index
      %get3A_1420 = arith.index_cast %mul3A_1358 : i32 to index
      %get3A_1421 = tpu.vector_load %arg7[%get3A_1418, %get3A_1419, %get3A_1420] {strides = array<i32>} : memref<4x16x1024xf32, #tpu.memory_space<vmem>>, vector<16xf32>,
      %mul3A_1422 = arith.mulf %get3A_1421, %get3A_1361 : vector<16xf32>
      %add3A_1423 = arith.addf %scan3A_1330, %mul3A_1422 : vector<16xf32>
      %mul3A_1424 = arith.mulf %get3A_1421, %get3A_1365 : vector<16xf32>
      %add3A_1425 = arith.addf %scan3A_1346, %mul3A_1424 : vector<16xf32>
      %get3A_1426 = arith.constant 3 : i32
      %get3A_1427 = arith.constant 6 : i32
      %get3A_1428 = arith.index_cast %get3A_1426 : i32 to index
      %get3A_1429 = arith.index_cast %get3A_1427 : i32 to index
      %get3A_1430 = arith.index_cast %mul3A_1358 : i32 to index
      %get3A_1431 = tpu.vector_load %arg7[%get3A_1428, %get3A_1429, %get3A_1430] {strides = array<i32>} : memref<4x16x1024xf32, #tpu.memory_space<vmem>>, vector<16xf32>,
      %mul3A_1432 = arith.mulf %get3A_1431, %get3A_1361 : vector<16xf32>
      %add3A_1433 = arith.addf %scan3A_1331, %mul3A_1432 : vector<16xf32>
      %mul3A_1434 = arith.mulf %get3A_1431, %get3A_1365 : vector<16xf32>
      %add3A_1435 = arith.addf %scan3A_1347, %mul3A_1434 : vector<16xf32>
      %get3A_1436 = arith.constant 3 : i32
      %get3A_1437 = arith.constant 7 : i32
      %get3A_1438 = arith.index_cast %get3A_1436 : i32 to index
      %get3A_1439 = arith.index_cast %get3A_1437 : i32 to index
      %get3A_1440 = arith.index_cast %mul3A_1358 : i32 to index
      %get3A_1441 = tpu.vector_load %arg7[%get3A_1438, %get3A_1439, %get3A_1440] {strides = array<i32>} : memref<4x16x1024xf32, #tpu.memory_space<vmem>>, vector<16xf32>,
      %mul3A_1442 = arith.mulf %get3A_1441, %get3A_1361 : vector<16xf32>
      %add3A_1443 = arith.addf %scan3A_1332, %mul3A_1442 : vector<16xf32>
      %mul3A_1444 = arith.mulf %get3A_1441, %get3A_1365 : vector<16xf32>
      %add3A_1445 = arith.addf %scan3A_1348, %mul3A_1444 : vector<16xf32>
      %get3A_1446 = arith.constant 3 : i32
      %get3A_1447 = arith.constant 8 : i32
      %get3A_1448 = arith.index_cast %get3A_1446 : i32 to index
      %get3A_1449 = arith.index_cast %get3A_1447 : i32 to index
      %get3A_1450 = arith.index_cast %mul3A_1358 : i32 to index
      %get3A_1451 = tpu.vector_load %arg7[%get3A_1448, %get3A_1449, %get3A_1450] {strides = array<i32>} : memref<4x16x1024xf32, #tpu.memory_space<vmem>>, vector<16xf32>,
      %mul3A_1452 = arith.mulf %get3A_1451, %get3A_1361 : vector<16xf32>
      %add3A_1453 = arith.addf %scan3A_1333, %mul3A_1452 : vector<16xf32>
      %mul3A_1454 = arith.mulf %get3A_1451, %get3A_1365 : vector<16xf32>
      %add3A_1455 = arith.addf %scan3A_1349, %mul3A_1454 : vector<16xf32>
      %get3A_1456 = arith.constant 3 : i32
      %get3A_1457 = arith.constant 9 : i32
      %get3A_1458 = arith.index_cast %get3A_1456 : i32 to index
      %get3A_1459 = arith.index_cast %get3A_1457 : i32 to index
      %get3A_1460 = arith.index_cast %mul3A_1358 : i32 to index
      %get3A_1461 = tpu.vector_load %arg7[%get3A_1458, %get3A_1459, %get3A_1460] {strides = array<i32>} : memref<4x16x1024xf32, #tpu.memory_space<vmem>>, vector<16xf32>,
      %mul3A_1462 = arith.mulf %get3A_1461, %get3A_1361 : vector<16xf32>
      %add3A_1463 = arith.addf %scan3A_1334, %mul3A_1462 : vector<16xf32>
      %mul3A_1464 = arith.mulf %get3A_1461, %get3A_1365 : vector<16xf32>
      %add3A_1465 = arith.addf %scan3A_1350, %mul3A_1464 : vector<16xf32>
      %get3A_1466 = arith.constant 3 : i32
      %get3A_1467 = arith.constant 10 : i32
      %get3A_1468 = arith.index_cast %get3A_1466 : i32 to index
      %get3A_1469 = arith.index_cast %get3A_1467 : i32 to index
      %get3A_1470 = arith.index_cast %mul3A_1358 : i32 to index
      %get3A_1471 = tpu.vector_load %arg7[%get3A_1468, %get3A_1469, %get3A_1470] {strides = array<i32>} : memref<4x16x1024xf32, #tpu.memory_space<vmem>>, vector<16xf32>,
      %mul3A_1472 = arith.mulf %get3A_1471, %get3A_1361 : vector<16xf32>
      %add3A_1473 = arith.addf %scan3A_1335, %mul3A_1472 : vector<16xf32>
      %mul3A_1474 = arith.mulf %get3A_1471, %get3A_1365 : vector<16xf32>
      %add3A_1475 = arith.addf %scan3A_1351, %mul3A_1474 : vector<16xf32>
      %get3A_1476 = arith.constant 3 : i32
      %get3A_1477 = arith.constant 11 : i32
      %get3A_1478 = arith.index_cast %get3A_1476 : i32 to index
      %get3A_1479 = arith.index_cast %get3A_1477 : i32 to index
      %get3A_1480 = arith.index_cast %mul3A_1358 : i32 to index
      %get3A_1481 = tpu.vector_load %arg7[%get3A_1478, %get3A_1479, %get3A_1480] {strides = array<i32>} : memref<4x16x1024xf32, #tpu.memory_space<vmem>>, vector<16xf32>,
      %mul3A_1482 = arith.mulf %get3A_1481, %get3A_1361 : vector<16xf32>
      %add3A_1483 = arith.addf %scan3A_1336, %mul3A_1482 : vector<16xf32>
      %mul3A_1484 = arith.mulf %get3A_1481, %get3A_1365 : vector<16xf32>
      %add3A_1485 = arith.addf %scan3A_1352, %mul3A_1484 : vector<16xf32>
      %get3A_1486 = arith.constant 3 : i32
      %get3A_1487 = arith.constant 12 : i32
      %get3A_1488 = arith.index_cast %get3A_1486 : i32 to index
      %get3A_1489 = arith.index_cast %get3A_1487 : i32 to index
      %get3A_1490 = arith.index_cast %mul3A_1358 : i32 to index
      %get3A_1491 = tpu.vector_load %arg7[%get3A_1488, %get3A_1489, %get3A_1490] {strides = array<i32>} : memref<4x16x1024xf32, #tpu.memory_space<vmem>>, vector<16xf32>,
      %mul3A_1492 = arith.mulf %get3A_1491, %get3A_1361 : vector<16xf32>
      %add3A_1493 = arith.addf %scan3A_1337, %mul3A_1492 : vector<16xf32>
      %mul3A_1494 = arith.mulf %get3A_1491, %get3A_1365 : vector<16xf32>
      %add3A_1495 = arith.addf %scan3A_1353, %mul3A_1494 : vector<16xf32>
      %get3A_1496 = arith.constant 3 : i32
      %get3A_1497 = arith.constant 13 : i32
      %get3A_1498 = arith.index_cast %get3A_1496 : i32 to index
      %get3A_1499 = arith.index_cast %get3A_1497 : i32 to index
      %get3A_1500 = arith.index_cast %mul3A_1358 : i32 to index
      %get3A_1501 = tpu.vector_load %arg7[%get3A_1498, %get3A_1499, %get3A_1500] {strides = array<i32>} : memref<4x16x1024xf32, #tpu.memory_space<vmem>>, vector<16xf32>,
      %mul3A_1502 = arith.mulf %get3A_1501, %get3A_1361 : vector<16xf32>
      %add3A_1503 = arith.addf %scan3A_1338, %mul3A_1502 : vector<16xf32>
      %mul3A_1504 = arith.mulf %get3A_1501, %get3A_1365 : vector<16xf32>
      %add3A_1505 = arith.addf %scan3A_1354, %mul3A_1504 : vector<16xf32>
      %get3A_1506 = arith.constant 3 : i32
      %get3A_1507 = arith.constant 14 : i32
      %get3A_1508 = arith.index_cast %get3A_1506 : i32 to index
      %get3A_1509 = arith.index_cast %get3A_1507 : i32 to index
      %get3A_1510 = arith.index_cast %mul3A_1358 : i32 to index
      %get3A_1511 = tpu.vector_load %arg7[%get3A_1508, %get3A_1509, %get3A_1510] {strides = array<i32>} : memref<4x16x1024xf32, #tpu.memory_space<vmem>>, vector<16xf32>,
      %mul3A_1512 = arith.mulf %get3A_1511, %get3A_1361 : vector<16xf32>
      %add3A_1513 = arith.addf %scan3A_1339, %mul3A_1512 : vector<16xf32>
      %mul3A_1514 = arith.mulf %get3A_1511, %get3A_1365 : vector<16xf32>
      %add3A_1515 = arith.addf %scan3A_1355, %mul3A_1514 : vector<16xf32>
      %get3A_1516 = arith.constant 3 : i32
      %get3A_1517 = arith.constant 15 : i32
      %get3A_1518 = arith.index_cast %get3A_1516 : i32 to index
      %get3A_1519 = arith.index_cast %get3A_1517 : i32 to index
      %get3A_1520 = arith.index_cast %mul3A_1358 : i32 to index
      %get3A_1521 = tpu.vector_load %arg7[%get3A_1518, %get3A_1519, %get3A_1520] {strides = array<i32>} : memref<4x16x1024xf32, #tpu.memory_space<vmem>>, vector<16xf32>,
      %mul3A_1522 = arith.mulf %get3A_1521, %get3A_1361 : vector<16xf32>
      %add3A_1523 = arith.addf %scan3A_1340, %mul3A_1522 : vector<16xf32>
      %mul3A_1524 = arith.mulf %get3A_1521, %get3A_1365 : vector<16xf32>
      %add3A_1525 = arith.addf %scan3A_1356, %mul3A_1524 : vector<16xf32>
      scf.yield %add3A_1373, %add3A_1383, %add3A_1393, %add3A_1403, %add3A_1413, %add3A_1423, %add3A_1433, %add3A_1443, %add3A_1453, %add3A_1463, %add3A_1473, %add3A_1483, %add3A_1493, %add3A_1503, %add3A_1513, %add3A_1523, %add3A_1375, %add3A_1385, %add3A_1395, %add3A_1405, %add3A_1415, %add3A_1425, %add3A_1435, %add3A_1445, %add3A_1455, %add3A_1465, %add3A_1475, %add3A_1485, %add3A_1495, %add3A_1505, %add3A_1515, %add3A_1525 : vector<16xf32>, vector<16xf32>, vector<16xf32>, vector<16xf32>, vector<16xf32>, vector<16xf32>, vector<16xf32>, vector<16xf32>, vector<16xf32>, vector<16xf32>, vector<16xf32>, vector<16xf32>, vector<16xf32>, vector<16xf32>, vector<16xf32>, vector<16xf32>, vector<16xf32>, vector<16xf32>, vector<16xf32>, vector<16xf32>, vector<16xf32>, vector<16xf32>, vector<16xf32>, vector<16xf32>, vector<16xf32>, vector<16xf32>, vector<16xf32>, vector<16xf32>, vector<16xf32>, vector<16xf32>, vector<16xf32>, vector<16xf32>
    }
    %scan3A_1056 = arith.constant 64 : i32
    %swap3A_1057 = arith.constant 0 : i32
    %swap3A_1058 = arith.index_cast %swap3A_1057 : i32 to index
    %swap3A_1059 = arith.constant 0 : index
    %swap3A_1060 = tpu.vector_load %arg9[%swap3A_1058, %swap3A_1059] {strides = array<i32>} : memref<16x16xf32, #tpu.memory_space<vmem>>, vector<16xf32>,
    tpu.vector_store %arg9[%swap3A_1058, %swap3A_1059], %scan3A_1055#0 {strides = array<i32>} : memref<16x16xf32, #tpu.memory_space<vmem>>, vector<16xf32>,
    %swap3A_1061 = arith.constant 1 : i32
    %swap3A_1062 = arith.index_cast %swap3A_1061 : i32 to index
    %swap3A_1063 = arith.constant 0 : index
    %swap3A_1064 = tpu.vector_load %arg9[%swap3A_1062, %swap3A_1063] {strides = array<i32>} : memref<16x16xf32, #tpu.memory_space<vmem>>, vector<16xf32>,
    tpu.vector_store %arg9[%swap3A_1062, %swap3A_1063], %scan3A_1055#1 {strides = array<i32>} : memref<16x16xf32, #tpu.memory_space<vmem>>, vector<16xf32>,
    %swap3A_1065 = arith.constant 2 : i32
    %swap3A_1066 = arith.index_cast %swap3A_1065 : i32 to index
    %swap3A_1067 = arith.constant 0 : index
    %swap3A_1068 = tpu.vector_load %arg9[%swap3A_1066, %swap3A_1067] {strides = array<i32>} : memref<16x16xf32, #tpu.memory_space<vmem>>, vector<16xf32>,
    tpu.vector_store %arg9[%swap3A_1066, %swap3A_1067], %scan3A_1055#2 {strides = array<i32>} : memref<16x16xf32, #tpu.memory_space<vmem>>, vector<16xf32>,
    %swap3A_1069 = arith.constant 3 : i32
    %swap3A_1070 = arith.index_cast %swap3A_1069 : i32 to index
    %swap3A_1071 = arith.constant 0 : index
    %swap3A_1072 = tpu.vector_load %arg9[%swap3A_1070, %swap3A_1071] {strides = array<i32>} : memref<16x16xf32, #tpu.memory_space<vmem>>, vector<16xf32>,
    tpu.vector_store %arg9[%swap3A_1070, %swap3A_1071], %scan3A_1055#3 {strides = array<i32>} : memref<16x16xf32, #tpu.memory_space<vmem>>, vector<16xf32>,
    %swap3A_1073 = arith.constant 4 : i32
    %swap3A_1074 = arith.index_cast %swap3A_1073 : i32 to index
    %swap3A_1075 = arith.constant 0 : index
    %swap3A_1076 = tpu.vector_load %arg9[%swap3A_1074, %swap3A_1075] {strides = array<i32>} : memref<16x16xf32, #tpu.memory_space<vmem>>, vector<16xf32>,
    tpu.vector_store %arg9[%swap3A_1074, %swap3A_1075], %scan3A_1055#4 {strides = array<i32>} : memref<16x16xf32, #tpu.memory_space<vmem>>, vector<16xf32>,
    %swap3A_1077 = arith.constant 5 : i32
    %swap3A_1078 = arith.index_cast %swap3A_1077 : i32 to index
    %swap3A_1079 = arith.constant 0 : index
    %swap3A_1080 = tpu.vector_load %arg9[%swap3A_1078, %swap3A_1079] {strides = array<i32>} : memref<16x16xf32, #tpu.memory_space<vmem>>, vector<16xf32>,
    tpu.vector_store %arg9[%swap3A_1078, %swap3A_1079], %scan3A_1055#5 {strides = array<i32>} : memref<16x16xf32, #tpu.memory_space<vmem>>, vector<16xf32>,
    %swap3A_1081 = arith.constant 6 : i32
    %swap3A_1082 = arith.index_cast %swap3A_1081 : i32 to index
    %swap3A_1083 = arith.constant 0 : index
    %swap3A_1084 = tpu.vector_load %arg9[%swap3A_1082, %swap3A_1083] {strides = array<i32>} : memref<16x16xf32, #tpu.memory_space<vmem>>, vector<16xf32>,
    tpu.vector_store %arg9[%swap3A_1082, %swap3A_1083], %scan3A_1055#6 {strides = array<i32>} : memref<16x16xf32, #tpu.memory_space<vmem>>, vector<16xf32>,
    %swap3A_1085 = arith.constant 7 : i32
    %swap3A_1086 = arith.index_cast %swap3A_1085 : i32 to index
    %swap3A_1087 = arith.constant 0 : index
    %swap3A_1088 = tpu.vector_load %arg9[%swap3A_1086, %swap3A_1087] {strides = array<i32>} : memref<16x16xf32, #tpu.memory_space<vmem>>, vector<16xf32>,
    tpu.vector_store %arg9[%swap3A_1086, %swap3A_1087], %scan3A_1055#7 {strides = array<i32>} : memref<16x16xf32, #tpu.memory_space<vmem>>, vector<16xf32>,
    %swap3A_1089 = arith.constant 8 : i32
    %swap3A_1090 = arith.index_cast %swap3A_1089 : i32 to index
    %swap3A_1091 = arith.constant 0 : index
    %swap3A_1092 = tpu.vector_load %arg9[%swap3A_1090, %swap3A_1091] {strides = array<i32>} : memref<16x16xf32, #tpu.memory_space<vmem>>, vector<16xf32>,
    tpu.vector_store %arg9[%swap3A_1090, %swap3A_1091], %scan3A_1055#8 {strides = array<i32>} : memref<16x16xf32, #tpu.memory_space<vmem>>, vector<16xf32>,
    %swap3A_1093 = arith.constant 9 : i32
    %swap3A_1094 = arith.index_cast %swap3A_1093 : i32 to index
    %swap3A_1095 = arith.constant 0 : index
    %swap3A_1096 = tpu.vector_load %arg9[%swap3A_1094, %swap3A_1095] {strides = array<i32>} : memref<16x16xf32, #tpu.memory_space<vmem>>, vector<16xf32>,
    tpu.vector_store %arg9[%swap3A_1094, %swap3A_1095], %scan3A_1055#9 {strides = array<i32>} : memref<16x16xf32, #tpu.memory_space<vmem>>, vector<16xf32>,
    %swap3A_1097 = arith.constant 10 : i32
    %swap3A_1098 = arith.index_cast %swap3A_1097 : i32 to index
    %swap3A_1099 = arith.constant 0 : index
    %swap3A_1100 = tpu.vector_load %arg9[%swap3A_1098, %swap3A_1099] {strides = array<i32>} : memref<16x16xf32, #tpu.memory_space<vmem>>, vector<16xf32>,
    tpu.vector_store %arg9[%swap3A_1098, %swap3A_1099], %scan3A_1055#10 {strides = array<i32>} : memref<16x16xf32, #tpu.memory_space<vmem>>, vector<16xf32>,
    %swap3A_1101 = arith.constant 11 : i32
    %swap3A_1102 = arith.index_cast %swap3A_1101 : i32 to index
    %swap3A_1103 = arith.constant 0 : index
    %swap3A_1104 = tpu.vector_load %arg9[%swap3A_1102, %swap3A_1103] {strides = array<i32>} : memref<16x16xf32, #tpu.memory_space<vmem>>, vector<16xf32>,
    tpu.vector_store %arg9[%swap3A_1102, %swap3A_1103], %scan3A_1055#11 {strides = array<i32>} : memref<16x16xf32, #tpu.memory_space<vmem>>, vector<16xf32>,
    %swap3A_1105 = arith.constant 12 : i32
    %swap3A_1106 = arith.index_cast %swap3A_1105 : i32 to index
    %swap3A_1107 = arith.constant 0 : index
    %swap3A_1108 = tpu.vector_load %arg9[%swap3A_1106, %swap3A_1107] {strides = array<i32>} : memref<16x16xf32, #tpu.memory_space<vmem>>, vector<16xf32>,
    tpu.vector_store %arg9[%swap3A_1106, %swap3A_1107], %scan3A_1055#12 {strides = array<i32>} : memref<16x16xf32, #tpu.memory_space<vmem>>, vector<16xf32>,
    %swap3A_1109 = arith.constant 13 : i32
    %swap3A_1110 = arith.index_cast %swap3A_1109 : i32 to index
    %swap3A_1111 = arith.constant 0 : index
    %swap3A_1112 = tpu.vector_load %arg9[%swap3A_1110, %swap3A_1111] {strides = array<i32>} : memref<16x16xf32, #tpu.memory_space<vmem>>, vector<16xf32>,
    tpu.vector_store %arg9[%swap3A_1110, %swap3A_1111], %scan3A_1055#13 {strides = array<i32>} : memref<16x16xf32, #tpu.memory_space<vmem>>, vector<16xf32>,
    %swap3A_1113 = arith.constant 14 : i32
    %swap3A_1114 = arith.index_cast %swap3A_1113 : i32 to index
    %swap3A_1115 = arith.constant 0 : index
    %swap3A_1116 = tpu.vector_load %arg9[%swap3A_1114, %swap3A_1115] {strides = array<i32>} : memref<16x16xf32, #tpu.memory_space<vmem>>, vector<16xf32>,
    tpu.vector_store %arg9[%swap3A_1114, %swap3A_1115], %scan3A_1055#14 {strides = array<i32>} : memref<16x16xf32, #tpu.memory_space<vmem>>, vector<16xf32>,
    %swap3A_1117 = arith.constant 15 : i32
    %swap3A_1118 = arith.index_cast %swap3A_1117 : i32 to index
    %swap3A_1119 = arith.constant 0 : index
    %swap3A_1120 = tpu.vector_load %arg9[%swap3A_1118, %swap3A_1119] {strides = array<i32>} : memref<16x16xf32, #tpu.memory_space<vmem>>, vector<16xf32>,
    tpu.vector_store %arg9[%swap3A_1118, %swap3A_1119], %scan3A_1055#15 {strides = array<i32>} : memref<16x16xf32, #tpu.memory_space<vmem>>, vector<16xf32>,
    %broadcast_in_dim3A_1121 = arith.constant 0 : i32
    %broadcast_in_dim3A_1122 = vector.broadcast %broadcast_in_dim3A_1121 : i32 to vector<16xi32>
    %gather3A_1123 = tpu.vector_load_idx %arg9[%iota3A, %broadcast_in_dim3A_1122] : memref<16x16xf32, #tpu.memory_space<vmem>>[vector<16xi32>, vector<16xi32>], vector<16xf32>,
    %broadcast_in_dim3A_1124 = arith.constant 1 : i32
    %broadcast_in_dim3A_1125 = vector.broadcast %broadcast_in_dim3A_1124 : i32 to vector<16xi32>
    %gather3A_1126 = tpu.vector_load_idx %arg9[%iota3A, %broadcast_in_dim3A_1125] : memref<16x16xf32, #tpu.memory_space<vmem>>[vector<16xi32>, vector<16xi32>], vector<16xf32>,
    %add3A_1127 = arith.addf %gather3A_1123, %gather3A_1126 : vector<16xf32>
    %broadcast_in_dim3A_1128 = arith.constant 2 : i32
    %broadcast_in_dim3A_1129 = vector.broadcast %broadcast_in_dim3A_1128 : i32 to vector<16xi32>
    %gather3A_1130 = tpu.vector_load_idx %arg9[%iota3A, %broadcast_in_dim3A_1129] : memref<16x16xf32, #tpu.memory_space<vmem>>[vector<16xi32>, vector<16xi32>], vector<16xf32>,
    %add3A_1131 = arith.addf %add3A_1127, %gather3A_1130 : vector<16xf32>
    %broadcast_in_dim3A_1132 = arith.constant 3 : i32
    %broadcast_in_dim3A_1133 = vector.broadcast %broadcast_in_dim3A_1132 : i32 to vector<16xi32>
    %gather3A_1134 = tpu.vector_load_idx %arg9[%iota3A, %broadcast_in_dim3A_1133] : memref<16x16xf32, #tpu.memory_space<vmem>>[vector<16xi32>, vector<16xi32>], vector<16xf32>,
    %add3A_1135 = arith.addf %add3A_1131, %gather3A_1134 : vector<16xf32>
    %broadcast_in_dim3A_1136 = arith.constant 4 : i32
    %broadcast_in_dim3A_1137 = vector.broadcast %broadcast_in_dim3A_1136 : i32 to vector<16xi32>
    %gather3A_1138 = tpu.vector_load_idx %arg9[%iota3A, %broadcast_in_dim3A_1137] : memref<16x16xf32, #tpu.memory_space<vmem>>[vector<16xi32>, vector<16xi32>], vector<16xf32>,
    %add3A_1139 = arith.addf %add3A_1135, %gather3A_1138 : vector<16xf32>
    %broadcast_in_dim3A_1140 = arith.constant 5 : i32
    %broadcast_in_dim3A_1141 = vector.broadcast %broadcast_in_dim3A_1140 : i32 to vector<16xi32>
    %gather3A_1142 = tpu.vector_load_idx %arg9[%iota3A, %broadcast_in_dim3A_1141] : memref<16x16xf32, #tpu.memory_space<vmem>>[vector<16xi32>, vector<16xi32>], vector<16xf32>,
    %add3A_1143 = arith.addf %add3A_1139, %gather3A_1142 : vector<16xf32>
    %broadcast_in_dim3A_1144 = arith.constant 6 : i32
    %broadcast_in_dim3A_1145 = vector.broadcast %broadcast_in_dim3A_1144 : i32 to vector<16xi32>
    %gather3A_1146 = tpu.vector_load_idx %arg9[%iota3A, %broadcast_in_dim3A_1145] : memref<16x16xf32, #tpu.memory_space<vmem>>[vector<16xi32>, vector<16xi32>], vector<16xf32>,
    %add3A_1147 = arith.addf %add3A_1143, %gather3A_1146 : vector<16xf32>
    %broadcast_in_dim3A_1148 = arith.constant 7 : i32
    %broadcast_in_dim3A_1149 = vector.broadcast %broadcast_in_dim3A_1148 : i32 to vector<16xi32>
    %gather3A_1150 = tpu.vector_load_idx %arg9[%iota3A, %broadcast_in_dim3A_1149] : memref<16x16xf32, #tpu.memory_space<vmem>>[vector<16xi32>, vector<16xi32>], vector<16xf32>,
    %add3A_1151 = arith.addf %add3A_1147, %gather3A_1150 : vector<16xf32>
    %broadcast_in_dim3A_1152 = arith.constant 8 : i32
    %broadcast_in_dim3A_1153 = vector.broadcast %broadcast_in_dim3A_1152 : i32 to vector<16xi32>
    %gather3A_1154 = tpu.vector_load_idx %arg9[%iota3A, %broadcast_in_dim3A_1153] : memref<16x16xf32, #tpu.memory_space<vmem>>[vector<16xi32>, vector<16xi32>], vector<16xf32>,
    %add3A_1155 = arith.addf %add3A_1151, %gather3A_1154 : vector<16xf32>
    %broadcast_in_dim3A_1156 = arith.constant 9 : i32
    %broadcast_in_dim3A_1157 = vector.broadcast %broadcast_in_dim3A_1156 : i32 to vector<16xi32>
    %gather3A_1158 = tpu.vector_load_idx %arg9[%iota3A, %broadcast_in_dim3A_1157] : memref<16x16xf32, #tpu.memory_space<vmem>>[vector<16xi32>, vector<16xi32>], vector<16xf32>,
    %add3A_1159 = arith.addf %add3A_1155, %gather3A_1158 : vector<16xf32>
    %broadcast_in_dim3A_1160 = arith.constant 10 : i32
    %broadcast_in_dim3A_1161 = vector.broadcast %broadcast_in_dim3A_1160 : i32 to vector<16xi32>
    %gather3A_1162 = tpu.vector_load_idx %arg9[%iota3A, %broadcast_in_dim3A_1161] : memref<16x16xf32, #tpu.memory_space<vmem>>[vector<16xi32>, vector<16xi32>], vector<16xf32>,
    %add3A_1163 = arith.addf %add3A_1159, %gather3A_1162 : vector<16xf32>
    %broadcast_in_dim3A_1164 = arith.constant 11 : i32
    %broadcast_in_dim3A_1165 = vector.broadcast %broadcast_in_dim3A_1164 : i32 to vector<16xi32>
    %gather3A_1166 = tpu.vector_load_idx %arg9[%iota3A, %broadcast_in_dim3A_1165] : memref<16x16xf32, #tpu.memory_space<vmem>>[vector<16xi32>, vector<16xi32>], vector<16xf32>,
    %add3A_1167 = arith.addf %add3A_1163, %gather3A_1166 : vector<16xf32>
    %broadcast_in_dim3A_1168 = arith.constant 12 : i32
    %broadcast_in_dim3A_1169 = vector.broadcast %broadcast_in_dim3A_1168 : i32 to vector<16xi32>
    %gather3A_1170 = tpu.vector_load_idx %arg9[%iota3A, %broadcast_in_dim3A_1169] : memref<16x16xf32, #tpu.memory_space<vmem>>[vector<16xi32>, vector<16xi32>], vector<16xf32>,
    %add3A_1171 = arith.addf %add3A_1167, %gather3A_1170 : vector<16xf32>
    %broadcast_in_dim3A_1172 = arith.constant 13 : i32
    %broadcast_in_dim3A_1173 = vector.broadcast %broadcast_in_dim3A_1172 : i32 to vector<16xi32>
    %gather3A_1174 = tpu.vector_load_idx %arg9[%iota3A, %broadcast_in_dim3A_1173] : memref<16x16xf32, #tpu.memory_space<vmem>>[vector<16xi32>, vector<16xi32>], vector<16xf32>,
    %add3A_1175 = arith.addf %add3A_1171, %gather3A_1174 : vector<16xf32>
    %broadcast_in_dim3A_1176 = arith.constant 14 : i32
    %broadcast_in_dim3A_1177 = vector.broadcast %broadcast_in_dim3A_1176 : i32 to vector<16xi32>
    %gather3A_1178 = tpu.vector_load_idx %arg9[%iota3A, %broadcast_in_dim3A_1177] : memref<16x16xf32, #tpu.memory_space<vmem>>[vector<16xi32>, vector<16xi32>], vector<16xf32>,
    %add3A_1179 = arith.addf %add3A_1175, %gather3A_1178 : vector<16xf32>
    %broadcast_in_dim3A_1180 = arith.constant 15 : i32
    %broadcast_in_dim3A_1181 = vector.broadcast %broadcast_in_dim3A_1180 : i32 to vector<16xi32>
    %gather3A_1182 = tpu.vector_load_idx %arg9[%iota3A, %broadcast_in_dim3A_1181] : memref<16x16xf32, #tpu.memory_space<vmem>>[vector<16xi32>, vector<16xi32>], vector<16xf32>,
    %add3A_1183 = arith.addf %add3A_1179, %gather3A_1182 : vector<16xf32>
    %swap3A_1184 = arith.constant 0 : i32
    %swap3A_1185 = arith.index_cast %swap3A_1184 : i32 to index
    %swap3A_1186 = arith.constant 0 : index
    %swap3A_1187 = tpu.vector_load %arg9[%swap3A_1185, %swap3A_1186] {strides = array<i32>} : memref<16x16xf32, #tpu.memory_space<vmem>>, vector<16xf32>,
    tpu.vector_store %arg9[%swap3A_1185, %swap3A_1186], %scan3A_1055#16 {strides = array<i32>} : memref<16x16xf32, #tpu.memory_space<vmem>>, vector<16xf32>,
    %swap3A_1188 = arith.constant 1 : i32
    %swap3A_1189 = arith.index_cast %swap3A_1188 : i32 to index
    %swap3A_1190 = arith.constant 0 : index
    %swap3A_1191 = tpu.vector_load %arg9[%swap3A_1189, %swap3A_1190] {strides = array<i32>} : memref<16x16xf32, #tpu.memory_space<vmem>>, vector<16xf32>,
    tpu.vector_store %arg9[%swap3A_1189, %swap3A_1190], %scan3A_1055#17 {strides = array<i32>} : memref<16x16xf32, #tpu.memory_space<vmem>>, vector<16xf32>,
    %swap3A_1192 = arith.constant 2 : i32
    %swap3A_1193 = arith.index_cast %swap3A_1192 : i32 to index
    %swap3A_1194 = arith.constant 0 : index
    %swap3A_1195 = tpu.vector_load %arg9[%swap3A_1193, %swap3A_1194] {strides = array<i32>} : memref<16x16xf32, #tpu.memory_space<vmem>>, vector<16xf32>,
    tpu.vector_store %arg9[%swap3A_1193, %swap3A_1194], %scan3A_1055#18 {strides = array<i32>} : memref<16x16xf32, #tpu.memory_space<vmem>>, vector<16xf32>,
    %swap3A_1196 = arith.constant 3 : i32
    %swap3A_1197 = arith.index_cast %swap3A_1196 : i32 to index
    %swap3A_1198 = arith.constant 0 : index
    %swap3A_1199 = tpu.vector_load %arg9[%swap3A_1197, %swap3A_1198] {strides = array<i32>} : memref<16x16xf32, #tpu.memory_space<vmem>>, vector<16xf32>,
    tpu.vector_store %arg9[%swap3A_1197, %swap3A_1198], %scan3A_1055#19 {strides = array<i32>} : memref<16x16xf32, #tpu.memory_space<vmem>>, vector<16xf32>,
    %swap3A_1200 = arith.constant 4 : i32
    %swap3A_1201 = arith.index_cast %swap3A_1200 : i32 to index
    %swap3A_1202 = arith.constant 0 : index
    %swap3A_1203 = tpu.vector_load %arg9[%swap3A_1201, %swap3A_1202] {strides = array<i32>} : memref<16x16xf32, #tpu.memory_space<vmem>>, vector<16xf32>,
    tpu.vector_store %arg9[%swap3A_1201, %swap3A_1202], %scan3A_1055#20 {strides = array<i32>} : memref<16x16xf32, #tpu.memory_space<vmem>>, vector<16xf32>,
    %swap3A_1204 = arith.constant 5 : i32
    %swap3A_1205 = arith.index_cast %swap3A_1204 : i32 to index
    %swap3A_1206 = arith.constant 0 : index
    %swap3A_1207 = tpu.vector_load %arg9[%swap3A_1205, %swap3A_1206] {strides = array<i32>} : memref<16x16xf32, #tpu.memory_space<vmem>>, vector<16xf32>,
    tpu.vector_store %arg9[%swap3A_1205, %swap3A_1206], %scan3A_1055#21 {strides = array<i32>} : memref<16x16xf32, #tpu.memory_space<vmem>>, vector<16xf32>,
    %swap3A_1208 = arith.constant 6 : i32
    %swap3A_1209 = arith.index_cast %swap3A_1208 : i32 to index
    %swap3A_1210 = arith.constant 0 : index
    %swap3A_1211 = tpu.vector_load %arg9[%swap3A_1209, %swap3A_1210] {strides = array<i32>} : memref<16x16xf32, #tpu.memory_space<vmem>>, vector<16xf32>,
    tpu.vector_store %arg9[%swap3A_1209, %swap3A_1210], %scan3A_1055#22 {strides = array<i32>} : memref<16x16xf32, #tpu.memory_space<vmem>>, vector<16xf32>,
    %swap3A_1212 = arith.constant 7 : i32
    %swap3A_1213 = arith.index_cast %swap3A_1212 : i32 to index
    %swap3A_1214 = arith.constant 0 : index
    %swap3A_1215 = tpu.vector_load %arg9[%swap3A_1213, %swap3A_1214] {strides = array<i32>} : memref<16x16xf32, #tpu.memory_space<vmem>>, vector<16xf32>,
    tpu.vector_store %arg9[%swap3A_1213, %swap3A_1214], %scan3A_1055#23 {strides = array<i32>} : memref<16x16xf32, #tpu.memory_space<vmem>>, vector<16xf32>,
    %swap3A_1216 = arith.constant 8 : i32
    %swap3A_1217 = arith.index_cast %swap3A_1216 : i32 to index
    %swap3A_1218 = arith.constant 0 : index
    %swap3A_1219 = tpu.vector_load %arg9[%swap3A_1217, %swap3A_1218] {strides = array<i32>} : memref<16x16xf32, #tpu.memory_space<vmem>>, vector<16xf32>,
    tpu.vector_store %arg9[%swap3A_1217, %swap3A_1218], %scan3A_1055#24 {strides = array<i32>} : memref<16x16xf32, #tpu.memory_space<vmem>>, vector<16xf32>,
    %swap3A_1220 = arith.constant 9 : i32
    %swap3A_1221 = arith.index_cast %swap3A_1220 : i32 to index
    %swap3A_1222 = arith.constant 0 : index
    %swap3A_1223 = tpu.vector_load %arg9[%swap3A_1221, %swap3A_1222] {strides = array<i32>} : memref<16x16xf32, #tpu.memory_space<vmem>>, vector<16xf32>,
    tpu.vector_store %arg9[%swap3A_1221, %swap3A_1222], %scan3A_1055#25 {strides = array<i32>} : memref<16x16xf32, #tpu.memory_space<vmem>>, vector<16xf32>,
    %swap3A_1224 = arith.constant 10 : i32
    %swap3A_1225 = arith.index_cast %swap3A_1224 : i32 to index
    %swap3A_1226 = arith.constant 0 : index
    %swap3A_1227 = tpu.vector_load %arg9[%swap3A_1225, %swap3A_1226] {strides = array<i32>} : memref<16x16xf32, #tpu.memory_space<vmem>>, vector<16xf32>,
    tpu.vector_store %arg9[%swap3A_1225, %swap3A_1226], %scan3A_1055#26 {strides = array<i32>} : memref<16x16xf32, #tpu.memory_space<vmem>>, vector<16xf32>,
    %swap3A_1228 = arith.constant 11 : i32
    %swap3A_1229 = arith.index_cast %swap3A_1228 : i32 to index
    %swap3A_1230 = arith.constant 0 : index
    %swap3A_1231 = tpu.vector_load %arg9[%swap3A_1229, %swap3A_1230] {strides = array<i32>} : memref<16x16xf32, #tpu.memory_space<vmem>>, vector<16xf32>,
    tpu.vector_store %arg9[%swap3A_1229, %swap3A_1230], %scan3A_1055#27 {strides = array<i32>} : memref<16x16xf32, #tpu.memory_space<vmem>>, vector<16xf32>,
    %swap3A_1232 = arith.constant 12 : i32
    %swap3A_1233 = arith.index_cast %swap3A_1232 : i32 to index
    %swap3A_1234 = arith.constant 0 : index
    %swap3A_1235 = tpu.vector_load %arg9[%swap3A_1233, %swap3A_1234] {strides = array<i32>} : memref<16x16xf32, #tpu.memory_space<vmem>>, vector<16xf32>,
    tpu.vector_store %arg9[%swap3A_1233, %swap3A_1234], %scan3A_1055#28 {strides = array<i32>} : memref<16x16xf32, #tpu.memory_space<vmem>>, vector<16xf32>,
    %swap3A_1236 = arith.constant 13 : i32
    %swap3A_1237 = arith.index_cast %swap3A_1236 : i32 to index
    %swap3A_1238 = arith.constant 0 : index
    %swap3A_1239 = tpu.vector_load %arg9[%swap3A_1237, %swap3A_1238] {strides = array<i32>} : memref<16x16xf32, #tpu.memory_space<vmem>>, vector<16xf32>,
    tpu.vector_store %arg9[%swap3A_1237, %swap3A_1238], %scan3A_1055#29 {strides = array<i32>} : memref<16x16xf32, #tpu.memory_space<vmem>>, vector<16xf32>,
    %swap3A_1240 = arith.constant 14 : i32
    %swap3A_1241 = arith.index_cast %swap3A_1240 : i32 to index
    %swap3A_1242 = arith.constant 0 : index
    %swap3A_1243 = tpu.vector_load %arg9[%swap3A_1241, %swap3A_1242] {strides = array<i32>} : memref<16x16xf32, #tpu.memory_space<vmem>>, vector<16xf32>,
    tpu.vector_store %arg9[%swap3A_1241, %swap3A_1242], %scan3A_1055#30 {strides = array<i32>} : memref<16x16xf32, #tpu.memory_space<vmem>>, vector<16xf32>,
    %swap3A_1244 = arith.constant 15 : i32
    %swap3A_1245 = arith.index_cast %swap3A_1244 : i32 to index
    %swap3A_1246 = arith.constant 0 : index
    %swap3A_1247 = tpu.vector_load %arg9[%swap3A_1245, %swap3A_1246] {strides = array<i32>} : memref<16x16xf32, #tpu.memory_space<vmem>>, vector<16xf32>,
    tpu.vector_store %arg9[%swap3A_1245, %swap3A_1246], %scan3A_1055#31 {strides = array<i32>} : memref<16x16xf32, #tpu.memory_space<vmem>>, vector<16xf32>,
    %broadcast_in_dim3A_1248 = arith.constant 0 : i32
    %broadcast_in_dim3A_1249 = vector.broadcast %broadcast_in_dim3A_1248 : i32 to vector<16xi32>
    %gather3A_1250 = tpu.vector_load_idx %arg9[%iota3A, %broadcast_in_dim3A_1249] : memref<16x16xf32, #tpu.memory_space<vmem>>[vector<16xi32>, vector<16xi32>], vector<16xf32>,
    %broadcast_in_dim3A_1251 = arith.constant 1 : i32
    %broadcast_in_dim3A_1252 = vector.broadcast %broadcast_in_dim3A_1251 : i32 to vector<16xi32>
    %gather3A_1253 = tpu.vector_load_idx %arg9[%iota3A, %broadcast_in_dim3A_1252] : memref<16x16xf32, #tpu.memory_space<vmem>>[vector<16xi32>, vector<16xi32>], vector<16xf32>,
    %add3A_1254 = arith.addf %gather3A_1250, %gather3A_1253 : vector<16xf32>
    %broadcast_in_dim3A_1255 = arith.constant 2 : i32
    %broadcast_in_dim3A_1256 = vector.broadcast %broadcast_in_dim3A_1255 : i32 to vector<16xi32>
    %gather3A_1257 = tpu.vector_load_idx %arg9[%iota3A, %broadcast_in_dim3A_1256] : memref<16x16xf32, #tpu.memory_space<vmem>>[vector<16xi32>, vector<16xi32>], vector<16xf32>,
    %add3A_1258 = arith.addf %add3A_1254, %gather3A_1257 : vector<16xf32>
    %broadcast_in_dim3A_1259 = arith.constant 3 : i32
    %broadcast_in_dim3A_1260 = vector.broadcast %broadcast_in_dim3A_1259 : i32 to vector<16xi32>
    %gather3A_1261 = tpu.vector_load_idx %arg9[%iota3A, %broadcast_in_dim3A_1260] : memref<16x16xf32, #tpu.memory_space<vmem>>[vector<16xi32>, vector<16xi32>], vector<16xf32>,
    %add3A_1262 = arith.addf %add3A_1258, %gather3A_1261 : vector<16xf32>
    %broadcast_in_dim3A_1263 = arith.constant 4 : i32
    %broadcast_in_dim3A_1264 = vector.broadcast %broadcast_in_dim3A_1263 : i32 to vector<16xi32>
    %gather3A_1265 = tpu.vector_load_idx %arg9[%iota3A, %broadcast_in_dim3A_1264] : memref<16x16xf32, #tpu.memory_space<vmem>>[vector<16xi32>, vector<16xi32>], vector<16xf32>,
    %add3A_1266 = arith.addf %add3A_1262, %gather3A_1265 : vector<16xf32>
    %broadcast_in_dim3A_1267 = arith.constant 5 : i32
    %broadcast_in_dim3A_1268 = vector.broadcast %broadcast_in_dim3A_1267 : i32 to vector<16xi32>
    %gather3A_1269 = tpu.vector_load_idx %arg9[%iota3A, %broadcast_in_dim3A_1268] : memref<16x16xf32, #tpu.memory_space<vmem>>[vector<16xi32>, vector<16xi32>], vector<16xf32>,
    %add3A_1270 = arith.addf %add3A_1266, %gather3A_1269 : vector<16xf32>
    %broadcast_in_dim3A_1271 = arith.constant 6 : i32
    %broadcast_in_dim3A_1272 = vector.broadcast %broadcast_in_dim3A_1271 : i32 to vector<16xi32>
    %gather3A_1273 = tpu.vector_load_idx %arg9[%iota3A, %broadcast_in_dim3A_1272] : memref<16x16xf32, #tpu.memory_space<vmem>>[vector<16xi32>, vector<16xi32>], vector<16xf32>,
    %add3A_1274 = arith.addf %add3A_1270, %gather3A_1273 : vector<16xf32>
    %broadcast_in_dim3A_1275 = arith.constant 7 : i32
    %broadcast_in_dim3A_1276 = vector.broadcast %broadcast_in_dim3A_1275 : i32 to vector<16xi32>
    %gather3A_1277 = tpu.vector_load_idx %arg9[%iota3A, %broadcast_in_dim3A_1276] : memref<16x16xf32, #tpu.memory_space<vmem>>[vector<16xi32>, vector<16xi32>], vector<16xf32>,
    %add3A_1278 = arith.addf %add3A_1274, %gather3A_1277 : vector<16xf32>
    %broadcast_in_dim3A_1279 = arith.constant 8 : i32
    %broadcast_in_dim3A_1280 = vector.broadcast %broadcast_in_dim3A_1279 : i32 to vector<16xi32>
    %gather3A_1281 = tpu.vector_load_idx %arg9[%iota3A, %broadcast_in_dim3A_1280] : memref<16x16xf32, #tpu.memory_space<vmem>>[vector<16xi32>, vector<16xi32>], vector<16xf32>,
    %add3A_1282 = arith.addf %add3A_1278, %gather3A_1281 : vector<16xf32>
    %broadcast_in_dim3A_1283 = arith.constant 9 : i32
    %broadcast_in_dim3A_1284 = vector.broadcast %broadcast_in_dim3A_1283 : i32 to vector<16xi32>
    %gather3A_1285 = tpu.vector_load_idx %arg9[%iota3A, %broadcast_in_dim3A_1284] : memref<16x16xf32, #tpu.memory_space<vmem>>[vector<16xi32>, vector<16xi32>], vector<16xf32>,
    %add3A_1286 = arith.addf %add3A_1282, %gather3A_1285 : vector<16xf32>
    %broadcast_in_dim3A_1287 = arith.constant 10 : i32
    %broadcast_in_dim3A_1288 = vector.broadcast %broadcast_in_dim3A_1287 : i32 to vector<16xi32>
    %gather3A_1289 = tpu.vector_load_idx %arg9[%iota3A, %broadcast_in_dim3A_1288] : memref<16x16xf32, #tpu.memory_space<vmem>>[vector<16xi32>, vector<16xi32>], vector<16xf32>,
    %add3A_1290 = arith.addf %add3A_1286, %gather3A_1289 : vector<16xf32>
    %broadcast_in_dim3A_1291 = arith.constant 11 : i32
    %broadcast_in_dim3A_1292 = vector.broadcast %broadcast_in_dim3A_1291 : i32 to vector<16xi32>
    %gather3A_1293 = tpu.vector_load_idx %arg9[%iota3A, %broadcast_in_dim3A_1292] : memref<16x16xf32, #tpu.memory_space<vmem>>[vector<16xi32>, vector<16xi32>], vector<16xf32>,
    %add3A_1294 = arith.addf %add3A_1290, %gather3A_1293 : vector<16xf32>
    %broadcast_in_dim3A_1295 = arith.constant 12 : i32
    %broadcast_in_dim3A_1296 = vector.broadcast %broadcast_in_dim3A_1295 : i32 to vector<16xi32>
    %gather3A_1297 = tpu.vector_load_idx %arg9[%iota3A, %broadcast_in_dim3A_1296] : memref<16x16xf32, #tpu.memory_space<vmem>>[vector<16xi32>, vector<16xi32>], vector<16xf32>,
    %add3A_1298 = arith.addf %add3A_1294, %gather3A_1297 : vector<16xf32>
    %broadcast_in_dim3A_1299 = arith.constant 13 : i32
    %broadcast_in_dim3A_1300 = vector.broadcast %broadcast_in_dim3A_1299 : i32 to vector<16xi32>
    %gather3A_1301 = tpu.vector_load_idx %arg9[%iota3A, %broadcast_in_dim3A_1300] : memref<16x16xf32, #tpu.memory_space<vmem>>[vector<16xi32>, vector<16xi32>], vector<16xf32>,
    %add3A_1302 = arith.addf %add3A_1298, %gather3A_1301 : vector<16xf32>
    %broadcast_in_dim3A_1303 = arith.constant 14 : i32
    %broadcast_in_dim3A_1304 = vector.broadcast %broadcast_in_dim3A_1303 : i32 to vector<16xi32>
    %gather3A_1305 = tpu.vector_load_idx %arg9[%iota3A, %broadcast_in_dim3A_1304] : memref<16x16xf32, #tpu.memory_space<vmem>>[vector<16xi32>, vector<16xi32>], vector<16xf32>,
    %add3A_1306 = arith.addf %add3A_1302, %gather3A_1305 : vector<16xf32>
    %broadcast_in_dim3A_1307 = arith.constant 15 : i32
    %broadcast_in_dim3A_1308 = vector.broadcast %broadcast_in_dim3A_1307 : i32 to vector<16xi32>
    %gather3A_1309 = tpu.vector_load_idx %arg9[%iota3A, %broadcast_in_dim3A_1308] : memref<16x16xf32, #tpu.memory_space<vmem>>[vector<16xi32>, vector<16xi32>], vector<16xf32>,
    %add3A_1310 = arith.addf %add3A_1306, %gather3A_1309 : vector<16xf32>
    %swap3A_1311 = arith.constant 0 : i32
    %swap3A_1312 = arith.index_cast %swap3A_1311 : i32 to index
    %swap3A_1313 = arith.constant 48 : index
    %swap3A_1314 = tpu.vector_load %arg8[%swap3A_1312, %swap3A_1313] {strides = array<i32>} : memref<2x64xf32, #tpu.memory_space<vmem>>, vector<16xf32>,
    tpu.vector_store %arg8[%swap3A_1312, %swap3A_1313], %add3A_1183 {strides = array<i32>} : memref<2x64xf32, #tpu.memory_space<vmem>>, vector<16xf32>,
    %swap3A_1315 = arith.constant 1 : i32
    %swap3A_1316 = arith.index_cast %swap3A_1315 : i32 to index
    %swap3A_1317 = arith.constant 48 : index
    %swap3A_1318 = tpu.vector_load %arg8[%swap3A_1316, %swap3A_1317] {strides = array<i32>} : memref<2x64xf32, #tpu.memory_space<vmem>>, vector<16xf32>,
    tpu.vector_store %arg8[%swap3A_1316, %swap3A_1317], %add3A_1310 {strides = array<i32>} : memref<2x64xf32, #tpu.memory_space<vmem>>, vector<16xf32>,
    %mul3A_1319 = arith.constant 64 : i32
    %mul3A_1320 = arith.muli %add3A, %mul3A_1319 : i32
    %run_scoped3A = arith.constant 0 : i32
    "tpu.region"() ({
      %run_scoped3A_1324 = tpu.sem_alloc : memref<!tpu.dma_semaphore, #tpu.memory_space<semaphore_mem>>
      %dma_start3A_1325 = arith.constant 0 : i32
      %dma_start3A_1326 = tpu.memref_slice %arg8[%run_scoped3A, %dma_start3A_1325] : memref<2x64xf32, #tpu.memory_space<vmem>> -> memref<1x64xf32, #tpu.memory_space<vmem>>
      %dma_start3A_1327 = tpu.memref_squeeze %dma_start3A_1326 : memref<1x64xf32, #tpu.memory_space<vmem>> -> memref<64xf32, #tpu.memory_space<vmem>>
      %dma_start3A_1328 = tpu.memref_slice %arg4[%mul3A_1320] : memref<2048xf32, #tpu.memory_space<hbm>> -> memref<64xf32, #tpu.memory_space<hbm>>
      %dma_start3A_1329 = tpu.memref_slice %arg4[%mul3A_1320] : memref<2048xf32, #tpu.memory_space<hbm>> -> memref<64xf32, #tpu.memory_space<hbm>>
      %dma_start3A_1330 = arith.constant 0 : i32
      %dma_start3A_1331 = tpu.memref_slice %arg8[%run_scoped3A, %dma_start3A_1330] : memref<2x64xf32, #tpu.memory_space<vmem>> -> memref<1x64xf32, #tpu.memory_space<vmem>>
      %dma_start3A_1332 = tpu.memref_squeeze %dma_start3A_1331 : memref<1x64xf32, #tpu.memory_space<vmem>> -> memref<64xf32, #tpu.memory_space<vmem>>
      tpu.enqueue_dma source(%dma_start3A_1332 : memref<64xf32, #tpu.memory_space<vmem>>) target(%dma_start3A_1329 : memref<64xf32, #tpu.memory_space<hbm>>) target_semaphore(%run_scoped3A_1324 : memref<!tpu.dma_semaphore, #tpu.memory_space<semaphore_mem>>)
      %dma_wait3A_1333 = arith.constant 0 : i32
      %dma_wait3A_1334 = tpu.memref_slice %arg8[%run_scoped3A, %dma_wait3A_1333] : memref<2x64xf32, #tpu.memory_space<vmem>> -> memref<1x64xf32, #tpu.memory_space<vmem>>
      %dma_wait3A_1335 = tpu.memref_squeeze %dma_wait3A_1334 : memref<1x64xf32, #tpu.memory_space<vmem>> -> memref<64xf32, #tpu.memory_space<vmem>>
      %dma_wait3A_1336 = tpu.memref_slice %arg4[%mul3A_1320] : memref<2048xf32, #tpu.memory_space<hbm>> -> memref<64xf32, #tpu.memory_space<hbm>>
      %dma_wait3A_1337 = tpu.memref_slice %arg4[%mul3A_1320] : memref<2048xf32, #tpu.memory_space<hbm>> -> memref<64xf32, #tpu.memory_space<hbm>>
      %dma_wait3A_1338 = arith.constant 0 : i32
      %dma_wait3A_1339 = tpu.memref_slice %arg8[%run_scoped3A, %dma_wait3A_1338] : memref<2x64xf32, #tpu.memory_space<vmem>> -> memref<1x64xf32, #tpu.memory_space<vmem>>
      %dma_wait3A_1340 = tpu.memref_squeeze %dma_wait3A_1339 : memref<1x64xf32, #tpu.memory_space<vmem>> -> memref<64xf32, #tpu.memory_space<vmem>>
      tpu.wait_dma2 semaphore(%run_scoped3A_1324 : memref<!tpu.dma_semaphore, #tpu.memory_space<semaphore_mem>>) src(%dma_wait3A_1340 : memref<64xf32, #tpu.memory_space<vmem>>) dst(%dma_wait3A_1337 : memref<64xf32, #tpu.memory_space<hbm>>)
      tpu.yield
    }) : () -> ()
    %mul3A_1321 = arith.constant 64 : i32
    %mul3A_1322 = arith.muli %add3A, %mul3A_1321 : i32
    %run_scoped3A_1323 = arith.constant 1 : i32
    "tpu.region"() ({
      %run_scoped3A_1324 = tpu.sem_alloc : memref<!tpu.dma_semaphore, #tpu.memory_space<semaphore_mem>>
      %dma_start3A_1325 = arith.constant 0 : i32
      %dma_start3A_1326 = tpu.memref_slice %arg8[%run_scoped3A_1323, %dma_start3A_1325] : memref<2x64xf32, #tpu.memory_space<vmem>> -> memref<1x64xf32, #tpu.memory_space<vmem>>
      %dma_start3A_1327 = tpu.memref_squeeze %dma_start3A_1326 : memref<1x64xf32, #tpu.memory_space<vmem>> -> memref<64xf32, #tpu.memory_space<vmem>>
      %dma_start3A_1328 = tpu.memref_slice %arg5[%mul3A_1322] : memref<2048xf32, #tpu.memory_space<hbm>> -> memref<64xf32, #tpu.memory_space<hbm>>
      %dma_start3A_1329 = tpu.memref_slice %arg5[%mul3A_1322] : memref<2048xf32, #tpu.memory_space<hbm>> -> memref<64xf32, #tpu.memory_space<hbm>>
      %dma_start3A_1330 = arith.constant 0 : i32
      %dma_start3A_1331 = tpu.memref_slice %arg8[%run_scoped3A_1323, %dma_start3A_1330] : memref<2x64xf32, #tpu.memory_space<vmem>> -> memref<1x64xf32, #tpu.memory_space<vmem>>
      %dma_start3A_1332 = tpu.memref_squeeze %dma_start3A_1331 : memref<1x64xf32, #tpu.memory_space<vmem>> -> memref<64xf32, #tpu.memory_space<vmem>>
      tpu.enqueue_dma source(%dma_start3A_1332 : memref<64xf32, #tpu.memory_space<vmem>>) target(%dma_start3A_1329 : memref<64xf32, #tpu.memory_space<hbm>>) target_semaphore(%run_scoped3A_1324 : memref<!tpu.dma_semaphore, #tpu.memory_space<semaphore_mem>>)
      %dma_wait3A_1333 = arith.constant 0 : i32
      %dma_wait3A_1334 = tpu.memref_slice %arg8[%run_scoped3A_1323, %dma_wait3A_1333] : memref<2x64xf32, #tpu.memory_space<vmem>> -> memref<1x64xf32, #tpu.memory_space<vmem>>
      %dma_wait3A_1335 = tpu.memref_squeeze %dma_wait3A_1334 : memref<1x64xf32, #tpu.memory_space<vmem>> -> memref<64xf32, #tpu.memory_space<vmem>>
      %dma_wait3A_1336 = tpu.memref_slice %arg5[%mul3A_1322] : memref<2048xf32, #tpu.memory_space<hbm>> -> memref<64xf32, #tpu.memory_space<hbm>>
      %dma_wait3A_1337 = tpu.memref_slice %arg5[%mul3A_1322] : memref<2048xf32, #tpu.memory_space<hbm>> -> memref<64xf32, #tpu.memory_space<hbm>>
      %dma_wait3A_1338 = arith.constant 0 : i32
      %dma_wait3A_1339 = tpu.memref_slice %arg8[%run_scoped3A_1323, %dma_wait3A_1338] : memref<2x64xf32, #tpu.memory_space<vmem>> -> memref<1x64xf32, #tpu.memory_space<vmem>>
      %dma_wait3A_1340 = tpu.memref_squeeze %dma_wait3A_1339 : memref<1x64xf32, #tpu.memory_space<vmem>> -> memref<64xf32, #tpu.memory_space<vmem>>
      tpu.wait_dma2 semaphore(%run_scoped3A_1324 : memref<!tpu.dma_semaphore, #tpu.memory_space<semaphore_mem>>) src(%dma_wait3A_1340 : memref<64xf32, #tpu.memory_space<vmem>>) dst(%dma_wait3A_1337 : memref<64xf32, #tpu.memory_space<hbm>>)
      tpu.yield
    }) : () -> ()
    return
  }
}

module attributes {stable_mosaic.version = 14 : i64} {
  func.func @_tc_body(%arg0: i32, %arg1: memref<2x1024xf32, #tpu.memory_space<vmem>>, %arg2: memref<2048x1024xf32, #tpu.memory_space<vmem>>, %arg3: memref<1x1x2048xf32, #tpu.memory_space<vmem>>, %arg4: memref<1x1x2048xf32, #tpu.memory_space<vmem>>, %arg5: memref<8x1024xf32, #tpu.memory_space<vmem>>) attributes {dimension_semantics = [#tpu.dimension_semantics<arbitrary>], iteration_bounds = array<i64: 7>, scalar_prefetch = 0 : i64, scratch_operands = 1 : i64, tpu.core_type = #tpu.core_type<tc>, window_params = [{pipeline_mode = #tpu.pipeline_mode<synchronous>, transform_indices = @transform_0, window_bounds = array<i64: 2, 1024>}, {transform_indices = @transform_1, window_bounds = array<i64: 2048, 1024>}, {transform_indices = @transform_2, window_bounds = array<i64: 1, 1, 2048>}, {transform_indices = @transform_3, window_bounds = array<i64: 1, 1, 2048>}]} {
    %eq3A = arith.constant 0 : i32
    %eq3A_0 = arith.cmpi eq, %arg0, %eq3A : i32
    %convert_element_type3A = arith.extui %eq3A_0 : i1 to i32
    %cond3A = arith.constant 0 : i32
    %cond3A_1 = arith.cmpi ne, %convert_element_type3A, %cond3A : i32
    scf.if %cond3A_1 {
      %iota3A = tpu.iota {dimensions = array<i32: 0>} : vector<8x1024xi32>
      %eq3A_18 = arith.constant 0 : i32
      %eq3A_19 = vector.broadcast %eq3A_18 : i32 to vector<8x1024xi32>
      %eq3A_20 = arith.cmpi eq, %iota3A, %eq3A_19 : vector<8x1024xi32>
      %get3A_21 = arith.constant 0 : index
      %get3A_22 = arith.constant 0 : index
      %get3A_23 = vector.load %arg1[%get3A_21, %get3A_22] : memref<2x1024xf32, #tpu.memory_space<vmem>>, vector<1x1024xf32>
      %get3A_24 = vector.shape_cast %get3A_23 : vector<1x1024xf32> to vector<1024xf32>
      %broadcast_in_dim3A_25 = vector.shape_cast %get3A_24 : vector<1024xf32> to vector<1x1024xf32>
      %jit3A = arith.constant 0.000000e+00 : f32
      %broadcast_in_dim3A_26 = vector.shape_cast %broadcast_in_dim3A_25 : vector<1x1024xf32> to vector<1x1024xf32>
      %broadcast_in_dim3A_27 = vector.broadcast %broadcast_in_dim3A_26 : vector<1x1024xf32> to vector<8x1024xf32>
      %broadcast_in_dim3A_28 = vector.broadcast %jit3A : f32 to vector<8x1024xf32>
      %select_n3A = arith.select %eq3A_20, %broadcast_in_dim3A_27, %broadcast_in_dim3A_28 : vector<8x1024xi1>, vector<8x1024xf32>
      %eq3A_29 = arith.constant 1 : i32
      %eq3A_30 = vector.broadcast %eq3A_29 : i32 to vector<8x1024xi32>
      %eq3A_31 = arith.cmpi eq, %iota3A, %eq3A_30 : vector<8x1024xi32>
      %get3A_32 = arith.constant 1 : index
      %get3A_33 = arith.constant 0 : index
      %get3A_34 = vector.load %arg1[%get3A_32, %get3A_33] : memref<2x1024xf32, #tpu.memory_space<vmem>>, vector<1x1024xf32>
      %get3A_35 = vector.shape_cast %get3A_34 : vector<1x1024xf32> to vector<1024xf32>
      %broadcast_in_dim3A_36 = vector.shape_cast %get3A_35 : vector<1024xf32> to vector<1x1024xf32>
      %jit3A_37 = arith.constant 0.000000e+00 : f32
      %broadcast_in_dim3A_38 = vector.shape_cast %broadcast_in_dim3A_36 : vector<1x1024xf32> to vector<1x1024xf32>
      %broadcast_in_dim3A_39 = vector.broadcast %broadcast_in_dim3A_38 : vector<1x1024xf32> to vector<8x1024xf32>
      %broadcast_in_dim3A_40 = vector.broadcast %jit3A_37 : f32 to vector<8x1024xf32>
      %select_n3A_41 = arith.select %eq3A_31, %broadcast_in_dim3A_39, %broadcast_in_dim3A_40 : vector<8x1024xi1>, vector<8x1024xf32>
      %add3A = arith.addf %select_n3A, %select_n3A_41 : vector<8x1024xf32>
      %swap3A_42 = arith.constant 0 : index
      %swap3A_43 = arith.constant 0 : index
      %swap3A_44 = vector.load %arg5[%swap3A_42, %swap3A_43] : memref<8x1024xf32, #tpu.memory_space<vmem>>, vector<8x1024xf32>
      tpu.vector_store %arg5[%swap3A_42, %swap3A_43], %add3A {strides = array<i32>} : memref<8x1024xf32, #tpu.memory_space<vmem>>, vector<8x1024xf32>,
    } else {
    }
    %get3A = arith.constant 0 : index
    %get3A_2 = arith.constant 0 : index
    %get3A_3 = vector.load %arg5[%get3A, %get3A_2] : memref<8x1024xf32, #tpu.memory_space<vmem>>, vector<8x1024xf32>
    %get3A_4 = arith.constant 0 : index
    %get3A_5 = arith.constant 0 : index
    %get3A_6 = vector.load %arg2[%get3A_4, %get3A_5] : memref<2048x1024xf32, #tpu.memory_space<vmem>>, vector<2048x1024xf32>
    %dot_general3A = arith.constant dense<0.000000e+00> : vector<8x2048xf32>
    %dot_general3A_7 = tpu.matmul %get3A_3, %get3A_6, %dot_general3A {dimension_numbers = #tpu.dot_dimension_numbers<[1], [1], [0], [0], [0, 0, 1, 0], [], []>, transpose_lhs_hint = false} : vector<8x1024xf32>, vector<2048x1024xf32>, vector<8x2048xf32> -> vector<8x2048xf32>
    %slice3A = vector.extract_strided_slice %dot_general3A_7 {offsets = [0, 0], sizes = [1, 2048], strides = [1, 1]} : vector<8x2048xf32> to vector<1x2048xf32>
    %squeeze3A = vector.shape_cast %slice3A : vector<1x2048xf32> to vector<2048xf32>
    %broadcast_in_dim3A = vector.shape_cast %squeeze3A : vector<2048xf32> to vector<1x1x2048xf32>
    %swap3A = arith.constant 0 : index
    %swap3A_8 = arith.constant 0 : index
    %swap3A_9 = arith.constant 0 : index
    %swap3A_10 = vector.load %arg3[%swap3A, %swap3A_8, %swap3A_9] : memref<1x1x2048xf32, #tpu.memory_space<vmem>>, vector<1x1x2048xf32>
    tpu.vector_store %arg3[%swap3A, %swap3A_8, %swap3A_9], %broadcast_in_dim3A {strides = array<i32>} : memref<1x1x2048xf32, #tpu.memory_space<vmem>>, vector<1x1x2048xf32>,
    %slice3A_11 = vector.extract_strided_slice %dot_general3A_7 {offsets = [1, 0], sizes = [1, 2048], strides = [1, 1]} : vector<8x2048xf32> to vector<1x2048xf32>
    %squeeze3A_12 = vector.shape_cast %slice3A_11 : vector<1x2048xf32> to vector<2048xf32>
    %broadcast_in_dim3A_13 = vector.shape_cast %squeeze3A_12 : vector<2048xf32> to vector<1x1x2048xf32>
    %swap3A_14 = arith.constant 0 : index
    %swap3A_15 = arith.constant 0 : index
    %swap3A_16 = arith.constant 0 : index
    %swap3A_17 = vector.load %arg4[%swap3A_14, %swap3A_15, %swap3A_16] : memref<1x1x2048xf32, #tpu.memory_space<vmem>>, vector<1x1x2048xf32>
    tpu.vector_store %arg4[%swap3A_14, %swap3A_15, %swap3A_16], %broadcast_in_dim3A_13 {strides = array<i32>} : memref<1x1x2048xf32, #tpu.memory_space<vmem>>, vector<1x1x2048xf32>,
    return
  }
  func.func @transform_0(%arg0: i32) -> (i32, i32) {
    %c0_i32 = arith.constant 0 : i32
    %c0_i32_0 = arith.constant 0 : i32
    %c0_i32_1 = arith.constant 0 : i32
    return %c0_i32, %c0_i32_0 : i32, i32
  }
  func.func @transform_1(%arg0: i32) -> (i32, i32) {
    %c0_i32 = arith.constant 0 : i32
    %c0_i32_0 = arith.constant 0 : i32
    return %arg0, %c0_i32 : i32, i32
  }
  func.func @transform_2(%arg0: i32) -> (i32, i32, i32) {
    %c0_i32 = arith.constant 0 : i32
    %c0_i32_0 = arith.constant 0 : i32
    %c0_i32_1 = arith.constant 0 : i32
    return %arg0, %c0_i32, %c0_i32_0 : i32, i32, i32
  }
  func.func @transform_3(%arg0: i32) -> (i32, i32, i32) {
    %c0_i32 = arith.constant 0 : i32
    %c0_i32_0 = arith.constant 0 : i32
    %c0_i32_1 = arith.constant 0 : i32
    return %arg0, %c0_i32, %c0_i32_0 : i32, i32, i32
  }
}

module attributes {stable_mosaic.version = 14 : i64} {
  func.func @_softmax_body(%arg0: memref<1024xf32, #tpu.memory_space<vmem>>, %arg1: memref<2x1024xf32, #tpu.memory_space<vmem>>, %arg2: memref<2x1024xf32, #tpu.memory_space<vmem>>) attributes {dimension_semantics = [], scalar_prefetch = 0 : i64, scratch_operands = 0 : i64, tpu.core_type = #tpu.core_type<tc>} {
    %get3A = arith.constant 0 : index
    %get3A_0 = arith.constant 0 : index
    %get3A_1 = vector.load %arg1[%get3A, %get3A_0] : memref<2x1024xf32, #tpu.memory_space<vmem>>, vector<2x1024xf32>
    %mul3A = arith.constant 1.000000e+00 : f32
    %mul3A_2 = vector.broadcast %mul3A : f32 to vector<2x1024xf32>
    %mul3A_3 = arith.mulf %get3A_1, %mul3A_2 : vector<2x1024xf32>
    %reduce_max3A = arith.constant dense<0xFF800000> : vector<2xf32>
    %reduce_max3A_4 = vector.multi_reduction <maximumf>, %mul3A_3, %reduce_max3A [1] : vector<2x1024xf32> to vector<2xf32>
    %broadcast_in_dim3A = vector.shape_cast %reduce_max3A_4 : vector<2xf32> to vector<2x1xf32>
    %sub3A = vector.broadcast %broadcast_in_dim3A : vector<2x1xf32> to vector<2x1024xf32>
    %sub3A_5 = arith.subf %mul3A_3, %sub3A : vector<2x1024xf32>
    %exp3A = math.exp %sub3A_5 : vector<2x1024xf32>
    %reduce_sum3A = arith.constant dense<0.000000e+00> : vector<2xf32>
    %reduce_sum3A_6 = vector.multi_reduction <add>, %exp3A, %reduce_sum3A [1] : vector<2x1024xf32> to vector<2xf32>
    %broadcast_in_dim3A_7 = vector.shape_cast %reduce_sum3A_6 : vector<2xf32> to vector<2x1xf32>
    %div3A = vector.broadcast %broadcast_in_dim3A_7 : vector<2x1xf32> to vector<2x1024xf32>
    %div3A_8 = arith.divf %exp3A, %div3A : vector<2x1024xf32>
    %get3A_9 = arith.constant 0 : index
    %get3A_10 = vector.load %arg0[%get3A_9] : memref<1024xf32, #tpu.memory_space<vmem>>, vector<1024xf32>
    %broadcast_in_dim3A_11 = vector.shape_cast %get3A_10 : vector<1024xf32> to vector<1x1024xf32>
    %mul3A_12 = vector.broadcast %broadcast_in_dim3A_11 : vector<1x1024xf32> to vector<2x1024xf32>
    %mul3A_13 = arith.mulf %div3A_8, %mul3A_12 : vector<2x1024xf32>
    %swap3A = arith.constant 0 : index
    %swap3A_14 = arith.constant 0 : index
    %swap3A_15 = vector.load %arg2[%swap3A, %swap3A_14] : memref<2x1024xf32, #tpu.memory_space<vmem>>, vector<2x1024xf32>
    tpu.vector_store %arg2[%swap3A, %swap3A_14], %mul3A_13 {strides = array<i32>} : memref<2x1024xf32, #tpu.memory_space<vmem>>, vector<2x1024xf32>,
    return
  }
}

</mosaic_0001>

<sc_bundles>
// kernel: kernel.5.cloned.1.call-start
scs
__scs_entry_jumppad:
0x0: {  	(pc) =	sbr.rel $0x88, $3  }
0x1: {  	(tag) =	ssettag $0x0;
	lr =	simm.s32 $0x1  }
0x2: {  	[smem:$0x3F9E] =	sst lr;
	_ =	strace $0xD0000000  }
0x3: {  	_ = 	snop  }
0x4: {  	_ = 	snop  }
0x5: {  	_ = 	snop  }
0x6: {  	_ = 	snop  }
0x7: {  	_ = 	snop  }
__scs_overlays_trampoline_lowered:
0x8: {  	[smem:$0x3FAD] =	sst s0  }
0x9: {  	[smem:$0x3FAE] =	sst s1  }
0xa: {  	[smem:$0x3FAF] =	sst s2  }
0xb: {  	[smem:$0x3FB0] =	sst s3  }
0xc: {  	[smem:$0x3FB1] =	sst s4  }
0xd: {  	[smem:$0x3FB2] =	sst s5  }
0xe: {  	[smem:$0x3FB3] =	sst s6  }
0xf: {  	[smem:$0x3FB4] =	sst s7  }
0x10: {  	[smem:$0x3FB5] =	sst s8  }
0x11: {  	[smem:$0x3FB6] =	sst s9;
	s0 =	simm.s32 @!p0 $0x0  }
0x12: {  	s1 =	sld [smem:$0x3F9C];
	s0 =	simm.s32 @p0 $0x1  }
0x13: {  	[smem:$0x3FB7] =	sst s0;
	s0 =	simm.s32 @!p1 $0x0  }
0x14: {  	s2 =	sld [smem:$0x3F9B];
	s0 =	simm.s32 @p1 $0x1  }
0x15: {  	[smem:$0x3FB8] =	sst s0;
	s0 =	simm.s32 @!p2 $0x0  }
0x16: {  	s3 =	sld [smem:$0x3FDB];
	s0 =	simm.s32 @p2 $0x1  }
0x17: {  	s4 =	simm.s32 $0x1BF5;
	[smem:$0x3FBA] =	sst s0  }
0x18: {  	s0 =	sld [smem:$0x3F9D];
	_ =	swait.ge [sflag:s4], $0x0  }
0x19: {  	s7 =	sld [smem:$0x3F9E]  }
0x1a: {  	s8 =	sadd.s32 $0xFFFFE003, lr  }
0x1b: {  	s9 =	sadd.s32 $0xFFFFFEF7, lr;
	s5 =	simm.s32 $0xFFFFFFFF;
	p2 =	slt.u32 s8, $0xFFFFF086  }
0x1c: {  	p1 =	slt.u32 s9, $0xF7A;
	s5 =	simm.s32 @!p2 $0x0  }
0x1d: {  	s5 =	simm.s32 @p1 $0x1;
	p0 =	seq.s32 s7, s2  }
0x1e: {  	s7 =	smul.u32 @!p0 $0xF7A, s2;
	p2 =	seq.s32 @!p0 s5, $0x0  }
0x1f: {  	s9 =	smul.u32 $0xF7A, s1;
	s8 =	simm.s32 @!p0 $0x1BF5;
	p2 =	por !p2, p0  }
0x20: {  	[sflag:s8] =	ssyncset.s32 @!p0 $0xFFFFF086;
	s6 =	sadd.s32 @!p0 s3, s7;
	s7 =	simm.s32 @!p0 $0x108  }
0x21: {  	s3 =	sadd.s32 s3, s9;
	s6 =	sadd.s32 @!p0 $0x88, s6;
	s7 =	simm.s32 @p2 $0x1082  }
0x22: {  	[simem:s7], [sflag:s8] =	dma.local @!p0 [hbm:s6], $0xF7A  }
0x23: {  	s9 =	sor.u32 $0xD0000000, s2;
	s6 =	simm.s32 $0x108;
	_ =	swait.ge @!p0 [sflag:s8], $0x0  }
0x24: {  	s3 =	sadd.s32 $0x88, s3;
	s6 =	simm.s32 @!p1 $0x1082;
	[sflag:s4] =	ssyncset.s32 $0xFFFFF086  }
0x25: {  	[simem:s6], [sflag:s4] =	dma.local [hbm:s3], $0xF7A  }
0x26: {  	[smem:$0x3F9E] =	sst s1;
	(tag) =	ssettag s2;
	_ =	strace s9  }
0x27: {  	s1 =	sld [smem:$0x3FAE]  }
0x28: {  	s2 =	sld [smem:$0x3FAF]  }
0x29: {  	s4 =	sld [smem:$0x3FB1]  }
0x2a: {  	p0 =	seq.s32 s5, $0x0;
	s5 =	sld [smem:$0x3FB2]  }
0x2b: {  	s6 =	sld [smem:$0x3FB3]  }
0x2c: {  	s7 =	sld [smem:$0x3FB4]  }
0x2d: {  	s3 =	simm.s32 $0x108;
	s8 =	sld [smem:$0x3FB5]  }
0x2e: {  	s3 =	simm.s32 @!p0 $0x1082;
	s9 =	sld [smem:$0x3FB6]  }
0x2f: {  	lr =	sadd.s32 s0, s3;
	s0 =	sld [smem:$0x3FAD]  }
0x30: {  	s3 =	sld [smem:$0x3FB0]  }
0x31: {  	[smem:$0x3FB9] =	sst s10  }
0x32: {  	s10 =	sld [smem:$0x3FB7];
	_ =	sdelay $0x3  }
0x33: {  	p0 =	seq.s32 s10, $0x1;
	s10 =	sld [smem:$0x3FB9];
	_ =	sdelay $0x3  }
0x34: {  	[smem:$0x3FB9] =	sst s10  }
0x35: {  	s10 =	sld [smem:$0x3FB8];
	_ =	sdelay $0x3  }
0x36: {  	p1 =	seq.s32 s10, $0x1;
	s10 =	sld [smem:$0x3FB9];
	_ =	sdelay $0x3  }
0x37: {  	[smem:$0x3FB9] =	sst s10  }
0x38: {  	s10 =	sld [smem:$0x3FBA]  }
0x39: {  	_ = 	snop;
	(pc) =	sbr.ind lr, $3  }
0x3a: {  	_ = 	snop  }
0x3b: {  	_ = 	snop  }
0x3c: {  	p2 =	seq.s32 s10, $0x1;
	s10 =	sld [smem:$0x3FB9]  }
0x3d: {  	_ =	shalt  }
0x3e: {  	_ =	shalt  }
0x3f: {  	_ =	shalt  }
0x40: {  	_ =	shalt  }
0x41: {  	_ =	shalt  }
0x42: {  	_ =	shalt  }
0x43: {  	_ =	shalt  }
0x44: {  	_ =	shalt  }
0x45: {  	_ =	shalt  }
0x46: {  	_ =	shalt  }
0x47: {  	_ =	shalt  }
0x48: {  	_ =	shalt  }
0x49: {  	_ =	shalt  }
0x4a: {  	_ =	shalt  }
0x4b: {  	_ =	shalt  }
0x4c: {  	_ =	shalt  }
0x4d: {  	_ =	shalt  }
0x4e: {  	_ =	shalt  }
0x4f: {  	_ =	shalt  }
0x50: {  	_ =	shalt  }
0x51: {  	_ =	shalt  }
0x52: {  	_ =	shalt  }
0x53: {  	_ =	shalt  }
0x54: {  	_ =	shalt  }
0x55: {  	_ =	shalt  }
0x56: {  	_ =	shalt  }
0x57: {  	_ =	shalt  }
0x58: {  	_ =	shalt  }
0x59: {  	_ =	shalt  }
0x5a: {  	_ =	shalt  }
0x5b: {  	_ =	shalt  }
0x5c: {  	_ =	shalt  }
0x5d: {  	_ =	shalt  }
0x5e: {  	_ =	shalt  }
0x5f: {  	_ =	shalt  }
0x60: {  	_ =	shalt  }
0x61: {  	_ =	shalt  }
0x62: {  	_ =	shalt  }
0x63: {  	_ =	shalt  }
0x64: {  	_ =	shalt  }
0x65: {  	_ =	shalt  }
0x66: {  	_ =	shalt  }
0x67: {  	_ =	shalt  }
0x68: {  	_ =	shalt  }
0x69: {  	_ =	shalt  }
0x6a: {  	_ =	shalt  }
0x6b: {  	_ =	shalt  }
0x6c: {  	_ =	shalt  }
0x6d: {  	_ =	shalt  }
0x6e: {  	_ =	shalt  }
0x6f: {  	_ =	shalt  }
0x70: {  	_ =	shalt  }
0x71: {  	_ =	shalt  }
0x72: {  	_ =	shalt  }
0x73: {  	_ =	shalt  }
0x74: {  	_ =	shalt  }
0x75: {  	_ =	shalt  }
0x76: {  	_ =	shalt  }
0x77: {  	_ =	shalt  }
0x78: {  	_ =	shalt  }
0x79: {  	_ =	shalt  }
0x7a: {  	_ =	shalt  }
0x7b: {  	_ =	shalt  }
0x7c: {  	_ =	shalt  }
0x7d: {  	_ =	shalt  }
0x7e: {  	_ =	shalt  }
0x7f: {  	_ =	shalt  }
0x80: {  	_ =	shalt  }
0x81: {  	_ =	shalt  }
0x82: {  	_ =	shalt  }
0x83: {  	_ =	shalt  }
0x84: {  	_ =	shalt  }
0x85: {  	_ =	shalt  }
0x86: {  	_ =	shalt  }
0x87: {  	_ =	shalt  }
.Lfunc_end0:
.L_simem_size_0:
called_computation_lowered:
.L_overlay_start_0:
0x88: {  	s2 =	sld [smem:$0x3FD9]  }
0x89: {  	s3 =	sld [smem:$0x3FFE];
	_ =	sdelay $0x1  }
0x8a: {  	s1 =	srdreg.scid  }
0x8b: {  	s0 =	sand.u32 $0x1, s1  }
0x8c: {  	s17 =	sshll.u32 s0, $0xA;
	s2 =	sadd.s32 s3, s2  }
0x8d: {  	s2 =	sadd.s32 s2, s17  }
0x8e: {  	[smem:$0x3FC5] =	sst s2  }
0x8f: {  	_ = 	snop  }
0x90: {  	s2 =	sld [smem:$0x3FC9];
	(tm) =	ssettm $0x1  }
0x91: {  	s18 =	sld [smem:$0x3FFB];
	_ =	sdelay $0x3  }
0x92: {  	_ =	strace s18  }
0x93: {  	s3 =	sld [smem:$0x3FFC];
	_ =	sdelay $0x3  }
0x94: {  	_ =	strace s3  }
0x95: {  	s3 =	sld [smem:$0x3FFD];
	_ =	sdelay $0x3  }
0x96: {  	_ =	strace s3  }
0x97: {  	_ =	strace $0x8FFFFFFF  }
0x98: {  	s19 =	sld [smem:$0x3FDB];
	_ =	sdelay $0x1  }
0x99: {  	s4 =	simm.s32 $_scs_section_size  }
0x9a: {  	s5 =	simm.s32 $_size__tile_overlayer_lowered;
	s6 =	simm.s32 $_tile_overlayer_lowered  }
0x9b: {  	s22 =	simm.s32 $0x1BFF;
	s21 =	sshll.u32 s6, $0x1;
	s3 =	sadd.s32 s4, s19  }
0x9c: {  	s7 =	simm.s32 $0x0;
	s20 =	sshll.u32 s5, $0x1;
	s5 =	sadd.s32 s21, s3  }
0x9d: {  	[timem:s7], [sflag:s22] =	dma.local [hbm:s5], s20  }
0x9e: {  	_ =	swait.ge [sflag:s22], s20  }
0x9f: {  	s4 =	ssub.s32 $0x0, s20;
	[sflag:s22] =	ssyncset.done $0x0  }
0xa0: {  	[sflag:s22] =	ssyncadd.s32 s4;
	_ =	sdelay $0x1  }
0xa1: {  	s23 =	simm.s32 $0x1B8B  }
0xa2: {  	_ =	swait.ge [sflag:s23], $0x1  }
0xa3: {  	[sflag:s23] =	ssyncset.done $0x0  }
0xa4: {  	s25 =	simm.s32 $0x1B8E;
	s24 =	sld [smem:$0x3FFE];
	[sflag:s23] =	ssyncadd.s32 $0xFFFFFFFF  }
0xa5: {  	s26 =	simm.s32 $execute0_lowered;
	[smem:$0x3FD2] =	sst s25  }
0xa6: {  	s5 =	sshll.u32 s26, $0x1;
	_ =	strace $0x80000046;
	[dreg:$0x1] =	wrdreg $0xFFFFFFFF  }
0xa7: {  	s28 =	simm.s32 $_size_execute0_lowered;
	s3 =	sadd.s32 s3, s5;
	[dreg:$0x0] =	wrdreg $0x0  }
0xa8: {  	s5 =	sshll.u32 s28, $0x1;
	[dreg:$0x2] =	wrdreg s3  }
0xa9: {  	[dreg:$0x3] =	wrdreg s5  }
0xaa: {  	[dreg:$0x4] =	wrdreg $0xC0  }
0xab: {  	_ =	task [dreg:s7], $0x5FFFF  }
0xac: {  	[dreg:$0x1] =	wrdreg $0xFFFFFFFF  }
0xad: {  	[dreg:$0x0] =	wrdreg $0x60  }
0xae: {  	[dreg:$0x2] =	wrdreg s2  }
0xaf: {  	[dreg:$0x3] =	wrdreg s24  }
0xb0: {  	[dreg:$0x4] =	wrdreg $0x9  }
0xb1: {  	_ =	task.clear_ibuf [dreg:s7], $0x5FFFF;
	_ =	strace $0x90000046  }
0xb2: {  	s29 =	simm.s32 $0x9;
	_ =	strace $0x80000048  }
0xb3: {  	_ =	swait.ge [sflag:s29], $0x1  }
0xb4: {  	[sflag:s29] =	ssyncadd.s32 $0xFFFFFFFF  }
0xb5: {  	_ =	strace $0x90000048  }
0xb6: {  	_ =	sfence  }
0xb7: {  	s30 =	sld [smem:$0x0];
	_ =	sdelay $0x2  }
0xb8: {  	s31 =	sshll.u32 s1, $0xD;
	s1 =	sshrl.u32 s1, $0x2  }
0xb9: {  	s3 =	sand.u32 $0x4000, s31;
	s1 =	sadd.s32 s1, s30  }
0xba: {  	s0 =	sor.u32 s3, s0;
	s1 =	sshll.u32 s1, $0x11  }
0xbb: {  	s0 =	sor.u32 s1, s0  }
0xbc: {  	s0 =	sadd.s32 $0x8F2B, s0  }
0xbd: {  	[sflag:s0] =	ssyncadd.remote.s32 $0x1  }
0xbe: {  	_ =	sfence.sel $0xFFFF  }
0xbf: {  	[dreg:$0x0] =	wrdreg $0xFFFFFFFF;
	(pc) =	sbr.abs _section_cstart, $3  }
0xc0: {  	[dreg:$0x1] =	wrdreg $0xFFFFFFFF  }
0xc1: {  	_ =	task.clear_ibuf [dreg:s7], $0x2FFFF;
	_ =	strace $0x9FFFFFFF  }
0xc2: {  	(tm) =	ssettm $0x7FFFFFFF  }
0xc3: {  	_ =	shalt  }
tec
execute0_lowered:
.L_overlay_start_1:
0x0: {  	(tag) =	ssettag $0x1  }
0x1: {  	s4 =	rddreg [dreg:$0x0]  }
0x2: {  	s5 =	rddreg [dreg:$0x1]  }
0x3: {  	s0 =	rddreg [dreg:$0x2];
	s2 =	simm.s32 $0x0;
	s3 =	srdreg.scid  }
0x4: {  	s1 =	stileid.u32;
	v0 =	vlaneseq.u32;
	s12 =	simm.s32 $0x4800;
	s13 =	simm.s32 $0x8800  }
0x5: {  	s14 =	simm.s32 $0xC800;
	s15 =	simm.s32 $0x5;
	s16 =	simm.s32 $0x1;
	v0 =	vmul.u32 $0x80, v0  }
0x6: {  	s17 =	simm.s32 $0x10900;
	s18 =	simm.s32 $0x2;
	s19 =	simm.s32 $0x3  }
0x7: {  	s20 =	simm.s32 $0x4;
	s21 =	simm.s32 $0x10800;
	[smem:$0x7FF] =	sst s2;
	v1 =	vor.u32 $0x1, v0  }
0x8: {  	s22 =	simm.s32 $0x6;
	s6 =	sand.u32 $0x1, s3;
	_ =	strace $0x80000047;
	[tilespmem:$0x1FF80] =	vst v1;
	v1 =	vor.u32 $0x2, v0  }
0x9: {  	s23 =	simm.s32 $0x10880;
	s8 =	sshll.u32 s1, $0x6;
	s7 =	sshll.u32 s6, $0xA;
	[tilespmem:$0x1FF90] =	vst v1;
	v1 =	vor.u32 $0x3, v0  }
0xa: {  	s24 =	simm.s32 $0x0;
	s6 =	ssub.s32 $0x2, s6;
	s7 =	sor.u32 s8, s7;
	[tilespmem:$0x1FFA0] =	vst v1;
	v1 =	vor.u32 $0x4, v0  }
0xb: {  	s9 =	sshrl.u32 s6, $0x1;
	s8 =	sshrl.u32 s7, $0x3;
	s7 =	sshll.u32 s7, $0x7;
	[tilespmem:$0x1FFB0] =	vst v1;
	v1 =	vor.u32 $0x5, v0  }
0xc: {  	s3 =	sadd.s32 $0x1400, s5;
	s11 =	ssub.s32 s6, s9;
	s7 =	sadd.s32 s7, s4;
	[tilespmem:$0x1FFC0] =	vst v1;
	v1 =	vor.u32 $0x6, v0  }
0xd: {  	s10 =	sadd.s32 s8, s5;
	s4 =	sadd.s32 $0x1C0000, s7;
	s5 =	sadd.s32 $0x1C0800, s7;
	[tilespmem:$0x1FFD0] =	vst v1;
	v1 =	vor.u32 $0x7, v0  }
0xe: {  	v9 =	vor.u32 $0x9, v0;
	s6 =	sadd.s32 $0x1C1000, s7;
	s7 =	sadd.s32 $0x1C1800, s7;
	s8 =	sadd.s32 $0x1600, s10;
	[tilespmem:$0x1FFE0] =	vst v1;
	v1 =	vor.u32 $0x8, v0  }
0xf: {  	v10 =	vor.u32 $0xA, v0;
	v11 =	vor.u32 $0xB, v0;
	v12 =	vor.u32 $0xC, v0;
	s9 =	sadd.s32 $0x1800, s10;
	s10 =	smax.u32 s11, $0x1;
	s11 =	simm.s32 $0x800;
	[tilespmem:$0x1FFF0] =	vst v1  }
.LBB2_1:
0x10: {  	[tilespmem:s11], [sflag:$0x1] =	stream.linear.gather [hbm4b:s4+s2], $0x4000, $0x38;
	[tilespmem:$0x11100] =	vst v63  }
0x11: {  	_ = 	snop  }
0x12: {  	[tilespmem:s12], [sflag:$0x2] =	stream.linear.gather [hbm4b:s5+s2], $0x4000, $0x38;
	[tilespmem:$0x11100] =	vst v63  }
0x13: {  	_ = 	snop  }
0x14: {  	[tilespmem:s13], [sflag:$0x3] =	stream.linear.gather [hbm4b:s6+s2], $0x4000, $0x38;
	[tilespmem:$0x11100] =	vst v63  }
0x15: {  	_ = 	snop  }
0x16: {  	[tilespmem:s14], [sflag:$0x4] =	stream.linear.gather [hbm4b:s7+s2], $0x4000, $0x38;
	[tilespmem:$0x11100] =	vst v63  }
0x17: {  	_ = 	snop  }
0x18: {  	[tilespmem:s2], [sflag:$0x5] =	stream.linear.gather [hbm4b:s3+s2], $0x800, $0x38;
	[tilespmem:$0x11100] =	vst v63  }
0x19: {  	_ =	swait.ge [sflag:s15], $0x800  }
0x1a: {  	[sflag:s15] =	ssyncset.done $0x0  }
0x1b: {  	[sflag:s15] =	ssyncadd.s32 $0xFFFFF800  }
0x1c: {  	s25 =	simm.s32 $0x0;
	_ =	swait.ge [sflag:s16], $0x4000  }
0x1d: {  	s26 =	sand.u32 $0x70, s2;
	s25 =	sand.u32 $0x3FFFFC00, s25;
	[sflag:s16] =	ssyncset.done $0x0  }
0x1e: {  	s25 =	sor.u32 s26, s25;
	[sflag:s16] =	ssyncadd.s32 $0xFFFFC000  }
0x1f: {  	v13 =	vld [tilespmem:s25+$0x2B80]  }
0x20: {  	s28 =	simm.s32 $0x0;
	v18 =	vld [tilespmem:s25+$0xB80]  }
0x21: {  	s28 =	sand.u32 $0xFFFFFF00, s28;
	v2 =	vld [tilespmem:s25+$0x880]  }
0x22: {  	s26 =	sor.u32 s26, s28;
	v1 =	vld [tilespmem:s25+$0x800]  }
0x23: {  	v41 =	vimm.f32 $0.0e+00;
	v51 =	vimm.f32 $0.0e+00;
	v29 =	vimm.f32 $0.0e+00;
	v16 =	vld [tilespmem:s26+$0x80]  }
0x24: {  	v27 =	vimm.f32 $0.0e+00;
	v56 =	vimm.f32 $0.0e+00;
	v25 =	vimm.f32 $0.0e+00;
	v14 =	vld [tilespmem:s26+$0x0]  }
0x25: {  	v22 =	vimm.f32 $0.0e+00;
	v43 =	vimm.f32 $0.0e+00;
	v49 =	vimm.f32 $0.0e+00;
	v44 =	vld [tilespmem:s25+$0x980]  }
0x26: {  	v23 =	vimm.f32 $0.0e+00;
	v53 =	vimm.f32 $0.0e+00;
	v34 =	vimm.f32 $0.0e+00;
	v40 =	vld [tilespmem:s25+$0x900]  }
0x27: {  	v55 =	vimm.f32 $0.0e+00;
	v50 =	vimm.f32 $0.0e+00;
	v48 =	vimm.f32 $0.0e+00;
	v31 =	vld [tilespmem:s25+$0x2900]  }
0x28: {  	v45 =	vimm.f32 $0.0e+00;
	v37 =	vimm.f32 $0.0e+00;
	v35 =	vimm.f32 $0.0e+00;
	v39 =	vld [tilespmem:s25+$0x2B00]  }
0x29: {  	v30 =	vimm.f32 $0.0e+00;
	v3 =	vld [tilespmem:s25+$0xA00];
	v4 =	vmul.f32 v1, v16;
	v28 =	vmul.f32 v2, v16  }
0x2a: {  	v26 =	vimm.f32 $0.0e+00;
	v1 =	vmul.f32 v1, v14;
	v15 =	vmul.f32 v13, v16  }
0x2b: {  	v33 =	vimm.f32 $0.0e+00;
	v57 =	vld [tilespmem:s25+$0xA80];
	v2 =	vmul.f32 v2, v14;
	v59 =	vmul.f32 v18, v14  }
0x2c: {  	v54 =	vimm.f32 $0.0e+00;
	v58 =	vmul.f32 v40, v16;
	v19 =	vmul.f32 v44, v16  }
0x2d: {  	v60 =	vimm.f32 $0.0e+00;
	v62 =	vmul.f32 v31, v14;
	v32 =	vmul.f32 v39, v16  }
0x2e: {  	v38 =	vld [tilespmem:s25+$0x2A80];
	v52 =	vmul.f32 v3, v16;
	v20 =	vadd.f32 v4, v41;
	v17 =	vadd.f32 v15, v41  }
0x2f: {  	v47 =	vld [tilespmem:s25+$0xB00];
	v15 =	vmul.f32 v3, v14;
	v46 =	vadd.f32 v2, v41;
	v24 =	vadd.f32 v58, v41  }
0x30: {  	v61 =	vld [tilespmem:s25+$0x2800];
	v21 =	vadd.f32 v19, v41;
	v2 =	vmul.f32 v57, v14;
	v19 =	vimm.f32 $0.0e+00  }
0x31: {  	s29 =	simm.s32 $0x1;
	v36 =	vld [tilespmem:s25+$0x2880];
	s26 =	simm.s32 $0x0;
	v58 =	vimm.f32 $0.0e+00;
	v42 =	vadd.f32 v15, v41;
	v15 =	vimm.f32 $0.0e+00  }
.LBB2_2:
0x32: {  	s28 =	smov.u32 s29  }
0x33: {  	s30 =	sshll.u32 s29, $0x7;
	v41 =	vadd.f32 v1, v41;
	v1 =	vmul.f32 v57, v16;
	v3 =	vmul.f32 v13, v14;
	s26 =	sadd.s32 $0x10, s26;
	s28 =	sadd.s32 $0x1, s29  }
0x34: {  	p0 =	sne.s32 s29, $0x3F;
	v57 =	vmul.f32 v38, v16;
	s31 =	sshra.s32 s30, $0x2;
	s30 =	sand.u32 $0x3FFFFC00, s30;
	v51 =	vadd.f32 v2, v51;
	v2 =	vmul.f32 v47, v16;
	v4 =	vld [tilespmem:s25+$0x2980]  }
0x35: {  	s29 =	sand.u32 $0x70, s26;
	s31 =	sand.u32 $0xFFFFFF00, s31;
	v29 =	vadd.f32 v1, v29;
	v1 =	vmul.f32 v18, v16;
	v63 =	vmul.f32 v61, v14;
	v5 =	vld [tilespmem:s25+$0x2A00]  }
0x36: {  	v44 =	vmul.f32 v44, v14;
	v61 =	vmul.f32 v61, v16;
	v15 =	vadd.f32 v3, v15;
	s31 =	sor.u32 s29, s31;
	s25 =	sor.u32 s29, s30  }
0x37: {  	v3 =	vmul.f32 v36, v16;
	v27 =	vadd.f32 v2, v27;
	v2 =	vmul.f32 v36, v14;
	v13 =	vld [tilespmem:s25+$0x2B80]  }
0x38: {  	v31 =	vmul.f32 v31, v16;
	v56 =	vadd.f32 v44, v56;
	v25 =	vadd.f32 v61, v25;
	v18 =	vld [tilespmem:s25+$0xB80]  }
0x39: {  	v43 =	vadd.f32 v62, v43;
	v22 =	vadd.f32 v3, v22;
	v44 =	vld [tilespmem:s25+$0x980];
	v3 =	vmul.f32 v4, v16  }
0x3a: {  	v23 =	vadd.f32 v31, v23;
	v49 =	vadd.f32 v2, v49;
	v36 =	vld [tilespmem:s25+$0x2880];
	v2 =	vmul.f32 v5, v14  }
0x3b: {  	v53 =	vadd.f32 v59, v53;
	v4 =	vmul.f32 v4, v14;
	v5 =	vmul.f32 v5, v16;
	v61 =	vld [tilespmem:s25+$0x880]  }
0x3c: {  	v34 =	vadd.f32 v52, v34;
	v31 =	vmul.f32 v38, v14;
	v19 =	vadd.f32 v57, v19;
	v59 =	vld [tilespmem:s25+$0x800]  }
0x3d: {  	v55 =	vadd.f32 v63, v55;
	v50 =	vadd.f32 v4, v50;
	v4 =	vmul.f32 v39, v14;
	v16 =	vld [tilespmem:s31+$0x80]  }
0x3e: {  	v52 =	vmul.f32 v40, v14;
	v45 =	vadd.f32 v31, v45;
	v48 =	vadd.f32 v2, v48;
	v38 =	vld [tilespmem:s31+$0x0]  }
0x3f: {  	v37 =	vadd.f32 v28, v37;
	v35 =	vadd.f32 v1, v35;
	v2 =	vmul.f32 v47, v14;
	v40 =	vld [tilespmem:s25+$0x900]  }
0x40: {  	v26 =	vadd.f32 v32, v26;
	v30 =	vadd.f32 v3, v30;
	v31 =	vld [tilespmem:s25+$0x2900]  }
0x41: {  	v33 =	vadd.f32 v5, v33;
	v58 =	vadd.f32 v2, v58;
	v3 =	vld [tilespmem:s25+$0xA00]  }
0x42: {  	v54 =	vadd.f32 v4, v54;
	v2 =	vmul.f32 v59, v16;
	v28 =	vmul.f32 v61, v16;
	v39 =	vld [tilespmem:s25+$0x2B00]  }
0x43: {  	v60 =	vadd.f32 v52, v60;
	v4 =	vmul.f32 v13, v16;
	v1 =	vmul.f32 v59, v38;
	v57 =	vld [tilespmem:s25+$0xA80];
	v14 =	vmovc v38  }
.Ltmp0:
0x44: {  	v20 =	vadd.f32 v2, v20;
	v2 =	vmul.f32 v61, v14;
	v59 =	vmul.f32 v18, v14;
	v38 =	vld [tilespmem:s25+$0x2A80];
	(pc) =	sbr.rel @p0 .LBB2_2-.Ltmp0, $4  }
0x45: {  	v32 =	vmul.f32 v44, v16;
	v5 =	vmul.f32 v40, v16;
	v17 =	vadd.f32 v4, v17;
	v47 =	vld [tilespmem:s25+$0xB00]  }
0x46: {  	v62 =	vmul.f32 v31, v14;
	v46 =	vadd.f32 v2, v46;
	v2 =	vmul.f32 v3, v14;
	v61 =	vld [tilespmem:s25+$0x2800]  }
0x47: {  	v21 =	vadd.f32 v32, v21;
	v24 =	vadd.f32 v5, v24;
	v32 =	vmul.f32 v39, v16  }
0x48: {  	s29 =	smov.u32 s28;
	v52 =	vmul.f32 v3, v16;
	v42 =	vadd.f32 v2, v42;
	v2 =	vmul.f32 v57, v14  }
0x49: {  	v3 =	vld [tilespmem:s25+$0x2980]  }
0x4a: {  	v1 =	vadd.f32 v1, v41;
	v5 =	vld [tilespmem:s25+$0x2A00];
	[tilespmem:$0x10980] =	vst v46  }
0x4b: {  	v44 =	vmul.f32 v44, v14;
	v53 =	vadd.f32 v59, v53;
	[tilespmem:$0x10B00] =	vst v42  }
0x4c: {  	v4 =	vmul.f32 v40, v14;
	v2 =	vadd.f32 v2, v51;
	[tilespmem:$0x10900] =	vst v1  }
0x4d: {  	v51 =	vmul.f32 v36, v14;
	v1 =	vadd.f32 v44, v56;
	[tilespmem:$0x10C80] =	vst v53  }
0x4e: {  	v46 =	vmul.f32 v47, v14;
	v4 =	vadd.f32 v4, v60;
	[tilespmem:$0x10B80] =	vst v2  }
0x4f: {  	v2 =	vadd.f32 v51, v49;
	[tilespmem:$0x10A80] =	vst v1;
	v1 =	vmul.f32 v61, v14  }
0x50: {  	[tilespmem:$0x10A00] =	vst v4;
	v4 =	vadd.f32 v46, v58  }
0x51: {  	v56 =	vmul.f32 v5, v14;
	[tilespmem:$0x10D80] =	vst v2;
	v1 =	vadd.f32 v1, v55  }
0x52: {  	v6 =	vld [tilespmem:$0x1FF80];
	v2 =	vmul.f32 v39, v14;
	[tilespmem:$0x10C00] =	vst v4;
	v55 =	vadd.f32 v62, v43  }
0x53: {  	v7 =	vld [tilespmem:$0x1FF90];
	v4 =	vmul.f32 v3, v14;
	v58 =	vadd.f32 v56, v48;
	[tilespmem:$0x10D00] =	vst v1  }
0x54: {  	v8 =	vld [tilespmem:$0x1FFA0];
	v2 =	vadd.f32 v2, v54;
	v1 =	vmul.f32 v38, v14;
	[tilespmem:$0x10E00] =	vst v55  }
0x55: {  	v13 =	vmul.f32 v13, v14;
	v53 =	vld [tilespmem:$0x1FFB0];
	v4 =	vadd.f32 v4, v50;
	[tilespmem:$0x10F00] =	vst v58  }
0x56: {  	v54 =	vld [tilespmem:$0x1FFC0];
	[tilespmem:$0x11000] =	vst v2;
	v1 =	vadd.f32 v1, v45  }
0x57: {  	v56 =	vld [tilespmem:$0x1FFE0];
	[tilespmem:$0x10E80] =	vst v4;
	v4 =	vadd.f32 v13, v15  }
0x58: {  	v55 =	vld [tilespmem:$0x1FFD0];
	[tilespmem:$0x10F80] =	vst v1  }
0x59: {  	v58 =	vld [tilespmem:$0x1FFF0];
	[tilespmem:$0x11080] =	vst v4  }
0x5a: {  	v1 =	vld.idx.msk [tilespmem:v0+s17+$0x0], $0xffff  }
0x5b: {  	v2 =	vld.idx.msk [tilespmem:v6+s17+$0x0], $0xffff  }
0x5c: {  	v4 =	vld.idx.msk [tilespmem:v7+s17+$0x0], $0xffff  }
0x5d: {  	v39 =	vld.idx.msk [tilespmem:v8+s17+$0x0], $0xffff  }
0x5e: {  	v14 =	vor.u32 $0xE, v0;
	v40 =	vld.idx.msk [tilespmem:v53+s17+$0x0], $0xffff  }
0x5f: {  	v45 =	vld.idx.msk [tilespmem:v9+s17+$0x0], $0xffff  }
0x60: {  	v46 =	vld.idx.msk [tilespmem:v10+s17+$0x0], $0xffff  }
0x61: {  	v15 =	vor.u32 $0xD, v0;
	v48 =	vld.idx.msk [tilespmem:v11+s17+$0x0], $0xffff  }
0x62: {  	v13 =	vor.u32 $0xF, v0;
	v59 =	vld.idx.msk [tilespmem:v12+s17+$0x0], $0xffff  }
0x63: {  	v62 =	vld.idx.msk [tilespmem:v14+s17+$0x0], $0xffff  }
0x64: {  	v41 =	vld.idx.msk [tilespmem:v54+s17+$0x0], $0xffff  }
0x65: {  	v43 =	vld.idx.msk [tilespmem:v56+s17+$0x0], $0xffff  }
0x66: {  	v60 =	vld.idx.msk [tilespmem:v15+s17+$0x0], $0xffff  }
0x67: {  	v63 =	vld.idx.msk [tilespmem:v13+s17+$0x0], $0xffff  }
0x68: {  	v28 =	vadd.f32 v28, v37;
	v42 =	vld.idx.msk [tilespmem:v55+s17+$0x0], $0xffff  }
0x69: {  	v44 =	vld.idx.msk [tilespmem:v58+s17+$0x0], $0xffff;
	[tilespmem:$0x10900] =	vst v20  }
0x6a: {  	v18 =	vmul.f32 v18, v16;
	[tilespmem:$0x10980] =	vst v28  }
0x6b: {  	v34 =	vadd.f32 v52, v34;
	v3 =	vmul.f32 v3, v16;
	[tilespmem:$0x10A00] =	vst v24  }
0x6c: {  	v18 =	vadd.f32 v18, v35;
	v5 =	vmul.f32 v5, v16;
	[tilespmem:$0x10A80] =	vst v21  }
0x6d: {  	v3 =	vadd.f32 v3, v30;
	[tilespmem:$0x10B00] =	vst v34  }
0x6e: {  	v5 =	vadd.f32 v5, v33;
	[tilespmem:$0x10C80] =	vst v18  }
0x6f: {  	v20 =	vmul.f32 v57, v16;
	[tilespmem:$0x10E80] =	vst v3  }
0x70: {  	v28 =	vmul.f32 v47, v16;
	v3 =	vadd.f32 v32, v26;
	[tilespmem:$0x10F00] =	vst v5  }
0x71: {  	v21 =	vmul.f32 v61, v16;
	[tilespmem:$0x11080] =	vst v17;
	v20 =	vadd.f32 v20, v29  }
0x72: {  	v24 =	vadd.f32 v28, v27;
	v27 =	vmul.f32 v36, v16;
	[tilespmem:$0x11000] =	vst v3  }
0x73: {  	[tilespmem:$0x10B80] =	vst v20;
	v20 =	vadd.f32 v21, v25;
	v21 =	vmul.f32 v31, v16  }
0x74: {  	[tilespmem:$0x10C00] =	vst v24;
	v22 =	vadd.f32 v27, v22;
	v16 =	vmul.f32 v38, v16  }
0x75: {  	v18 =	vadd.f32 v21, v23;
	[tilespmem:$0x10D00] =	vst v20  }
0x76: {  	[tilespmem:$0x10D80] =	vst v22;
	v16 =	vadd.f32 v16, v19  }
0x77: {  	[tilespmem:$0x10E00] =	vst v18  }
0x78: {  	[tilespmem:$0x10F80] =	vst v16  }
0x79: {  	v3 =	vld.idx.msk [tilespmem:v0+s17+$0x0], $0xffff  }
0x7a: {  	v5 =	vld.idx.msk [tilespmem:v6+s17+$0x0], $0xffff;
	_ =	sdelay $0x1  }
0x7b: {  	v16 =	vld.idx.msk [tilespmem:v7+s17+$0x0], $0xffff;
	_ =	sdelay $0x1  }
0x7c: {  	v1 =	vadd.f32 v2, v1;
	v2 =	vld.idx.msk [tilespmem:v8+s17+$0x0], $0xffff  }
0x7d: {  	v3 =	vadd.f32 v5, v3  }
0x7e: {  	v1 =	vadd.f32 v4, v1;
	v4 =	vld.idx.msk [tilespmem:v53+s17+$0x0], $0xffff  }
0x7f: {  	v3 =	vadd.f32 v16, v3  }
0x80: {  	v1 =	vadd.f32 v39, v1;
	v5 =	vld.idx.msk [tilespmem:v54+s17+$0x0], $0xffff  }
0x81: {  	v2 =	vadd.f32 v2, v3  }
0x82: {  	v1 =	vadd.f32 v40, v1;
	v3 =	vld.idx.msk [tilespmem:v55+s17+$0x0], $0xffff  }
0x83: {  	v2 =	vadd.f32 v4, v2  }
0x84: {  	v1 =	vadd.f32 v41, v1;
	v4 =	vld.idx.msk [tilespmem:v56+s17+$0x0], $0xffff  }
0x85: {  	v2 =	vadd.f32 v5, v2  }
0x86: {  	v1 =	vadd.f32 v42, v1;
	v5 =	vld.idx.msk [tilespmem:v58+s17+$0x0], $0xffff  }
0x87: {  	v2 =	vadd.f32 v3, v2  }
0x88: {  	v1 =	vadd.f32 v43, v1;
	v3 =	vld.idx.msk [tilespmem:v9+s17+$0x0], $0xffff  }
0x89: {  	v2 =	vadd.f32 v4, v2  }
0x8a: {  	v1 =	vadd.f32 v44, v1;
	v4 =	vld.idx.msk [tilespmem:v10+s17+$0x0], $0xffff  }
0x8b: {  	v2 =	vadd.f32 v5, v2  }
0x8c: {  	v1 =	vadd.f32 v45, v1;
	v5 =	vld.idx.msk [tilespmem:v11+s17+$0x0], $0xffff  }
0x8d: {  	v2 =	vadd.f32 v3, v2  }
0x8e: {  	v1 =	vadd.f32 v46, v1;
	v3 =	vld.idx.msk [tilespmem:v12+s17+$0x0], $0xffff  }
0x8f: {  	v2 =	vadd.f32 v4, v2  }
0x90: {  	v1 =	vadd.f32 v48, v1;
	v4 =	vld.idx.msk [tilespmem:v15+s17+$0x0], $0xffff  }
0x91: {  	v2 =	vadd.f32 v5, v2  }
0x92: {  	v1 =	vadd.f32 v59, v1;
	v5 =	vld.idx.msk [tilespmem:v14+s17+$0x0], $0xffff  }
0x93: {  	v2 =	vadd.f32 v3, v2  }
0x94: {  	v1 =	vadd.f32 v60, v1;
	v3 =	vld.idx.msk [tilespmem:v13+s17+$0x0], $0xffff  }
0x95: {  	v2 =	vadd.f32 v4, v2  }
0x96: {  	v1 =	vadd.f32 v62, v1  }
0x97: {  	v2 =	vadd.f32 v5, v2  }
0x98: {  	v1 =	vadd.f32 v63, v1  }
0x99: {  	v2 =	vadd.f32 v3, v2  }
0x9a: {  	[tilespmem:$0x10800] =	vst v1  }
0x9b: {  	[tilespmem:$0x10880] =	vst v2  }
0x9c: {  	s25 =	simm.s32 $0x0;
	s26 =	simm.s32 $0x0;
	_ =	swait.ge [sflag:s18], $0x4000  }
0x9d: {  	s26 =	sand.u32 $0x3FFFFC00, s26;
	s28 =	sand.u32 $0x70, s25;
	[sflag:s18] =	ssyncset.done $0x0  }
0x9e: {  	s26 =	sor.u32 s28, s26;
	[sflag:s18] =	ssyncadd.s32 $0xFFFFC000  }
0x9f: {  	v37 =	vld [tilespmem:s26+$0x6B80]  }
0xa0: {  	s29 =	simm.s32 $0x0;
	v18 =	vld [tilespmem:s26+$0x4B80]  }
0xa1: {  	s29 =	sand.u32 $0xFFFFFF00, s29;
	v52 =	vimm.f32 $0.0e+00;
	v35 =	vimm.f32 $0.0e+00;
	v51 =	vimm.f32 $0.0e+00;
	v1 =	vld [tilespmem:s26+$0x4880]  }
0xa2: {  	s28 =	sor.u32 s28, s29;
	v33 =	vimm.f32 $0.0e+00;
	v50 =	vimm.f32 $0.0e+00;
	v30 =	vimm.f32 $0.0e+00;
	v2 =	vld [tilespmem:s26+$0x4800]  }
0xa3: {  	v34 =	vimm.f32 $0.0e+00;
	v26 =	vimm.f32 $0.0e+00;
	v61 =	vimm.f32 $0.0e+00;
	v16 =	vld [tilespmem:s28+$0x80]  }
0xa4: {  	v29 =	vimm.f32 $0.0e+00;
	v27 =	vimm.f32 $0.0e+00;
	v25 =	vimm.f32 $0.0e+00;
	v38 =	vld [tilespmem:s28+$0x0]  }
0xa5: {  	v39 =	vimm.f32 $0.0e+00;
	v22 =	vimm.f32 $0.0e+00;
	v23 =	vimm.f32 $0.0e+00;
	v47 =	vld [tilespmem:s26+$0x4980]  }
0xa6: {  	v40 =	vimm.f32 $0.0e+00;
	v54 =	vimm.f32 $0.0e+00;
	v44 =	vimm.f32 $0.0e+00;
	v41 =	vld [tilespmem:s26+$0x6B00]  }
0xa7: {  	v55 =	vimm.f32 $0.0e+00;
	v46 =	vimm.f32 $0.0e+00;
	v56 =	vimm.f32 $0.0e+00;
	v4 =	vld [tilespmem:s26+$0x4A00]  }
0xa8: {  	v48 =	vimm.f32 $0.0e+00;
	v43 =	vld [tilespmem:s26+$0x4900];
	v5 =	vmul.f32 v2, v16;
	v28 =	vmul.f32 v1, v16  }
0xa9: {  	v58 =	vimm.f32 $0.0e+00;
	v31 =	vld [tilespmem:s26+$0x6900];
	v3 =	vmul.f32 v2, v38;
	v2 =	vmul.f32 v37, v16  }
0xaa: {  	v59 =	vimm.f32 $0.0e+00;
	v60 =	vld [tilespmem:s26+$0x4A80];
	v1 =	vmul.f32 v1, v38;
	v62 =	vmul.f32 v18, v38  }
0xab: {  	v63 =	vimm.f32 $0.0e+00;
	v19 =	vmul.f32 v47, v16;
	v32 =	vmul.f32 v41, v16  }
0xac: {  	v42 =	vld [tilespmem:s26+$0x6A80];
	v57 =	vmul.f32 v4, v16;
	v17 =	vadd.f32 v2, v44;
	v2 =	vmul.f32 v4, v38  }
0xad: {  	v53 =	vld [tilespmem:s26+$0x4B00];
	v20 =	vadd.f32 v5, v44;
	v5 =	vmul.f32 v43, v16;
	v49 =	vadd.f32 v1, v44  }
0xae: {  	v1 =	vmul.f32 v31, v38;
	v21 =	vadd.f32 v19, v44;
	v45 =	vadd.f32 v2, v44;
	v2 =	vld [tilespmem:s26+$0x6800]  }
0xaf: {  	s29 =	simm.s32 $0x1;
	v36 =	vld [tilespmem:s26+$0x6880];
	v4 =	vmul.f32 v60, v38;
	v19 =	vimm.f32 $0.0e+00;
	v24 =	vadd.f32 v5, v44  }
.LBB2_4:
0xb0: {  	s28 =	smov.u32 s29  }
0xb1: {  	s30 =	sshll.u32 s29, $0x7;
	v44 =	vadd.f32 v3, v44;
	v3 =	vmul.f32 v60, v16;
	v5 =	vmul.f32 v37, v38;
	s25 =	sadd.s32 $0x10, s25;
	s28 =	sadd.s32 $0x1, s29  }
0xb2: {  	p0 =	sne.s32 s29, $0x3F;
	v6 =	vmul.f32 v42, v16;
	s31 =	sshra.s32 s30, $0x2;
	s30 =	sand.u32 $0x3FFFFC00, s30;
	v54 =	vadd.f32 v4, v54;
	v4 =	vmul.f32 v53, v16;
	v60 =	vld [tilespmem:s26+$0x6980]  }
0xb3: {  	s29 =	sand.u32 $0x70, s25;
	s31 =	sand.u32 $0xFFFFFF00, s31;
	v29 =	vadd.f32 v3, v29;
	v3 =	vmul.f32 v18, v16;
	v7 =	vmul.f32 v2, v38;
	v8 =	vld [tilespmem:s26+$0x6A00]  }
0xb4: {  	v47 =	vmul.f32 v47, v38;
	v2 =	vmul.f32 v2, v16;
	v40 =	vadd.f32 v5, v40;
	s31 =	sor.u32 s29, s31;
	s26 =	sor.u32 s29, s30  }
0xb5: {  	v5 =	vmul.f32 v36, v16;
	v27 =	vadd.f32 v4, v27;
	v4 =	vmul.f32 v36, v38;
	v37 =	vld [tilespmem:s26+$0x6B80]  }
0xb6: {  	v59 =	vadd.f32 v47, v59;
	v25 =	vadd.f32 v2, v25;
	v2 =	vmul.f32 v31, v16;
	v18 =	vld [tilespmem:s26+$0x4B80]  }
0xb7: {  	v46 =	vadd.f32 v1, v46;
	v22 =	vadd.f32 v5, v22;
	v47 =	vld [tilespmem:s26+$0x4980];
	v1 =	vmul.f32 v60, v16  }
0xb8: {  	v51 =	vadd.f32 v4, v51;
	v23 =	vadd.f32 v2, v23;
	v36 =	vld [tilespmem:s26+$0x6880];
	v2 =	vmul.f32 v8, v38  }
0xb9: {  	v56 =	vadd.f32 v62, v56;
	v5 =	vmul.f32 v60, v38;
	v8 =	vmul.f32 v8, v16;
	v4 =	vld [tilespmem:s26+$0x4880]  }
0xba: {  	v34 =	vadd.f32 v57, v34;
	v19 =	vadd.f32 v6, v19;
	v31 =	vmul.f32 v42, v38;
	v60 =	vld [tilespmem:s26+$0x4800]  }
0xbb: {  	v58 =	vadd.f32 v7, v58;
	v52 =	vadd.f32 v5, v52;
	v5 =	vmul.f32 v41, v38;
	v16 =	vld [tilespmem:s31+$0x80]  }
0xbc: {  	v7 =	vmul.f32 v43, v38;
	v48 =	vadd.f32 v31, v48;
	v50 =	vadd.f32 v2, v50;
	v6 =	vld [tilespmem:s31+$0x0]  }
0xbd: {  	v39 =	vadd.f32 v28, v39;
	v35 =	vadd.f32 v3, v35;
	v2 =	vmul.f32 v53, v38;
	v43 =	vld [tilespmem:s26+$0x4900]  }
0xbe: {  	v26 =	vadd.f32 v32, v26;
	v30 =	vadd.f32 v1, v30;
	v31 =	vld [tilespmem:s26+$0x6900]  }
0xbf: {  	v33 =	vadd.f32 v8, v33;
	v61 =	vadd.f32 v2, v61;
	v57 =	vld [tilespmem:s26+$0x4A00]  }
0xc0: {  	v55 =	vadd.f32 v5, v55;
	v1 =	vmul.f32 v60, v16;
	v28 =	vmul.f32 v4, v16;
	v41 =	vld [tilespmem:s26+$0x6B00]  }
0xc1: {  	v63 =	vadd.f32 v7, v63;
	v2 =	vmul.f32 v37, v16;
	v3 =	vmul.f32 v60, v6;
	v60 =	vld [tilespmem:s26+$0x4A80];
	v38 =	vmovc v6  }
.Ltmp1:
0xc2: {  	v20 =	vadd.f32 v1, v20;
	v1 =	vmul.f32 v4, v38;
	v62 =	vmul.f32 v18, v38;
	v42 =	vld [tilespmem:s26+$0x6A80];
	(pc) =	sbr.rel @p0 .LBB2_4-.Ltmp1, $4  }
0xc3: {  	v5 =	vmul.f32 v47, v16;
	v4 =	vmul.f32 v43, v16;
	v17 =	vadd.f32 v2, v17;
	v53 =	vld [tilespmem:s26+$0x4B00]  }
0xc4: {  	v49 =	vadd.f32 v1, v49;
	v6 =	vmul.f32 v57, v38;
	v2 =	vld [tilespmem:s26+$0x6800];
	v1 =	vmul.f32 v31, v38  }
0xc5: {  	v21 =	vadd.f32 v5, v21;
	v24 =	vadd.f32 v4, v24;
	v32 =	vmul.f32 v41, v16  }
0xc6: {  	s29 =	smov.u32 s28;
	v57 =	vmul.f32 v57, v16;
	v45 =	vadd.f32 v6, v45;
	v4 =	vmul.f32 v60, v38  }
0xc7: {  	v5 =	vld [tilespmem:s26+$0x6980]  }
0xc8: {  	v3 =	vadd.f32 v3, v44;
	v7 =	vld [tilespmem:s26+$0x6A00];
	[tilespmem:$0x10980] =	vst v49  }
0xc9: {  	v6 =	vmul.f32 v43, v38;
	v56 =	vadd.f32 v62, v56;
	[tilespmem:$0x10B00] =	vst v45  }
0xca: {  	v8 =	vmul.f32 v47, v38;
	v1 =	vadd.f32 v1, v46;
	[tilespmem:$0x10900] =	vst v3  }
0xcb: {  	v6 =	vadd.f32 v6, v63;
	[tilespmem:$0x10C80] =	vst v56  }
0xcc: {  	v3 =	vadd.f32 v8, v59;
	v8 =	vmul.f32 v53, v38;
	[tilespmem:$0x10E00] =	vst v1  }
0xcd: {  	v4 =	vadd.f32 v4, v54;
	v1 =	vmul.f32 v37, v38;
	[tilespmem:$0x10A00] =	vst v6  }
0xce: {  	[tilespmem:$0x10A80] =	vst v3;
	v3 =	vmul.f32 v2, v38;
	v6 =	vadd.f32 v8, v61  }
0xcf: {  	[tilespmem:$0x10B80] =	vst v4;
	v8 =	vmul.f32 v36, v38;
	v1 =	vadd.f32 v1, v40  }
0xd0: {  	v49 =	vld [tilespmem:$0x1FF80];
	v3 =	vadd.f32 v3, v58;
	[tilespmem:$0x10C00] =	vst v6;
	v6 =	vmul.f32 v5, v38  }
0xd1: {  	v54 =	vld [tilespmem:$0x1FFC0];
	v4 =	vadd.f32 v8, v51;
	v8 =	vmul.f32 v7, v38;
	[tilespmem:$0x11080] =	vst v1  }
0xd2: {  	v56 =	vld [tilespmem:$0x1FFE0];
	[tilespmem:$0x10D00] =	vst v3;
	v3 =	vmul.f32 v42, v38;
	v6 =	vadd.f32 v6, v52  }
0xd3: {  	v51 =	vld [tilespmem:$0x1FFA0];
	[tilespmem:$0x10D80] =	vst v4;
	v4 =	vmul.f32 v41, v38;
	v8 =	vadd.f32 v8, v50  }
0xd4: {  	v58 =	vld [tilespmem:$0x1FFF0];
	v3 =	vadd.f32 v3, v48;
	[tilespmem:$0x10E80] =	vst v6  }
0xd5: {  	v50 =	vld [tilespmem:$0x1FF90];
	v4 =	vadd.f32 v4, v55;
	[tilespmem:$0x10F00] =	vst v8  }
0xd6: {  	v52 =	vld [tilespmem:$0x1FFB0];
	[tilespmem:$0x10F80] =	vst v3  }
0xd7: {  	v55 =	vld [tilespmem:$0x1FFD0];
	[tilespmem:$0x11000] =	vst v4  }
0xd8: {  	v1 =	vld.idx.msk [tilespmem:v0+s17+$0x0], $0xffff  }
0xd9: {  	v3 =	vld.idx.msk [tilespmem:v49+s17+$0x0], $0xffff  }
0xda: {  	v37 =	vld.idx.msk [tilespmem:v54+s17+$0x0], $0xffff  }
0xdb: {  	v40 =	vld.idx.msk [tilespmem:v56+s17+$0x0], $0xffff  }
0xdc: {  	v43 =	vld.idx.msk [tilespmem:v9+s17+$0x0], $0xffff  }
0xdd: {  	v44 =	vld.idx.msk [tilespmem:v10+s17+$0x0], $0xffff  }
0xde: {  	v45 =	vld.idx.msk [tilespmem:v11+s17+$0x0], $0xffff  }
0xdf: {  	v59 =	vld.idx.msk [tilespmem:v12+s17+$0x0], $0xffff  }
0xe0: {  	v61 =	vld.idx.msk [tilespmem:v15+s17+$0x0], $0xffff  }
0xe1: {  	v62 =	vld.idx.msk [tilespmem:v14+s17+$0x0], $0xffff  }
0xe2: {  	v63 =	vld.idx.msk [tilespmem:v13+s17+$0x0], $0xffff  }
0xe3: {  	v6 =	vld.idx.msk [tilespmem:v51+s17+$0x0], $0xffff  }
0xe4: {  	v41 =	vld.idx.msk [tilespmem:v58+s17+$0x0], $0xffff  }
0xe5: {  	v4 =	vld.idx.msk [tilespmem:v50+s17+$0x0], $0xffff  }
0xe6: {  	v28 =	vadd.f32 v28, v39;
	v8 =	vld.idx.msk [tilespmem:v52+s17+$0x0], $0xffff  }
0xe7: {  	v38 =	vld.idx.msk [tilespmem:v55+s17+$0x0], $0xffff;
	[tilespmem:$0x10900] =	vst v20  }
0xe8: {  	v18 =	vmul.f32 v18, v16;
	[tilespmem:$0x10980] =	vst v28  }
0xe9: {  	v34 =	vadd.f32 v57, v34;
	v2 =	vmul.f32 v2, v16;
	[tilespmem:$0x10A00] =	vst v24  }
0xea: {  	v18 =	vadd.f32 v18, v35;
	v5 =	vmul.f32 v5, v16;
	[tilespmem:$0x10A80] =	vst v21  }
0xeb: {  	v2 =	vadd.f32 v2, v25;
	v7 =	vmul.f32 v7, v16;
	[tilespmem:$0x10B00] =	vst v34  }
0xec: {  	v5 =	vadd.f32 v5, v30;
	[tilespmem:$0x10C80] =	vst v18  }
0xed: {  	v7 =	vadd.f32 v7, v33;
	[tilespmem:$0x10D00] =	vst v2  }
0xee: {  	v20 =	vmul.f32 v60, v16;
	[tilespmem:$0x10E80] =	vst v5  }
0xef: {  	v28 =	vmul.f32 v53, v16;
	v5 =	vadd.f32 v32, v26;
	[tilespmem:$0x10F00] =	vst v7  }
0xf0: {  	v2 =	vmul.f32 v42, v16;
	[tilespmem:$0x11080] =	vst v17;
	v20 =	vadd.f32 v20, v29  }
0xf1: {  	v24 =	vmul.f32 v36, v16;
	v21 =	vadd.f32 v28, v27;
	[tilespmem:$0x11000] =	vst v5  }
0xf2: {  	v2 =	vadd.f32 v2, v19;
	[tilespmem:$0x10B80] =	vst v20;
	v20 =	vmul.f32 v31, v16  }
0xf3: {  	[tilespmem:$0x10C00] =	vst v21;
	v21 =	vadd.f32 v24, v22  }
0xf4: {  	[tilespmem:$0x10F80] =	vst v2;
	v18 =	vadd.f32 v20, v23  }
0xf5: {  	[tilespmem:$0x10D80] =	vst v21  }
0xf6: {  	[tilespmem:$0x10E00] =	vst v18  }
0xf7: {  	v2 =	vld.idx.msk [tilespmem:v0+s17+$0x0], $0xffff  }
0xf8: {  	v5 =	vld.idx.msk [tilespmem:v49+s17+$0x0], $0xffff;
	_ =	sdelay $0x1  }
0xf9: {  	v7 =	vld.idx.msk [tilespmem:v50+s17+$0x0], $0xffff;
	_ =	sdelay $0x1  }
0xfa: {  	v1 =	vadd.f32 v3, v1;
	v3 =	vld.idx.msk [tilespmem:v51+s17+$0x0], $0xffff  }
0xfb: {  	v2 =	vadd.f32 v5, v2  }
0xfc: {  	v1 =	vadd.f32 v4, v1;
	v4 =	vld.idx.msk [tilespmem:v52+s17+$0x0], $0xffff  }
0xfd: {  	v2 =	vadd.f32 v7, v2  }
0xfe: {  	v1 =	vadd.f32 v6, v1;
	v5 =	vld.idx.msk [tilespmem:v54+s17+$0x0], $0xffff  }
0xff: {  	v2 =	vadd.f32 v3, v2  }
0x100: {  	v1 =	vadd.f32 v8, v1;
	v3 =	vld.idx.msk [tilespmem:v55+s17+$0x0], $0xffff  }
0x101: {  	v2 =	vadd.f32 v4, v2  }
0x102: {  	v1 =	vadd.f32 v37, v1;
	v4 =	vld.idx.msk [tilespmem:v56+s17+$0x0], $0xffff  }
0x103: {  	v2 =	vadd.f32 v5, v2  }
0x104: {  	v1 =	vadd.f32 v38, v1;
	v5 =	vld.idx.msk [tilespmem:v58+s17+$0x0], $0xffff  }
0x105: {  	v2 =	vadd.f32 v3, v2  }
0x106: {  	v1 =	vadd.f32 v40, v1;
	v3 =	vld.idx.msk [tilespmem:v9+s17+$0x0], $0xffff  }
0x107: {  	v2 =	vadd.f32 v4, v2  }
0x108: {  	v1 =	vadd.f32 v41, v1;
	v4 =	vld.idx.msk [tilespmem:v10+s17+$0x0], $0xffff  }
0x109: {  	v2 =	vadd.f32 v5, v2  }
0x10a: {  	v1 =	vadd.f32 v43, v1;
	v5 =	vld.idx.msk [tilespmem:v11+s17+$0x0], $0xffff  }
0x10b: {  	v2 =	vadd.f32 v3, v2  }
0x10c: {  	v1 =	vadd.f32 v44, v1;
	v3 =	vld.idx.msk [tilespmem:v12+s17+$0x0], $0xffff  }
0x10d: {  	v2 =	vadd.f32 v4, v2  }
0x10e: {  	v1 =	vadd.f32 v45, v1;
	v4 =	vld.idx.msk [tilespmem:v15+s17+$0x0], $0xffff  }
0x10f: {  	v2 =	vadd.f32 v5, v2  }
0x110: {  	v1 =	vadd.f32 v59, v1;
	v5 =	vld.idx.msk [tilespmem:v14+s17+$0x0], $0xffff  }
0x111: {  	v2 =	vadd.f32 v3, v2  }
0x112: {  	v1 =	vadd.f32 v61, v1;
	v3 =	vld.idx.msk [tilespmem:v13+s17+$0x0], $0xffff  }
0x113: {  	v2 =	vadd.f32 v4, v2  }
0x114: {  	v1 =	vadd.f32 v62, v1  }
0x115: {  	v2 =	vadd.f32 v5, v2  }
0x116: {  	v1 =	vadd.f32 v63, v1  }
0x117: {  	v2 =	vadd.f32 v3, v2  }
0x118: {  	[tilespmem:$0x10810] =	vst v1  }
0x119: {  	[tilespmem:$0x10890] =	vst v2  }
0x11a: {  	s25 =	simm.s32 $0x0;
	s31 =	simm.s32 $0x0;
	_ =	swait.ge [sflag:s19], $0x4000  }
0x11b: {  	s26 =	sand.u32 $0x3FFFFC00, s31;
	s28 =	sand.u32 $0x70, s25;
	[sflag:s19] =	ssyncset.done $0x0  }
0x11c: {  	s26 =	sor.u32 s28, s26;
	[sflag:s19] =	ssyncadd.s32 $0xFFFFC000  }
0x11d: {  	v37 =	vld [tilespmem:s26+$0xAB80]  }
0x11e: {  	s29 =	simm.s32 $0x0;
	v18 =	vld [tilespmem:s26+$0x8B80]  }
0x11f: {  	v46 =	vimm.f32 $0.0e+00;
	v39 =	vimm.f32 $0.0e+00;
	s29 =	sand.u32 $0xFFFFFF00, s29;
	v35 =	vimm.f32 $0.0e+00;
	v1 =	vld [tilespmem:s26+$0x8880]  }
0x120: {  	s28 =	sor.u32 s28, s29;
	v25 =	vimm.f32 $0.0e+00;
	v30 =	vimm.f32 $0.0e+00;
	v33 =	vimm.f32 $0.0e+00;
	v2 =	vld [tilespmem:s26+$0x8800]  }
0x121: {  	v48 =	vimm.f32 $0.0e+00;
	v34 =	vimm.f32 $0.0e+00;
	v26 =	vimm.f32 $0.0e+00;
	v16 =	vld [tilespmem:s28+$0x80]  }
0x122: {  	v29 =	vimm.f32 $0.0e+00;
	v27 =	vimm.f32 $0.0e+00;
	v19 =	vimm.f32 $0.0e+00;
	v38 =	vld [tilespmem:s28+$0x0]  }
0x123: {  	v22 =	vimm.f32 $0.0e+00;
	v23 =	vimm.f32 $0.0e+00;
	v51 =	vimm.f32 $0.0e+00;
	v47 =	vld [tilespmem:s26+$0x8980]  }
0x124: {  	v52 =	vimm.f32 $0.0e+00;
	v50 =	vimm.f32 $0.0e+00;
	v40 =	vimm.f32 $0.0e+00;
	v4 =	vld [tilespmem:s26+$0x8A00]  }
0x125: {  	v54 =	vimm.f32 $0.0e+00;
	v55 =	vimm.f32 $0.0e+00;
	v44 =	vimm.f32 $0.0e+00;
	v41 =	vld [tilespmem:s26+$0xAB00]  }
0x126: {  	v56 =	vimm.f32 $0.0e+00;
	v58 =	vimm.f32 $0.0e+00;
	v43 =	vld [tilespmem:s26+$0x8900];
	v5 =	vmul.f32 v2, v16  }
0x127: {  	v59 =	vimm.f32 $0.0e+00;
	v31 =	vld [tilespmem:s26+$0xA900];
	v28 =	vmul.f32 v1, v16;
	v3 =	vmul.f32 v2, v38  }
0x128: {  	v61 =	vimm.f32 $0.0e+00;
	v60 =	vld [tilespmem:s26+$0x8A80];
	v2 =	vmul.f32 v37, v16;
	v1 =	vmul.f32 v1, v38  }
0x129: {  	v63 =	vimm.f32 $0.0e+00;
	v62 =	vmul.f32 v18, v38;
	v6 =	vmul.f32 v47, v16  }
0x12a: {  	v42 =	vld [tilespmem:s26+$0xAA80];
	v32 =	vmul.f32 v41, v16;
	v17 =	vadd.f32 v2, v44;
	v2 =	vmul.f32 v4, v38  }
0x12b: {  	v53 =	vld [tilespmem:s26+$0x8B00];
	v57 =	vmul.f32 v4, v16;
	v20 =	vadd.f32 v5, v44;
	v5 =	vmul.f32 v43, v16  }
0x12c: {  	v49 =	vadd.f32 v1, v44;
	v1 =	vmul.f32 v31, v38;
	v45 =	vadd.f32 v2, v44;
	v2 =	vld [tilespmem:s26+$0xA800]  }
0x12d: {  	s29 =	simm.s32 $0x1;
	v36 =	vld [tilespmem:s26+$0xA880];
	v21 =	vadd.f32 v6, v44;
	v4 =	vmul.f32 v60, v38;
	v24 =	vadd.f32 v5, v44  }
.LBB2_6:
0x12e: {  	s28 =	smov.u32 s29  }
0x12f: {  	s30 =	sshll.u32 s29, $0x7;
	v44 =	vadd.f32 v3, v44;
	v3 =	vmul.f32 v60, v16;
	v5 =	vmul.f32 v37, v38;
	s25 =	sadd.s32 $0x10, s25;
	s28 =	sadd.s32 $0x1, s29  }
0x130: {  	p0 =	sne.s32 s29, $0x3F;
	v7 =	vmul.f32 v42, v16;
	s31 =	sshra.s32 s30, $0x2;
	s30 =	sand.u32 $0x3FFFFC00, s30;
	v54 =	vadd.f32 v4, v54;
	v4 =	vmul.f32 v53, v16;
	v6 =	vld [tilespmem:s26+$0xA980]  }
0x131: {  	s29 =	sand.u32 $0x70, s25;
	s31 =	sand.u32 $0xFFFFFF00, s31;
	v29 =	vadd.f32 v3, v29;
	v3 =	vmul.f32 v18, v16;
	v8 =	vmul.f32 v2, v38;
	v60 =	vld [tilespmem:s26+$0xAA00]  }
0x132: {  	v47 =	vmul.f32 v47, v38;
	v2 =	vmul.f32 v2, v16;
	v40 =	vadd.f32 v5, v40;
	s31 =	sor.u32 s29, s31;
	s26 =	sor.u32 s29, s30  }
0x133: {  	v5 =	vmul.f32 v36, v16;
	v27 =	vadd.f32 v4, v27;
	v4 =	vmul.f32 v36, v38;
	v37 =	vld [tilespmem:s26+$0xAB80]  }
0x134: {  	v59 =	vadd.f32 v47, v59;
	v25 =	vadd.f32 v2, v25;
	v2 =	vmul.f32 v31, v16;
	v18 =	vld [tilespmem:s26+$0x8B80]  }
0x135: {  	v46 =	vadd.f32 v1, v46;
	v22 =	vadd.f32 v5, v22;
	v47 =	vld [tilespmem:s26+$0x8980];
	v1 =	vmul.f32 v6, v16  }
0x136: {  	v51 =	vadd.f32 v4, v51;
	v23 =	vadd.f32 v2, v23;
	v36 =	vld [tilespmem:s26+$0xA880];
	v2 =	vmul.f32 v60, v38  }
0x137: {  	v56 =	vadd.f32 v62, v56;
	v5 =	vmul.f32 v6, v38;
	v6 =	vmul.f32 v60, v16;
	v4 =	vld [tilespmem:s26+$0x8880]  }
0x138: {  	v34 =	vadd.f32 v57, v34;
	v19 =	vadd.f32 v7, v19;
	v31 =	vmul.f32 v42, v38;
	v60 =	vld [tilespmem:s26+$0x8800]  }
0x139: {  	v58 =	vadd.f32 v8, v58;
	v52 =	vadd.f32 v5, v52;
	v5 =	vmul.f32 v41, v38;
	v16 =	vld [tilespmem:s31+$0x80]  }
0x13a: {  	v8 =	vmul.f32 v43, v38;
	v48 =	vadd.f32 v31, v48;
	v50 =	vadd.f32 v2, v50;
	v7 =	vld [tilespmem:s31+$0x0]  }
0x13b: {  	v39 =	vadd.f32 v28, v39;
	v35 =	vadd.f32 v3, v35;
	v2 =	vmul.f32 v53, v38;
	v43 =	vld [tilespmem:s26+$0x8900]  }
0x13c: {  	v26 =	vadd.f32 v32, v26;
	v30 =	vadd.f32 v1, v30;
	v31 =	vld [tilespmem:s26+$0xA900]  }
0x13d: {  	v33 =	vadd.f32 v6, v33;
	v61 =	vadd.f32 v2, v61;
	v57 =	vld [tilespmem:s26+$0x8A00]  }
0x13e: {  	v55 =	vadd.f32 v5, v55;
	v1 =	vmul.f32 v60, v16;
	v28 =	vmul.f32 v4, v16;
	v41 =	vld [tilespmem:s26+$0xAB00]  }
0x13f: {  	v63 =	vadd.f32 v8, v63;
	v2 =	vmul.f32 v37, v16;
	v3 =	vmul.f32 v60, v7;
	v60 =	vld [tilespmem:s26+$0x8A80];
	v38 =	vmovc v7  }
.Ltmp2:
0x140: {  	v20 =	vadd.f32 v1, v20;
	v1 =	vmul.f32 v4, v38;
	v62 =	vmul.f32 v18, v38;
	v42 =	vld [tilespmem:s26+$0xAA80];
	(pc) =	sbr.rel @p0 .LBB2_6-.Ltmp2, $4  }
0x141: {  	v5 =	vmul.f32 v47, v16;
	v4 =	vmul.f32 v43, v16;
	v17 =	vadd.f32 v2, v17;
	v53 =	vld [tilespmem:s26+$0x8B00]  }
0x142: {  	v49 =	vadd.f32 v1, v49;
	v6 =	vmul.f32 v57, v38;
	v2 =	vld [tilespmem:s26+$0xA800];
	v1 =	vmul.f32 v31, v38  }
0x143: {  	v21 =	vadd.f32 v5, v21;
	v24 =	vadd.f32 v4, v24;
	v32 =	vmul.f32 v41, v16  }
0x144: {  	s29 =	smov.u32 s28;
	v57 =	vmul.f32 v57, v16;
	v45 =	vadd.f32 v6, v45;
	v4 =	vmul.f32 v60, v38  }
0x145: {  	v5 =	vld [tilespmem:s26+$0xA980]  }
0x146: {  	v3 =	vadd.f32 v3, v44;
	v7 =	vld [tilespmem:s26+$0xAA00];
	[tilespmem:$0x10980] =	vst v49  }
0x147: {  	v6 =	vmul.f32 v43, v38;
	v56 =	vadd.f32 v62, v56;
	[tilespmem:$0x10B00] =	vst v45  }
0x148: {  	v8 =	vmul.f32 v47, v38;
	v1 =	vadd.f32 v1, v46;
	[tilespmem:$0x10900] =	vst v3  }
0x149: {  	v6 =	vadd.f32 v6, v63;
	[tilespmem:$0x10C80] =	vst v56  }
0x14a: {  	v3 =	vadd.f32 v8, v59;
	v8 =	vmul.f32 v53, v38;
	[tilespmem:$0x10E00] =	vst v1  }
0x14b: {  	v4 =	vadd.f32 v4, v54;
	v1 =	vmul.f32 v37, v38;
	[tilespmem:$0x10A00] =	vst v6  }
0x14c: {  	[tilespmem:$0x10A80] =	vst v3;
	v3 =	vmul.f32 v2, v38;
	v6 =	vadd.f32 v8, v61  }
0x14d: {  	[tilespmem:$0x10B80] =	vst v4;
	v8 =	vmul.f32 v36, v38;
	v1 =	vadd.f32 v1, v40  }
0x14e: {  	v49 =	vld [tilespmem:$0x1FF80];
	v3 =	vadd.f32 v3, v58;
	[tilespmem:$0x10C00] =	vst v6;
	v6 =	vmul.f32 v5, v38  }
0x14f: {  	v54 =	vld [tilespmem:$0x1FFC0];
	v4 =	vadd.f32 v8, v51;
	v8 =	vmul.f32 v7, v38;
	[tilespmem:$0x11080] =	vst v1  }
0x150: {  	v56 =	vld [tilespmem:$0x1FFE0];
	[tilespmem:$0x10D00] =	vst v3;
	v3 =	vmul.f32 v42, v38;
	v6 =	vadd.f32 v6, v52  }
0x151: {  	v51 =	vld [tilespmem:$0x1FFA0];
	[tilespmem:$0x10D80] =	vst v4;
	v4 =	vmul.f32 v41, v38;
	v8 =	vadd.f32 v8, v50  }
0x152: {  	v58 =	vld [tilespmem:$0x1FFF0];
	v3 =	vadd.f32 v3, v48;
	[tilespmem:$0x10E80] =	vst v6  }
0x153: {  	v50 =	vld [tilespmem:$0x1FF90];
	v4 =	vadd.f32 v4, v55;
	[tilespmem:$0x10F00] =	vst v8  }
0x154: {  	v52 =	vld [tilespmem:$0x1FFB0];
	[tilespmem:$0x10F80] =	vst v3  }
0x155: {  	v55 =	vld [tilespmem:$0x1FFD0];
	[tilespmem:$0x11000] =	vst v4  }
0x156: {  	v1 =	vld.idx.msk [tilespmem:v0+s17+$0x0], $0xffff  }
0x157: {  	v3 =	vld.idx.msk [tilespmem:v49+s17+$0x0], $0xffff  }
0x158: {  	v37 =	vld.idx.msk [tilespmem:v54+s17+$0x0], $0xffff  }
0x159: {  	v40 =	vld.idx.msk [tilespmem:v56+s17+$0x0], $0xffff  }
0x15a: {  	v43 =	vld.idx.msk [tilespmem:v9+s17+$0x0], $0xffff  }
0x15b: {  	v44 =	vld.idx.msk [tilespmem:v10+s17+$0x0], $0xffff  }
0x15c: {  	v45 =	vld.idx.msk [tilespmem:v11+s17+$0x0], $0xffff  }
0x15d: {  	v59 =	vld.idx.msk [tilespmem:v12+s17+$0x0], $0xffff  }
0x15e: {  	v61 =	vld.idx.msk [tilespmem:v15+s17+$0x0], $0xffff  }
0x15f: {  	v62 =	vld.idx.msk [tilespmem:v14+s17+$0x0], $0xffff  }
0x160: {  	v63 =	vld.idx.msk [tilespmem:v13+s17+$0x0], $0xffff  }
0x161: {  	v6 =	vld.idx.msk [tilespmem:v51+s17+$0x0], $0xffff  }
0x162: {  	v41 =	vld.idx.msk [tilespmem:v58+s17+$0x0], $0xffff  }
0x163: {  	v4 =	vld.idx.msk [tilespmem:v50+s17+$0x0], $0xffff  }
0x164: {  	v28 =	vadd.f32 v28, v39;
	v8 =	vld.idx.msk [tilespmem:v52+s17+$0x0], $0xffff  }
0x165: {  	v38 =	vld.idx.msk [tilespmem:v55+s17+$0x0], $0xffff;
	[tilespmem:$0x10900] =	vst v20  }
0x166: {  	v18 =	vmul.f32 v18, v16;
	[tilespmem:$0x10980] =	vst v28  }
0x167: {  	v34 =	vadd.f32 v57, v34;
	v2 =	vmul.f32 v2, v16;
	[tilespmem:$0x10A00] =	vst v24  }
0x168: {  	v18 =	vadd.f32 v18, v35;
	v5 =	vmul.f32 v5, v16;
	[tilespmem:$0x10A80] =	vst v21  }
0x169: {  	v2 =	vadd.f32 v2, v25;
	v7 =	vmul.f32 v7, v16;
	[tilespmem:$0x10B00] =	vst v34  }
0x16a: {  	v5 =	vadd.f32 v5, v30;
	[tilespmem:$0x10C80] =	vst v18  }
0x16b: {  	v7 =	vadd.f32 v7, v33;
	[tilespmem:$0x10D00] =	vst v2  }
0x16c: {  	v20 =	vmul.f32 v60, v16;
	[tilespmem:$0x10E80] =	vst v5  }
0x16d: {  	v28 =	vmul.f32 v53, v16;
	v5 =	vadd.f32 v32, v26;
	[tilespmem:$0x10F00] =	vst v7  }
0x16e: {  	v2 =	vmul.f32 v42, v16;
	[tilespmem:$0x11080] =	vst v17;
	v20 =	vadd.f32 v20, v29  }
0x16f: {  	v24 =	vmul.f32 v36, v16;
	v21 =	vadd.f32 v28, v27;
	[tilespmem:$0x11000] =	vst v5  }
0x170: {  	v2 =	vadd.f32 v2, v19;
	[tilespmem:$0x10B80] =	vst v20;
	v20 =	vmul.f32 v31, v16  }
0x171: {  	[tilespmem:$0x10C00] =	vst v21;
	v21 =	vadd.f32 v24, v22  }
0x172: {  	[tilespmem:$0x10F80] =	vst v2;
	v18 =	vadd.f32 v20, v23  }
0x173: {  	[tilespmem:$0x10D80] =	vst v21  }
0x174: {  	[tilespmem:$0x10E00] =	vst v18  }
0x175: {  	v2 =	vld.idx.msk [tilespmem:v0+s17+$0x0], $0xffff  }
0x176: {  	v5 =	vld.idx.msk [tilespmem:v49+s17+$0x0], $0xffff;
	_ =	sdelay $0x1  }
0x177: {  	v7 =	vld.idx.msk [tilespmem:v50+s17+$0x0], $0xffff;
	_ =	sdelay $0x1  }
0x178: {  	v1 =	vadd.f32 v3, v1;
	v3 =	vld.idx.msk [tilespmem:v51+s17+$0x0], $0xffff  }
0x179: {  	v2 =	vadd.f32 v5, v2  }
0x17a: {  	v1 =	vadd.f32 v4, v1;
	v4 =	vld.idx.msk [tilespmem:v52+s17+$0x0], $0xffff  }
0x17b: {  	v2 =	vadd.f32 v7, v2  }
0x17c: {  	v1 =	vadd.f32 v6, v1;
	v5 =	vld.idx.msk [tilespmem:v54+s17+$0x0], $0xffff  }
0x17d: {  	v2 =	vadd.f32 v3, v2  }
0x17e: {  	v1 =	vadd.f32 v8, v1;
	v3 =	vld.idx.msk [tilespmem:v55+s17+$0x0], $0xffff  }
0x17f: {  	v2 =	vadd.f32 v4, v2  }
0x180: {  	v1 =	vadd.f32 v37, v1;
	v4 =	vld.idx.msk [tilespmem:v56+s17+$0x0], $0xffff  }
0x181: {  	v2 =	vadd.f32 v5, v2  }
0x182: {  	v1 =	vadd.f32 v38, v1;
	v5 =	vld.idx.msk [tilespmem:v58+s17+$0x0], $0xffff  }
0x183: {  	v2 =	vadd.f32 v3, v2  }
0x184: {  	v1 =	vadd.f32 v40, v1;
	v3 =	vld.idx.msk [tilespmem:v9+s17+$0x0], $0xffff  }
0x185: {  	v2 =	vadd.f32 v4, v2  }
0x186: {  	v1 =	vadd.f32 v41, v1;
	v4 =	vld.idx.msk [tilespmem:v10+s17+$0x0], $0xffff  }
0x187: {  	v2 =	vadd.f32 v5, v2  }
0x188: {  	v1 =	vadd.f32 v43, v1;
	v5 =	vld.idx.msk [tilespmem:v11+s17+$0x0], $0xffff  }
0x189: {  	v2 =	vadd.f32 v3, v2  }
0x18a: {  	v1 =	vadd.f32 v44, v1;
	v3 =	vld.idx.msk [tilespmem:v12+s17+$0x0], $0xffff  }
0x18b: {  	v2 =	vadd.f32 v4, v2  }
0x18c: {  	v1 =	vadd.f32 v45, v1;
	v4 =	vld.idx.msk [tilespmem:v15+s17+$0x0], $0xffff  }
0x18d: {  	v2 =	vadd.f32 v5, v2  }
0x18e: {  	v1 =	vadd.f32 v59, v1;
	v5 =	vld.idx.msk [tilespmem:v14+s17+$0x0], $0xffff  }
0x18f: {  	v2 =	vadd.f32 v3, v2  }
0x190: {  	v1 =	vadd.f32 v61, v1;
	v3 =	vld.idx.msk [tilespmem:v13+s17+$0x0], $0xffff  }
0x191: {  	v2 =	vadd.f32 v4, v2  }
0x192: {  	v1 =	vadd.f32 v62, v1  }
0x193: {  	v2 =	vadd.f32 v5, v2  }
0x194: {  	v1 =	vadd.f32 v63, v1  }
0x195: {  	v2 =	vadd.f32 v3, v2  }
0x196: {  	[tilespmem:$0x10820] =	vst v1  }
0x197: {  	[tilespmem:$0x108A0] =	vst v2  }
0x198: {  	s25 =	simm.s32 $0x0;
	s31 =	simm.s32 $0x0;
	_ =	swait.ge [sflag:s20], $0x4000  }
0x199: {  	s26 =	sand.u32 $0x3FFFFC00, s31;
	s28 =	sand.u32 $0x70, s25;
	[sflag:s20] =	ssyncset.done $0x0  }
0x19a: {  	s26 =	sor.u32 s28, s26;
	[sflag:s20] =	ssyncadd.s32 $0xFFFFC000  }
0x19b: {  	v37 =	vld [tilespmem:s26+$0xEB80]  }
0x19c: {  	s29 =	simm.s32 $0x0;
	v18 =	vld [tilespmem:s26+$0xCB80]  }
0x19d: {  	v39 =	vimm.f32 $0.0e+00;
	s29 =	sand.u32 $0xFFFFFF00, s29;
	v35 =	vimm.f32 $0.0e+00;
	v33 =	vimm.f32 $0.0e+00;
	v1 =	vld [tilespmem:s26+$0xC880]  }
0x19e: {  	s28 =	sor.u32 s28, s29;
	v48 =	vimm.f32 $0.0e+00;
	v34 =	vimm.f32 $0.0e+00;
	v53 =	vimm.f32 $0.0e+00;
	v2 =	vld [tilespmem:s26+$0xC800]  }
0x19f: {  	v26 =	vimm.f32 $0.0e+00;
	v29 =	vimm.f32 $0.0e+00;
	v27 =	vimm.f32 $0.0e+00;
	v16 =	vld [tilespmem:s28+$0x80]  }
0x1a0: {  	v19 =	vimm.f32 $0.0e+00;
	v24 =	vimm.f32 $0.0e+00;
	v22 =	vimm.f32 $0.0e+00;
	v38 =	vld [tilespmem:s28+$0x0]  }
0x1a1: {  	v31 =	vimm.f32 $0.0e+00;
	v21 =	vimm.f32 $0.0e+00;
	v52 =	vimm.f32 $0.0e+00;
	v47 =	vld [tilespmem:s26+$0xC980]  }
0x1a2: {  	v50 =	vimm.f32 $0.0e+00;
	v40 =	vimm.f32 $0.0e+00;
	v54 =	vimm.f32 $0.0e+00;
	v4 =	vld [tilespmem:s26+$0xCA00]  }
0x1a3: {  	v55 =	vimm.f32 $0.0e+00;
	v44 =	vimm.f32 $0.0e+00;
	v56 =	vimm.f32 $0.0e+00;
	v41 =	vld [tilespmem:s26+$0xEB00]  }
0x1a4: {  	v45 =	vimm.f32 $0.0e+00;
	v58 =	vimm.f32 $0.0e+00;
	v43 =	vld [tilespmem:s26+$0xC900];
	v5 =	vmul.f32 v2, v16  }
0x1a5: {  	v59 =	vimm.f32 $0.0e+00;
	v30 =	vld [tilespmem:s26+$0xE900];
	v28 =	vmul.f32 v1, v16;
	v3 =	vmul.f32 v2, v38  }
0x1a6: {  	v61 =	vimm.f32 $0.0e+00;
	v60 =	vld [tilespmem:s26+$0xCA80];
	v2 =	vmul.f32 v37, v16;
	v1 =	vmul.f32 v1, v38  }
0x1a7: {  	v63 =	vimm.f32 $0.0e+00;
	v62 =	vmul.f32 v18, v38;
	v6 =	vmul.f32 v47, v16  }
0x1a8: {  	v42 =	vld [tilespmem:s26+$0xEA80];
	v32 =	vmul.f32 v41, v16;
	v17 =	vadd.f32 v2, v44;
	v2 =	vmul.f32 v4, v38  }
0x1a9: {  	v51 =	vld [tilespmem:s26+$0xCB00];
	v57 =	vmul.f32 v4, v16;
	v20 =	vadd.f32 v5, v44;
	v5 =	vmul.f32 v43, v16  }
0x1aa: {  	v49 =	vadd.f32 v1, v44;
	v1 =	vmul.f32 v30, v38;
	v46 =	vadd.f32 v2, v44;
	v2 =	vld [tilespmem:s26+$0xE800]  }
0x1ab: {  	s29 =	simm.s32 $0x1;
	v36 =	vld [tilespmem:s26+$0xE880];
	v23 =	vadd.f32 v6, v44;
	v4 =	vmul.f32 v60, v38;
	v25 =	vadd.f32 v5, v44  }
.LBB2_8:
0x1ac: {  	s28 =	smov.u32 s29  }
0x1ad: {  	s30 =	sshll.u32 s29, $0x7;
	v44 =	vadd.f32 v3, v44;
	v3 =	vmul.f32 v60, v16;
	v5 =	vmul.f32 v37, v38;
	s25 =	sadd.s32 $0x10, s25;
	s28 =	sadd.s32 $0x1, s29  }
0x1ae: {  	p0 =	sne.s32 s29, $0x3F;
	v7 =	vmul.f32 v42, v16;
	s31 =	sshra.s32 s30, $0x2;
	s30 =	sand.u32 $0x3FFFFC00, s30;
	v54 =	vadd.f32 v4, v54;
	v4 =	vmul.f32 v51, v16;
	v6 =	vld [tilespmem:s26+$0xE980]  }
0x1af: {  	s29 =	sand.u32 $0x70, s25;
	s31 =	sand.u32 $0xFFFFFF00, s31;
	v29 =	vadd.f32 v3, v29;
	v3 =	vmul.f32 v18, v16;
	v8 =	vmul.f32 v2, v38;
	v60 =	vld [tilespmem:s26+$0xEA00]  }
0x1b0: {  	v47 =	vmul.f32 v47, v38;
	v2 =	vmul.f32 v2, v16;
	v40 =	vadd.f32 v5, v40;
	s31 =	sor.u32 s29, s31;
	s26 =	sor.u32 s29, s30  }
0x1b1: {  	v5 =	vmul.f32 v36, v16;
	v27 =	vadd.f32 v4, v27;
	v4 =	vmul.f32 v36, v38;
	v37 =	vld [tilespmem:s26+$0xEB80]  }
0x1b2: {  	v59 =	vadd.f32 v47, v59;
	v24 =	vadd.f32 v2, v24;
	v2 =	vmul.f32 v30, v16;
	v18 =	vld [tilespmem:s26+$0xCB80]  }
0x1b3: {  	v45 =	vadd.f32 v1, v45;
	v21 =	vadd.f32 v5, v21;
	v47 =	vld [tilespmem:s26+$0xC980];
	v1 =	vmul.f32 v6, v16  }
0x1b4: {  	v52 =	vadd.f32 v4, v52;
	v22 =	vadd.f32 v2, v22;
	v36 =	vld [tilespmem:s26+$0xE880];
	v2 =	vmul.f32 v60, v38  }
0x1b5: {  	v56 =	vadd.f32 v62, v56;
	v5 =	vmul.f32 v6, v38;
	v6 =	vmul.f32 v60, v16;
	v4 =	vld [tilespmem:s26+$0xC880]  }
0x1b6: {  	v34 =	vadd.f32 v57, v34;
	v19 =	vadd.f32 v7, v19;
	v30 =	vmul.f32 v42, v38;
	v60 =	vld [tilespmem:s26+$0xC800]  }
0x1b7: {  	v58 =	vadd.f32 v8, v58;
	v53 =	vadd.f32 v5, v53;
	v5 =	vmul.f32 v41, v38;
	v16 =	vld [tilespmem:s31+$0x80]  }
0x1b8: {  	v8 =	vmul.f32 v43, v38;
	v48 =	vadd.f32 v30, v48;
	v50 =	vadd.f32 v2, v50;
	v7 =	vld [tilespmem:s31+$0x0]  }
0x1b9: {  	v39 =	vadd.f32 v28, v39;
	v35 =	vadd.f32 v3, v35;
	v2 =	vmul.f32 v51, v38;
	v43 =	vld [tilespmem:s26+$0xC900]  }
0x1ba: {  	v26 =	vadd.f32 v32, v26;
	v31 =	vadd.f32 v1, v31;
	v30 =	vld [tilespmem:s26+$0xE900]  }
0x1bb: {  	v33 =	vadd.f32 v6, v33;
	v61 =	vadd.f32 v2, v61;
	v57 =	vld [tilespmem:s26+$0xCA00]  }
0x1bc: {  	v55 =	vadd.f32 v5, v55;
	v1 =	vmul.f32 v60, v16;
	v28 =	vmul.f32 v4, v16;
	v41 =	vld [tilespmem:s26+$0xEB00]  }
0x1bd: {  	v63 =	vadd.f32 v8, v63;
	v2 =	vmul.f32 v37, v16;
	v3 =	vmul.f32 v60, v7;
	v60 =	vld [tilespmem:s26+$0xCA80];
	v38 =	vmovc v7  }
.Ltmp3:
0x1be: {  	v20 =	vadd.f32 v1, v20;
	v1 =	vmul.f32 v4, v38;
	v62 =	vmul.f32 v18, v38;
	v42 =	vld [tilespmem:s26+$0xEA80];
	(pc) =	sbr.rel @p0 .LBB2_8-.Ltmp3, $4  }
0x1bf: {  	v5 =	vmul.f32 v47, v16;
	v4 =	vmul.f32 v43, v16;
	v17 =	vadd.f32 v2, v17;
	v51 =	vld [tilespmem:s26+$0xCB00]  }
0x1c0: {  	v49 =	vadd.f32 v1, v49;
	v6 =	vmul.f32 v57, v38;
	v2 =	vld [tilespmem:s26+$0xE800];
	v1 =	vmul.f32 v30, v38  }
0x1c1: {  	v23 =	vadd.f32 v5, v23;
	v25 =	vadd.f32 v4, v25;
	v32 =	vmul.f32 v41, v16  }
0x1c2: {  	s29 =	smov.u32 s28;
	v57 =	vmul.f32 v57, v16;
	v46 =	vadd.f32 v6, v46;
	v4 =	vmul.f32 v60, v38  }
0x1c3: {  	v5 =	vld [tilespmem:s26+$0xE980]  }
0x1c4: {  	v3 =	vadd.f32 v3, v44;
	v7 =	vld [tilespmem:s26+$0xEA00];
	[tilespmem:$0x10980] =	vst v49  }
0x1c5: {  	v6 =	vmul.f32 v43, v38;
	v1 =	vadd.f32 v1, v45;
	[tilespmem:$0x10B00] =	vst v46  }
0x1c6: {  	v8 =	vmul.f32 v47, v38;
	v4 =	vadd.f32 v4, v54;
	[tilespmem:$0x10900] =	vst v3  }
0x1c7: {  	v6 =	vadd.f32 v6, v63;
	[tilespmem:$0x10E00] =	vst v1  }
0x1c8: {  	v49 =	vmul.f32 v51, v38;
	v3 =	vadd.f32 v8, v59;
	[tilespmem:$0x10B80] =	vst v4  }
0x1c9: {  	v54 =	vmul.f32 v2, v38;
	v8 =	vadd.f32 v62, v56;
	[tilespmem:$0x10A00] =	vst v6  }
0x1ca: {  	v1 =	vmul.f32 v37, v38;
	[tilespmem:$0x10A80] =	vst v3;
	v3 =	vadd.f32 v49, v61  }
0x1cb: {  	v56 =	vmul.f32 v36, v38;
	v6 =	vadd.f32 v54, v58;
	[tilespmem:$0x10C80] =	vst v8  }
0x1cc: {  	v59 =	vmul.f32 v42, v38;
	v1 =	vadd.f32 v1, v40;
	v49 =	vld [tilespmem:$0x1FF80];
	[tilespmem:$0x10C00] =	vst v3  }
0x1cd: {  	v54 =	vld [tilespmem:$0x1FFC0];
	v58 =	vmul.f32 v5, v38;
	v3 =	vadd.f32 v56, v52;
	[tilespmem:$0x10D00] =	vst v6  }
0x1ce: {  	v8 =	vmul.f32 v7, v38;
	v6 =	vadd.f32 v59, v48;
	[tilespmem:$0x11080] =	vst v1;
	v52 =	vld [tilespmem:$0x1FFA0]  }
0x1cf: {  	v56 =	vld [tilespmem:$0x1FFE0];
	v4 =	vadd.f32 v58, v53;
	[tilespmem:$0x10D80] =	vst v3;
	v3 =	vmul.f32 v41, v38  }
0x1d0: {  	v8 =	vadd.f32 v8, v50;
	v50 =	vld [tilespmem:$0x1FF90];
	[tilespmem:$0x10F80] =	vst v6  }
0x1d1: {  	v53 =	vld [tilespmem:$0x1FFB0];
	[tilespmem:$0x10E80] =	vst v4;
	v3 =	vadd.f32 v3, v55  }
0x1d2: {  	v58 =	vld [tilespmem:$0x1FFF0];
	[tilespmem:$0x10F00] =	vst v8  }
0x1d3: {  	v55 =	vld [tilespmem:$0x1FFD0];
	[tilespmem:$0x11000] =	vst v3  }
0x1d4: {  	v1 =	vld.idx.msk [tilespmem:v0+s17+$0x0], $0xffff  }
0x1d5: {  	v3 =	vld.idx.msk [tilespmem:v49+s17+$0x0], $0xffff  }
0x1d6: {  	v37 =	vld.idx.msk [tilespmem:v54+s17+$0x0], $0xffff  }
0x1d7: {  	v43 =	vld.idx.msk [tilespmem:v9+s17+$0x0], $0xffff  }
0x1d8: {  	v44 =	vld.idx.msk [tilespmem:v10+s17+$0x0], $0xffff  }
0x1d9: {  	v45 =	vld.idx.msk [tilespmem:v11+s17+$0x0], $0xffff  }
0x1da: {  	v46 =	vld.idx.msk [tilespmem:v12+s17+$0x0], $0xffff  }
0x1db: {  	v47 =	vld.idx.msk [tilespmem:v15+s17+$0x0], $0xffff  }
0x1dc: {  	v48 =	vld.idx.msk [tilespmem:v14+s17+$0x0], $0xffff  }
0x1dd: {  	v28 =	vadd.f32 v28, v39;
	v39 =	vld.idx.msk [tilespmem:v13+s17+$0x0], $0xffff  }
0x1de: {  	v6 =	vld.idx.msk [tilespmem:v52+s17+$0x0], $0xffff  }
0x1df: {  	v40 =	vld.idx.msk [tilespmem:v56+s17+$0x0], $0xffff  }
0x1e0: {  	v4 =	vld.idx.msk [tilespmem:v50+s17+$0x0], $0xffff  }
0x1e1: {  	v8 =	vld.idx.msk [tilespmem:v53+s17+$0x0], $0xffff  }
0x1e2: {  	v41 =	vld.idx.msk [tilespmem:v58+s17+$0x0], $0xffff  }
0x1e3: {  	v38 =	vld.idx.msk [tilespmem:v55+s17+$0x0], $0xffff;
	[tilespmem:$0x10900] =	vst v20  }
0x1e4: {  	v18 =	vmul.f32 v18, v16;
	[tilespmem:$0x10980] =	vst v28  }
0x1e5: {  	v62 =	vadd.f32 v57, v34;
	v2 =	vmul.f32 v2, v16;
	[tilespmem:$0x10A00] =	vst v25  }
0x1e6: {  	v18 =	vadd.f32 v18, v35;
	v35 =	vmul.f32 v30, v16;
	[tilespmem:$0x10A80] =	vst v23  }
0x1e7: {  	v2 =	vadd.f32 v2, v24;
	v5 =	vmul.f32 v5, v16;
	[tilespmem:$0x10B00] =	vst v62  }
0x1e8: {  	v34 =	vmul.f32 v36, v16;
	v36 =	vadd.f32 v35, v22;
	[tilespmem:$0x10C80] =	vst v18  }
0x1e9: {  	v5 =	vadd.f32 v5, v31;
	[tilespmem:$0x10D00] =	vst v2  }
0x1ea: {  	v63 =	vmul.f32 v51, v16;
	v51 =	vadd.f32 v32, v26;
	v61 =	vmul.f32 v60, v16;
	[tilespmem:$0x10E00] =	vst v36  }
0x1eb: {  	[tilespmem:$0x10E80] =	vst v5  }
0x1ec: {  	v42 =	vmul.f32 v42, v16;
	v20 =	vadd.f32 v61, v29;
	[tilespmem:$0x11000] =	vst v51  }
0x1ed: {  	v29 =	vadd.f32 v63, v27;
	[tilespmem:$0x11080] =	vst v17  }
0x1ee: {  	v2 =	vmul.f32 v7, v16;
	v7 =	vadd.f32 v42, v19;
	[tilespmem:$0x10B80] =	vst v20  }
0x1ef: {  	[tilespmem:$0x10C00] =	vst v29;
	v20 =	vadd.f32 v34, v21  }
0x1f0: {  	v2 =	vadd.f32 v2, v33;
	[tilespmem:$0x10F80] =	vst v7  }
0x1f1: {  	[tilespmem:$0x10D80] =	vst v20  }
0x1f2: {  	[tilespmem:$0x10F00] =	vst v2  }
0x1f3: {  	v2 =	vld.idx.msk [tilespmem:v0+s17+$0x0], $0xffff  }
0x1f4: {  	v5 =	vld.idx.msk [tilespmem:v49+s17+$0x0], $0xffff;
	_ =	sdelay $0x1  }
0x1f5: {  	v7 =	vld.idx.msk [tilespmem:v50+s17+$0x0], $0xffff;
	_ =	sdelay $0x1  }
0x1f6: {  	v1 =	vadd.f32 v3, v1;
	v3 =	vld.idx.msk [tilespmem:v52+s17+$0x0], $0xffff  }
0x1f7: {  	v2 =	vadd.f32 v5, v2  }
0x1f8: {  	v1 =	vadd.f32 v4, v1;
	v53 =	vld.idx.msk [tilespmem:v53+s17+$0x0], $0xffff  }
0x1f9: {  	v2 =	vadd.f32 v7, v2  }
0x1fa: {  	v1 =	vadd.f32 v6, v1;
	v54 =	vld.idx.msk [tilespmem:v54+s17+$0x0], $0xffff  }
0x1fb: {  	v2 =	vadd.f32 v3, v2  }
0x1fc: {  	v1 =	vadd.f32 v8, v1;
	v3 =	vld.idx.msk [tilespmem:v55+s17+$0x0], $0xffff  }
0x1fd: {  	v2 =	vadd.f32 v53, v2  }
0x1fe: {  	v57 =	vld.idx.msk [tilespmem:v56+s17+$0x0], $0xffff;
	v1 =	vadd.f32 v37, v1  }
0x1ff: {  	v2 =	vadd.f32 v54, v2  }
0x200: {  	v59 =	vld.idx.msk [tilespmem:v58+s17+$0x0], $0xffff;
	v1 =	vadd.f32 v38, v1  }
0x201: {  	v2 =	vadd.f32 v3, v2  }
0x202: {  	v1 =	vadd.f32 v40, v1;
	v3 =	vld.idx.msk [tilespmem:v9+s17+$0x0], $0xffff  }
0x203: {  	v2 =	vadd.f32 v57, v2  }
0x204: {  	v60 =	vld.idx.msk [tilespmem:v10+s17+$0x0], $0xffff;
	v1 =	vadd.f32 v41, v1  }
0x205: {  	v2 =	vadd.f32 v59, v2  }
0x206: {  	v61 =	vld.idx.msk [tilespmem:v11+s17+$0x0], $0xffff;
	v1 =	vadd.f32 v43, v1  }
0x207: {  	v2 =	vadd.f32 v3, v2  }
0x208: {  	v1 =	vadd.f32 v44, v1;
	v3 =	vld.idx.msk [tilespmem:v12+s17+$0x0], $0xffff  }
0x209: {  	v2 =	vadd.f32 v60, v2  }
0x20a: {  	v62 =	vld.idx.msk [tilespmem:v15+s17+$0x0], $0xffff;
	v1 =	vadd.f32 v45, v1  }
0x20b: {  	v2 =	vadd.f32 v61, v2  }
0x20c: {  	v63 =	vld.idx.msk [tilespmem:v14+s17+$0x0], $0xffff;
	v1 =	vadd.f32 v46, v1  }
0x20d: {  	v2 =	vadd.f32 v3, v2  }
0x20e: {  	v1 =	vadd.f32 v47, v1;
	v3 =	vld.idx.msk [tilespmem:v13+s17+$0x0], $0xffff  }
0x20f: {  	v2 =	vadd.f32 v62, v2  }
0x210: {  	v1 =	vadd.f32 v48, v1  }
0x211: {  	v2 =	vadd.f32 v63, v2  }
0x212: {  	v1 =	vadd.f32 v39, v1  }
0x213: {  	v2 =	vadd.f32 v3, v2  }
0x214: {  	[tilespmem:$0x10830] =	vst v1  }
0x215: {  	[tilespmem:$0x108B0] =	vst v2  }
0x216: {  	[hbm4b:s8+s2] =	stream.linear.scatter [tilespmem:s21], [sflag:$0x6], $0x40, $0x38;
	[tilespmem:$0x11100] =	vst v63  }
0x217: {  	s24 =	sadd.s32 $0x1, s24;
	_ =	swait.ge [sflag:s22], $0x40  }
0x218: {  	p0 =	sne.s32 s24, s10;
	[sflag:s22] =	ssyncset.done $0x0  }
.Ltmp4:
0x219: {  	[sflag:s22] =	ssyncadd.s32 $0xFFFFFFC0;
	(pc) =	sbr.rel @p0 .LBB2_1-.Ltmp4, $4  }
0x21a: {  	[hbm4b:s9+s2] =	stream.linear.scatter [tilespmem:s23], [sflag:$0x6], $0x40, $0x38;
	[tilespmem:$0x11100] =	vst v63  }
0x21b: {  	_ =	swait.ge [sflag:s22], $0x40  }
0x21c: {  	[sflag:s22] =	ssyncset.done $0x0  }
0x21d: {  	[sflag:s22] =	ssyncadd.s32 $0xFFFFFFC0  }
0x21e: {  	_ =	sfence.sel $0x180000  }
0x21f: {  	[bflag:$0x0] =	sbarrier.arrive $0xFFFF  }
0x220: {  	p0 =	sne.s32 s1, $0x0;
	_ =	strace $0x90000047  }
0x221: {  	s0 =	sadd.s32 @!p0 $0x100000, s0;
	[bflag:$0x2] =	sbarrier.arrive $0xFFFF  }
0x222: {  	[sflag:s0] =	ssyncadd.tile.s32 @!p0 $0x1;
	_ =	shalt  }
.Lfunc_end2:
_tile_overlayer_lowered:
.L_overlay_start_2:
0x223: {  	(tag) =	ssettag $0x2  }
0x224: {  	s0 =	rddreg [dreg:$0x0];
	s2 =	stileid.u32  }
0x225: {  	s1 =	rddreg [dreg:$0x1];
	p0 =	sne.s32 s2, $0x0  }
0x226: {  	s3 =	rddreg [dreg:$0x2];
	[bflag:$0x3] =	sbarrier.arrive $0xFFFF;
	s2 =	simm.s32 @!p0 $0x1C06  }
0x227: {  	[timem:s3], [sflag:s2] =	dma.local @!p0 [hbm:s0], s1  }
0x228: {  	s0 =	simm.s32 @!p0 $0x6  }
0x229: {  	_ =	swait.ge @!p0 [sflag:s0], s1  }
0x22a: {  	s1 =	ssub.s32 @!p0 $0x0, s1;
	[sflag:s0] =	ssyncset.done @!p0 $0x0  }
0x22b: {  	[sflag:s0] =	ssyncadd.s32 @!p0 s1  }
0x22c: {  	[bflag:$0x3] =	sbarrier.arrive $0xFFFF  }
0x22d: {  	_ =	shalt  }

</sc_bundles>
